<compile_context>
chip_gen: v7x
topology: tpu7x:2x2x1
jax: 0.10.2.dev20260603
libtpu: 0.0.44.dev20260713+nightly
codegen_flags: <defaults>
</compile_context>

<pallas_src>
import functools

import jax
import jax.numpy as jnp
from jax import lax
from jax.experimental import pallas as pl
from jax.experimental.pallas import tpu as pltpu
from jax.experimental.pallas import tpu_sc as plsc

N_NODES = 10000
N_EDGES = 320000
D = 128
L = 16

NC = 2
NS = 16
NW = NC * NS

CHUNK = 128
RING = 4
E_PAD = 327680
STEPS = E_PAD // (NW * CHUNK)
EW = E_PAD // NW
N_PAD = 10240
ROWS_PER_TILE = N_PAD // NS
CROWS = N_PAD // CHUNK
CROWS_PER_TILE = CROWS // NS

ROW_BLOCK = 2000


def _dotT(a, w):
    return lax.dot_general(a, w, (((1,), (1,)), ((), ())),
                           preferred_element_type=jnp.float32)



def _tc1_body(x_ref, wl_ref, wr_ref, br_ref, y_ref, z_ref):
    x = x_ref[...]
    y_ref[...] = _dotT(x, wl_ref[...])
    z_ref[...] = _dotT(x, wr_ref[...]) + br_ref[...]


def _tc2_body(acc_ref, cnt_ref, z1_ref, wl2_ref, bl2_ref, wr2_ref,
              y2_ref, z2_ref):
    a = (acc_ref[0].astype(jnp.float32)
         + acc_ref[1].astype(jnp.float32))
    cnt = (cnt_ref[0] + cnt_ref[1])
    rinv = 1.0 / jnp.maximum(cnt, 1.0)
    h = jnp.maximum(a * rinv + z1_ref[...], 0.0)
    y2_ref[...] = _dotT(h, wl2_ref[...])
    z2_ref[...] = _dotT(h, wr2_ref[...]) + bl2_ref[...]


def _tc3_body(acc_ref, cnt_ref, z2_ref, out_ref):
    a = (acc_ref[0].astype(jnp.float32)
         + acc_ref[1].astype(jnp.float32))
    rinv = 1.0 / jnp.maximum(cnt_ref[0] + cnt_ref[1], 1.0)
    out_ref[...] = a * rinv + z2_ref[...]


def _tc1(x, w_l, w_r, b_r):
    grid = (N_NODES // ROW_BLOCK,)
    return pl.pallas_call(
        _tc1_body,
        grid=grid,
        in_specs=[
            pl.BlockSpec((ROW_BLOCK, D), lambda i: (i, 0)),
            pl.BlockSpec((D, D), lambda i: (0, 0)),
            pl.BlockSpec((D, D), lambda i: (0, 0)),
            pl.BlockSpec((1, D), lambda i: (0, 0)),
        ],
        out_specs=[
            pl.BlockSpec((ROW_BLOCK, D), lambda i: (i, 0)),
            pl.BlockSpec((ROW_BLOCK, D), lambda i: (i, 0)),
        ],
        out_shape=[
            jax.ShapeDtypeStruct((N_NODES, D), jnp.float32),
            jax.ShapeDtypeStruct((N_NODES, D), jnp.float32),
        ],
    )(x, w_l, w_r, b_r)


def _tc2(acc1, cnt, z1, w_l2, b_l2, w_r2):
    grid = (N_NODES // ROW_BLOCK,)
    return pl.pallas_call(
        _tc2_body,
        grid=grid,
        in_specs=[
            pl.BlockSpec((NC, ROW_BLOCK, D), lambda i: (0, i, 0)),
            pl.BlockSpec((NC, ROW_BLOCK, 1), lambda i: (0, i, 0)),
            pl.BlockSpec((ROW_BLOCK, D), lambda i: (i, 0)),
            pl.BlockSpec((D, D), lambda i: (0, 0)),
            pl.BlockSpec((1, D), lambda i: (0, 0)),
            pl.BlockSpec((D, D), lambda i: (0, 0)),
        ],
        out_specs=[
            pl.BlockSpec((ROW_BLOCK, D), lambda i: (i, 0)),
            pl.BlockSpec((ROW_BLOCK, D), lambda i: (i, 0)),
        ],
        out_shape=[
            jax.ShapeDtypeStruct((N_NODES, D), jnp.float32),
            jax.ShapeDtypeStruct((N_NODES, D), jnp.float32),
        ],
    )(acc1, cnt, z1, w_l2, b_l2, w_r2)


def _tc3(acc2, cnt, z2):
    grid = (N_NODES // ROW_BLOCK,)
    return pl.pallas_call(
        _tc3_body,
        grid=grid,
        in_specs=[
            pl.BlockSpec((NC, ROW_BLOCK, D), lambda i: (0, i, 0)),
            pl.BlockSpec((NC, ROW_BLOCK, 1), lambda i: (0, i, 0)),
            pl.BlockSpec((ROW_BLOCK, D), lambda i: (i, 0)),
        ],
        out_specs=pl.BlockSpec((ROW_BLOCK, D), lambda i: (i, 0)),
        out_shape=jax.ShapeDtypeStruct((N_NODES, D), jnp.float32),
    )(acc2, cnt, z2)



def _make_sc_scatter(with_count):
    mesh = plsc.VectorSubcoreMesh(core_axis_name="c", subcore_axis_name="s",
                                  num_cores=NC, num_subcores=NS)

    out_type = [jax.ShapeDtypeStruct((NC, N_PAD, D), jnp.float32)]
    scratch = [
        pltpu.VMEM((RING, CHUNK), jnp.int32),
        pltpu.VMEM((RING, CHUNK), jnp.int32),
        pltpu.VMEM((CHUNK, D), jnp.float32),
        pltpu.VMEM((CHUNK, D), jnp.float32),
        pltpu.VMEM_SHARED((N_PAD, D), jnp.float32),
        pltpu.SemaphoreType.DMA,
        pltpu.SemaphoreType.DMA,
        pltpu.SemaphoreType.DMA,
        pltpu.SemaphoreType.DMA,
    ]
    if with_count:
        out_type.append(jax.ShapeDtypeStruct((NC, CROWS, CHUNK), jnp.float32))
        scratch += [
            pltpu.VMEM((CROWS, CHUNK), jnp.float32),
            pltpu.VMEM((CROWS,), jnp.int32),
            pltpu.VMEM_SHARED((CROWS, CHUNK), jnp.float32),
        ]

    @functools.partial(
        pl.kernel, out_type=out_type, mesh=mesh, scratch_types=scratch,
        compiler_params=pltpu.CompilerParams(needs_layout_passes=False))
    def sc_kernel(y_hbm, src_hbm, dst_hbm, zeros_hbm, zf_hbm, *refs):
        if with_count:
            (out_hbm, cnt_hbm, src_r, dst_r, rows_v0, rows_v1, acc,
             gsem0, gsem1, ssem, dsem, hist_v, iden_v, hist_sh) = refs
        else:
            (out_hbm, src_r, dst_r, rows_v0, rows_v1, acc,
             gsem0, gsem1, ssem, dsem) = refs

        c = lax.axis_index("c")
        s = lax.axis_index("s")
        wid = s * NC + c
        base = wid * EW

        pltpu.sync_copy(zeros_hbm,
                        acc.at[pl.ds(s * ROWS_PER_TILE, ROWS_PER_TILE)])
        if with_count:
            @pl.when(s == 0)
            def _():
                pltpu.sync_copy(zf_hbm, hist_sh)
            pltpu.sync_copy(zf_hbm, hist_v)
            for g in range(CROWS // L):
                iden_v[pl.ds(g * L, L)] = lax.iota(jnp.int32, L) + g * L
        plsc.subcore_barrier()

        def start_idx(j, slot):
            off = base + j * CHUNK
            pltpu.async_copy(src_hbm.at[pl.ds(off, CHUNK)],
                             src_r.at[slot], ssem)
            pltpu.async_copy(dst_hbm.at[pl.ds(off, CHUNK)],
                             dst_r.at[slot], dsem)

        def wait_idx():
            pltpu.make_async_copy(src_hbm.at[pl.ds(0, CHUNK)],
                                  src_r.at[0], ssem).wait()
            pltpu.make_async_copy(dst_hbm.at[pl.ds(0, CHUNK)],
                                  dst_r.at[0], dsem).wait()

        def start_gather(slot, buf, sem):
            pltpu.async_copy(y_hbm.at[src_r.at[slot]], buf, sem)

        def wait_gather(buf, sem):
            pltpu.make_async_copy(y_hbm.at[src_r.at[0]], buf, sem).wait()

        def hist_update(slot):
            for g in range(CHUNK // L):
                d16 = dst_r[slot, pl.ds(g * L, L)]
                counts, last = plsc.scan_count(d16)
                plsc.addupdate_scatter(
                    hist_v,
                    [lax.shift_right_logical(d16, 7),
                     lax.bitwise_and(d16, 127)],
                    counts.astype(jnp.float32), mask=last)

        def half_step(j, buf, sem):
            slot = lax.rem(j, RING)
            wait_idx()
            wait_gather(buf, sem)
            pltpu.sync_copy(buf, acc.at[dst_r.at[slot]], add=True)
            start_gather(lax.rem(j + 2, RING), buf, sem)
            if with_count:
                hist_update(slot)
            start_idx(jnp.minimum(j + RING, STEPS - 1), slot)

        for t in range(RING):
            start_idx(t, t)
        wait_idx()
        wait_idx()
        start_gather(0, rows_v0, gsem0)
        start_gather(1, rows_v1, gsem1)

        def step(i, carry):
            half_step(2 * i, rows_v0, gsem0)
            half_step(2 * i + 1, rows_v1, gsem1)
            return carry

        lax.fori_loop(0, STEPS // 2, step, 0)
        wait_gather(rows_v0, gsem0)
        wait_gather(rows_v1, gsem1)
        wait_idx()
        wait_idx()

        if with_count:
            pltpu.sync_copy(hist_v, hist_sh.at[iden_v], add=True)
        plsc.subcore_barrier()

        pltpu.sync_copy(
            acc.at[pl.ds(s * ROWS_PER_TILE, ROWS_PER_TILE)],
            out_hbm.at[c].at[pl.ds(s * ROWS_PER_TILE, ROWS_PER_TILE)])
        if with_count:
            @pl.when(s == 0)
            def _():
                pltpu.sync_copy(hist_sh, cnt_hbm.at[c])

    return sc_kernel


_sc_scatter_l1 = _make_sc_scatter(True)
_sc_scatter_l2 = _make_sc_scatter(False)



@jax.jit
def kernel(x_dict, edge_index, W_l1, b_l1, W_r1, W_l2, b_l2, W_r2):
    x = x_dict
    n_fill = E_PAD - N_EDGES
    fill = jnp.arange(n_fill, dtype=jnp.int32)
    src = jnp.concatenate([edge_index[0], fill % N_NODES])
    dst = jnp.concatenate([edge_index[1], N_NODES + fill % (N_PAD - N_NODES)])

    y1, z1 = _tc1(x, W_l1, W_r1, b_l1.reshape(1, D))

    zeros = jnp.zeros((ROWS_PER_TILE, D), jnp.float32)
    zf = jnp.zeros((CROWS, CHUNK), jnp.float32)
    acc1, cnt2d = _sc_scatter_l1(y1, src, dst, zeros, zf)
    cnt = cnt2d.reshape(NC, N_PAD, 1)

    y2, z2 = _tc2(acc1, cnt, z1, W_l2, b_l2.reshape(1, D), W_r2)

    acc2, = _sc_scatter_l2(y2, src, dst, zeros, zf)

    return _tc3(acc2, cnt, z2)

# --- scband reference (transcript-rebuilt; emitter-appended) ---
"""Pipeline reference for scband-sageconv-encoder-29807073034302 (READ-ONLY COPY).

The authoritative reference and input builder live on the scoring server;
editing this copy changes nothing except your own understanding.
"""

import jax, jax.numpy as jnp
import numpy as np

N = 10000
E = 320000
D = 128
H = 128
OUT = 128


def setup_inputs(seed: int = 0) -> dict:
    key = jax.random.key(seed)
    ks = jax.random.split(key, 10)
    x = jax.random.normal(ks[0], (N, D), dtype=jnp.float32)
    edge_index = jax.random.randint(ks[1], (2, E), 0, N, dtype=jnp.int32)
    s = 1.0 / np.sqrt(D)
    # Layer 1 (SAGEConv -> hidden): lin_l (neighbor agg, with bias), lin_r (root, no bias)
    W_l1 = jax.random.uniform(ks[2], (H, D), dtype=jnp.float32, minval=-s, maxval=s)
    b_l1 = jax.random.uniform(ks[3], (H,), dtype=jnp.float32, minval=-s, maxval=s)
    W_r1 = jax.random.uniform(ks[4], (H, D), dtype=jnp.float32, minval=-s, maxval=s)
    s2 = 1.0 / np.sqrt(H)
    # Layer 2 (SAGEConv -> out)
    W_l2 = jax.random.uniform(ks[5], (OUT, H), dtype=jnp.float32, minval=-s2, maxval=s2)
    b_l2 = jax.random.uniform(ks[6], (OUT,), dtype=jnp.float32, minval=-s2, maxval=s2)
    W_r2 = jax.random.uniform(ks[7], (OUT, H), dtype=jnp.float32, minval=-s2, maxval=s2)
    return {"x_dict": x, "edge_index": edge_index,
            "W_l1": W_l1, "b_l1": b_l1, "W_r1": W_r1,
            "W_l2": W_l2, "b_l2": b_l2, "W_r2": W_r2}


def _sage_conv(x, edge_index, W_l, b_l, W_r):
    # PyG SAGEConv with aggr='mean', root_weight=True, normalize=False:
    #   out = lin_l(mean_{j in N(i)} x_j) + lin_r(x_i)
    src = edge_index[0]
    dst = edge_index[1]
    msg = jnp.take(x, src, axis=0)                       # gather  [E, d]
    summed = jax.ops.segment_sum(msg, dst, num_segments=N)  # scatter-add [N, d]
    cnt = jax.ops.segment_sum(jnp.ones((E,), dtype=x.dtype), dst, num_segments=N)
    mean = summed / jnp.clip(cnt, 1.0, None)[:, None]
    return mean @ W_l.T + b_l + x @ W_r.T


def reference(x_dict, edge_index, W_l1, b_l1, W_r1, W_l2, b_l2, W_r2):
    h = _sage_conv(x_dict, edge_index, W_l1, b_l1, W_r1)
    h = jax.nn.relu(h)
    out = _sage_conv(h, edge_index, W_l2, b_l2, W_r2)
    return out

if __name__ == "__main__":
    import jax
    _d = setup_inputs()
    print(jax.jit(kernel)(*tuple(_d.values())))

</pallas_src>

<mosaic_0001>
#map = affine_map<(d0, d1) -> (0, 0)>
#map1 = affine_map<(d0, d1) -> (0)>
#map2 = affine_map<(d0, d1) -> (0, 0, 0)>
module attributes {stable_mosaic.version = 14 : i64} {
  func.func @sc_kernel(%arg0: i32, %arg1: i32, %arg2: memref<10000x128xf32, #tpu.memory_space<hbm>>, %arg3: memref<327680xi32, #tpu.memory_space<hbm>>, %arg4: memref<327680xi32, #tpu.memory_space<hbm>>, %arg5: memref<640x128xf32, #tpu.memory_space<hbm>>, %arg6: memref<80x128xf32, #tpu.memory_space<hbm>>, %arg7: memref<2x10240x128xf32, #tpu.memory_space<hbm>>, %arg8: memref<4x128xi32, #tpu.memory_space<vmem>>, %arg9: memref<4x128xi32, #tpu.memory_space<vmem>>, %arg10: memref<128x128xf32, #tpu.memory_space<vmem>>, %arg11: memref<128x128xf32, #tpu.memory_space<vmem>>, %arg12: memref<10240x128xf32, #tpu.memory_space<vmem_shared>>, %arg13: memref<!tpu.dma_semaphore, #tpu.memory_space<semaphore_mem>>, %arg14: memref<!tpu.dma_semaphore, #tpu.memory_space<semaphore_mem>>, %arg15: memref<!tpu.dma_semaphore, #tpu.memory_space<semaphore_mem>>, %arg16: memref<!tpu.dma_semaphore, #tpu.memory_space<semaphore_mem>>) attributes {dimension_semantics = [#tpu.dimension_semantics<core_parallel>, #tpu.dimension_semantics<subcore_parallel>], iteration_bounds = array<i64: 2, 16>, scalar_prefetch = 0 : i64, scratch_operands = 9 : i64, tpu.core_type = #tpu.core_type<sc_vector_subcore>, window_params = [{transform_indices = #map}, {transform_indices = #map1}, {transform_indices = #map1}, {transform_indices = #map}, {transform_indices = #map}, {transform_indices = #map2}]} {
    %mul3A = arith.constant 2 : i32
    %mul3A_0 = arith.muli %arg1, %mul3A : i32
    %add3A = arith.addi %mul3A_0, %arg0 : i32
    %mul3A_1 = arith.constant 10240 : i32
    %mul3A_2 = arith.muli %add3A, %mul3A_1 : i32
    %mul3A_3 = arith.constant 640 : i32
    %mul3A_4 = arith.muli %arg1, %mul3A_3 : i32
    "tpu.region"() ({
      %run_scoped3A = tpu.sem_alloc : memref<!tpu.dma_semaphore, #tpu.memory_space<semaphore_mem>>
      %dma_start3A_209 = arith.constant 0 : i32
      %dma_start3A_210 = tpu.memref_slice %arg12[%mul3A_4, %dma_start3A_209] : memref<10240x128xf32, #tpu.memory_space<vmem_shared>> -> memref<640x128xf32, #tpu.memory_space<vmem_shared>>
      tpu.enqueue_dma source(%arg5 : memref<640x128xf32, #tpu.memory_space<hbm>>) target(%dma_start3A_210 : memref<640x128xf32, #tpu.memory_space<vmem_shared>>) target_semaphore(%run_scoped3A : memref<!tpu.dma_semaphore, #tpu.memory_space<semaphore_mem>>)
      %dma_wait3A_211 = arith.constant 0 : i32
      %dma_wait3A_212 = tpu.memref_slice %arg12[%mul3A_4, %dma_wait3A_211] : memref<10240x128xf32, #tpu.memory_space<vmem_shared>> -> memref<640x128xf32, #tpu.memory_space<vmem_shared>>
      tpu.wait_dma2 semaphore(%run_scoped3A : memref<!tpu.dma_semaphore, #tpu.memory_space<semaphore_mem>>) src(%arg5 : memref<640x128xf32, #tpu.memory_space<hbm>>) dst(%dma_wait3A_212 : memref<640x128xf32, #tpu.memory_space<vmem_shared>>)
      tpu.yield
    }) : () -> ()
    %barrier3A = arith.constant 0 : index
    tpu.barrier barrier_id(%barrier3A)
    %add3A_5 = arith.constant 0 : i32
    %add3A_6 = arith.addi %mul3A_2, %add3A_5 : i32
    %dma_start3A = arith.constant 0 : i32
    %dma_start3A_7 = arith.constant 0 : i32
    %dma_start3A_8 = tpu.memref_slice %arg8[%dma_start3A, %dma_start3A_7] : memref<4x128xi32, #tpu.memory_space<vmem>> -> memref<1x128xi32, #tpu.memory_space<vmem>>
    %dma_start3A_9 = tpu.memref_squeeze %dma_start3A_8 : memref<1x128xi32, #tpu.memory_space<vmem>> -> memref<128xi32, #tpu.memory_space<vmem>>
    %dma_start3A_10 = tpu.memref_slice %arg3[%add3A_6] : memref<327680xi32, #tpu.memory_space<hbm>> -> memref<128xi32, #tpu.memory_space<hbm>>
    %dma_start3A_11 = arith.constant 0 : i32
    %dma_start3A_12 = tpu.memref_slice %arg8[%dma_start3A, %dma_start3A_11] : memref<4x128xi32, #tpu.memory_space<vmem>> -> memref<1x128xi32, #tpu.memory_space<vmem>>
    %dma_start3A_13 = tpu.memref_squeeze %dma_start3A_12 : memref<1x128xi32, #tpu.memory_space<vmem>> -> memref<128xi32, #tpu.memory_space<vmem>>
    %dma_start3A_14 = tpu.memref_slice %arg3[%add3A_6] : memref<327680xi32, #tpu.memory_space<hbm>> -> memref<128xi32, #tpu.memory_space<hbm>>
    tpu.enqueue_dma source(%dma_start3A_14 : memref<128xi32, #tpu.memory_space<hbm>>) target(%dma_start3A_13 : memref<128xi32, #tpu.memory_space<vmem>>) target_semaphore(%arg15 : memref<!tpu.dma_semaphore, #tpu.memory_space<semaphore_mem>>)
    %dma_start3A_15 = arith.constant 0 : i32
    %dma_start3A_16 = arith.constant 0 : i32
    %dma_start3A_17 = tpu.memref_slice %arg9[%dma_start3A_15, %dma_start3A_16] : memref<4x128xi32, #tpu.memory_space<vmem>> -> memref<1x128xi32, #tpu.memory_space<vmem>>
    %dma_start3A_18 = tpu.memref_squeeze %dma_start3A_17 : memref<1x128xi32, #tpu.memory_space<vmem>> -> memref<128xi32, #tpu.memory_space<vmem>>
    %dma_start3A_19 = tpu.memref_slice %arg4[%add3A_6] : memref<327680xi32, #tpu.memory_space<hbm>> -> memref<128xi32, #tpu.memory_space<hbm>>
    %dma_start3A_20 = arith.constant 0 : i32
    %dma_start3A_21 = tpu.memref_slice %arg9[%dma_start3A_15, %dma_start3A_20] : memref<4x128xi32, #tpu.memory_space<vmem>> -> memref<1x128xi32, #tpu.memory_space<vmem>>
    %dma_start3A_22 = tpu.memref_squeeze %dma_start3A_21 : memref<1x128xi32, #tpu.memory_space<vmem>> -> memref<128xi32, #tpu.memory_space<vmem>>
    %dma_start3A_23 = tpu.memref_slice %arg4[%add3A_6] : memref<327680xi32, #tpu.memory_space<hbm>> -> memref<128xi32, #tpu.memory_space<hbm>>
    tpu.enqueue_dma source(%dma_start3A_23 : memref<128xi32, #tpu.memory_space<hbm>>) target(%dma_start3A_22 : memref<128xi32, #tpu.memory_space<vmem>>) target_semaphore(%arg16 : memref<!tpu.dma_semaphore, #tpu.memory_space<semaphore_mem>>)
    %add3A_24 = arith.constant 128 : i32
    %add3A_25 = arith.addi %mul3A_2, %add3A_24 : i32
    %dma_start3A_26 = arith.constant 1 : i32
    %dma_start3A_27 = arith.constant 0 : i32
    %dma_start3A_28 = tpu.memref_slice %arg8[%dma_start3A_26, %dma_start3A_27] : memref<4x128xi32, #tpu.memory_space<vmem>> -> memref<1x128xi32, #tpu.memory_space<vmem>>
    %dma_start3A_29 = tpu.memref_squeeze %dma_start3A_28 : memref<1x128xi32, #tpu.memory_space<vmem>> -> memref<128xi32, #tpu.memory_space<vmem>>
    %dma_start3A_30 = tpu.memref_slice %arg3[%add3A_25] : memref<327680xi32, #tpu.memory_space<hbm>> -> memref<128xi32, #tpu.memory_space<hbm>>
    %dma_start3A_31 = arith.constant 0 : i32
    %dma_start3A_32 = tpu.memref_slice %arg8[%dma_start3A_26, %dma_start3A_31] : memref<4x128xi32, #tpu.memory_space<vmem>> -> memref<1x128xi32, #tpu.memory_space<vmem>>
    %dma_start3A_33 = tpu.memref_squeeze %dma_start3A_32 : memref<1x128xi32, #tpu.memory_space<vmem>> -> memref<128xi32, #tpu.memory_space<vmem>>
    %dma_start3A_34 = tpu.memref_slice %arg3[%add3A_25] : memref<327680xi32, #tpu.memory_space<hbm>> -> memref<128xi32, #tpu.memory_space<hbm>>
    tpu.enqueue_dma source(%dma_start3A_34 : memref<128xi32, #tpu.memory_space<hbm>>) target(%dma_start3A_33 : memref<128xi32, #tpu.memory_space<vmem>>) target_semaphore(%arg15 : memref<!tpu.dma_semaphore, #tpu.memory_space<semaphore_mem>>)
    %dma_start3A_35 = arith.constant 1 : i32
    %dma_start3A_36 = arith.constant 0 : i32
    %dma_start3A_37 = tpu.memref_slice %arg9[%dma_start3A_35, %dma_start3A_36] : memref<4x128xi32, #tpu.memory_space<vmem>> -> memref<1x128xi32, #tpu.memory_space<vmem>>
    %dma_start3A_38 = tpu.memref_squeeze %dma_start3A_37 : memref<1x128xi32, #tpu.memory_space<vmem>> -> memref<128xi32, #tpu.memory_space<vmem>>
    %dma_start3A_39 = tpu.memref_slice %arg4[%add3A_25] : memref<327680xi32, #tpu.memory_space<hbm>> -> memref<128xi32, #tpu.memory_space<hbm>>
    %dma_start3A_40 = arith.constant 0 : i32
    %dma_start3A_41 = tpu.memref_slice %arg9[%dma_start3A_35, %dma_start3A_40] : memref<4x128xi32, #tpu.memory_space<vmem>> -> memref<1x128xi32, #tpu.memory_space<vmem>>
    %dma_start3A_42 = tpu.memref_squeeze %dma_start3A_41 : memref<1x128xi32, #tpu.memory_space<vmem>> -> memref<128xi32, #tpu.memory_space<vmem>>
    %dma_start3A_43 = tpu.memref_slice %arg4[%add3A_25] : memref<327680xi32, #tpu.memory_space<hbm>> -> memref<128xi32, #tpu.memory_space<hbm>>
    tpu.enqueue_dma source(%dma_start3A_43 : memref<128xi32, #tpu.memory_space<hbm>>) target(%dma_start3A_42 : memref<128xi32, #tpu.memory_space<vmem>>) target_semaphore(%arg16 : memref<!tpu.dma_semaphore, #tpu.memory_space<semaphore_mem>>)
    %add3A_44 = arith.constant 256 : i32
    %add3A_45 = arith.addi %mul3A_2, %add3A_44 : i32
    %dma_start3A_46 = arith.constant 2 : i32
    %dma_start3A_47 = arith.constant 0 : i32
    %dma_start3A_48 = tpu.memref_slice %arg8[%dma_start3A_46, %dma_start3A_47] : memref<4x128xi32, #tpu.memory_space<vmem>> -> memref<1x128xi32, #tpu.memory_space<vmem>>
    %dma_start3A_49 = tpu.memref_squeeze %dma_start3A_48 : memref<1x128xi32, #tpu.memory_space<vmem>> -> memref<128xi32, #tpu.memory_space<vmem>>
    %dma_start3A_50 = tpu.memref_slice %arg3[%add3A_45] : memref<327680xi32, #tpu.memory_space<hbm>> -> memref<128xi32, #tpu.memory_space<hbm>>
    %dma_start3A_51 = arith.constant 0 : i32
    %dma_start3A_52 = tpu.memref_slice %arg8[%dma_start3A_46, %dma_start3A_51] : memref<4x128xi32, #tpu.memory_space<vmem>> -> memref<1x128xi32, #tpu.memory_space<vmem>>
    %dma_start3A_53 = tpu.memref_squeeze %dma_start3A_52 : memref<1x128xi32, #tpu.memory_space<vmem>> -> memref<128xi32, #tpu.memory_space<vmem>>
    %dma_start3A_54 = tpu.memref_slice %arg3[%add3A_45] : memref<327680xi32, #tpu.memory_space<hbm>> -> memref<128xi32, #tpu.memory_space<hbm>>
    tpu.enqueue_dma source(%dma_start3A_54 : memref<128xi32, #tpu.memory_space<hbm>>) target(%dma_start3A_53 : memref<128xi32, #tpu.memory_space<vmem>>) target_semaphore(%arg15 : memref<!tpu.dma_semaphore, #tpu.memory_space<semaphore_mem>>)
    %dma_start3A_55 = arith.constant 2 : i32
    %dma_start3A_56 = arith.constant 0 : i32
    %dma_start3A_57 = tpu.memref_slice %arg9[%dma_start3A_55, %dma_start3A_56] : memref<4x128xi32, #tpu.memory_space<vmem>> -> memref<1x128xi32, #tpu.memory_space<vmem>>
    %dma_start3A_58 = tpu.memref_squeeze %dma_start3A_57 : memref<1x128xi32, #tpu.memory_space<vmem>> -> memref<128xi32, #tpu.memory_space<vmem>>
    %dma_start3A_59 = tpu.memref_slice %arg4[%add3A_45] : memref<327680xi32, #tpu.memory_space<hbm>> -> memref<128xi32, #tpu.memory_space<hbm>>
    %dma_start3A_60 = arith.constant 0 : i32
    %dma_start3A_61 = tpu.memref_slice %arg9[%dma_start3A_55, %dma_start3A_60] : memref<4x128xi32, #tpu.memory_space<vmem>> -> memref<1x128xi32, #tpu.memory_space<vmem>>
    %dma_start3A_62 = tpu.memref_squeeze %dma_start3A_61 : memref<1x128xi32, #tpu.memory_space<vmem>> -> memref<128xi32, #tpu.memory_space<vmem>>
    %dma_start3A_63 = tpu.memref_slice %arg4[%add3A_45] : memref<327680xi32, #tpu.memory_space<hbm>> -> memref<128xi32, #tpu.memory_space<hbm>>
    tpu.enqueue_dma source(%dma_start3A_63 : memref<128xi32, #tpu.memory_space<hbm>>) target(%dma_start3A_62 : memref<128xi32, #tpu.memory_space<vmem>>) target_semaphore(%arg16 : memref<!tpu.dma_semaphore, #tpu.memory_space<semaphore_mem>>)
    %add3A_64 = arith.constant 384 : i32
    %add3A_65 = arith.addi %mul3A_2, %add3A_64 : i32
    %dma_start3A_66 = arith.constant 3 : i32
    %dma_start3A_67 = arith.constant 0 : i32
    %dma_start3A_68 = tpu.memref_slice %arg8[%dma_start3A_66, %dma_start3A_67] : memref<4x128xi32, #tpu.memory_space<vmem>> -> memref<1x128xi32, #tpu.memory_space<vmem>>
    %dma_start3A_69 = tpu.memref_squeeze %dma_start3A_68 : memref<1x128xi32, #tpu.memory_space<vmem>> -> memref<128xi32, #tpu.memory_space<vmem>>
    %dma_start3A_70 = tpu.memref_slice %arg3[%add3A_65] : memref<327680xi32, #tpu.memory_space<hbm>> -> memref<128xi32, #tpu.memory_space<hbm>>
    %dma_start3A_71 = arith.constant 0 : i32
    %dma_start3A_72 = tpu.memref_slice %arg8[%dma_start3A_66, %dma_start3A_71] : memref<4x128xi32, #tpu.memory_space<vmem>> -> memref<1x128xi32, #tpu.memory_space<vmem>>
    %dma_start3A_73 = tpu.memref_squeeze %dma_start3A_72 : memref<1x128xi32, #tpu.memory_space<vmem>> -> memref<128xi32, #tpu.memory_space<vmem>>
    %dma_start3A_74 = tpu.memref_slice %arg3[%add3A_65] : memref<327680xi32, #tpu.memory_space<hbm>> -> memref<128xi32, #tpu.memory_space<hbm>>
    tpu.enqueue_dma source(%dma_start3A_74 : memref<128xi32, #tpu.memory_space<hbm>>) target(%dma_start3A_73 : memref<128xi32, #tpu.memory_space<vmem>>) target_semaphore(%arg15 : memref<!tpu.dma_semaphore, #tpu.memory_space<semaphore_mem>>)
    %dma_start3A_75 = arith.constant 3 : i32
    %dma_start3A_76 = arith.constant 0 : i32
    %dma_start3A_77 = tpu.memref_slice %arg9[%dma_start3A_75, %dma_start3A_76] : memref<4x128xi32, #tpu.memory_space<vmem>> -> memref<1x128xi32, #tpu.memory_space<vmem>>
    %dma_start3A_78 = tpu.memref_squeeze %dma_start3A_77 : memref<1x128xi32, #tpu.memory_space<vmem>> -> memref<128xi32, #tpu.memory_space<vmem>>
    %dma_start3A_79 = tpu.memref_slice %arg4[%add3A_65] : memref<327680xi32, #tpu.memory_space<hbm>> -> memref<128xi32, #tpu.memory_space<hbm>>
    %dma_start3A_80 = arith.constant 0 : i32
    %dma_start3A_81 = tpu.memref_slice %arg9[%dma_start3A_75, %dma_start3A_80] : memref<4x128xi32, #tpu.memory_space<vmem>> -> memref<1x128xi32, #tpu.memory_space<vmem>>
    %dma_start3A_82 = tpu.memref_squeeze %dma_start3A_81 : memref<1x128xi32, #tpu.memory_space<vmem>> -> memref<128xi32, #tpu.memory_space<vmem>>
    %dma_start3A_83 = tpu.memref_slice %arg4[%add3A_65] : memref<327680xi32, #tpu.memory_space<hbm>> -> memref<128xi32, #tpu.memory_space<hbm>>
    tpu.enqueue_dma source(%dma_start3A_83 : memref<128xi32, #tpu.memory_space<hbm>>) target(%dma_start3A_82 : memref<128xi32, #tpu.memory_space<vmem>>) target_semaphore(%arg16 : memref<!tpu.dma_semaphore, #tpu.memory_space<semaphore_mem>>)
    %dma_wait3A = arith.constant 0 : i32
    %dma_wait3A_84 = arith.constant 0 : i32
    %dma_wait3A_85 = tpu.memref_slice %arg8[%dma_wait3A, %dma_wait3A_84] : memref<4x128xi32, #tpu.memory_space<vmem>> -> memref<1x128xi32, #tpu.memory_space<vmem>>
    %dma_wait3A_86 = tpu.memref_squeeze %dma_wait3A_85 : memref<1x128xi32, #tpu.memory_space<vmem>> -> memref<128xi32, #tpu.memory_space<vmem>>
    %dma_wait3A_87 = arith.constant 0 : i32
    %dma_wait3A_88 = tpu.memref_slice %arg3[%dma_wait3A_87] : memref<327680xi32, #tpu.memory_space<hbm>> -> memref<128xi32, #tpu.memory_space<hbm>>
    %dma_wait3A_89 = arith.constant 0 : i32
    %dma_wait3A_90 = tpu.memref_slice %arg8[%dma_wait3A, %dma_wait3A_89] : memref<4x128xi32, #tpu.memory_space<vmem>> -> memref<1x128xi32, #tpu.memory_space<vmem>>
    %dma_wait3A_91 = tpu.memref_squeeze %dma_wait3A_90 : memref<1x128xi32, #tpu.memory_space<vmem>> -> memref<128xi32, #tpu.memory_space<vmem>>
    %dma_wait3A_92 = arith.constant 0 : i32
    %dma_wait3A_93 = tpu.memref_slice %arg3[%dma_wait3A_92] : memref<327680xi32, #tpu.memory_space<hbm>> -> memref<128xi32, #tpu.memory_space<hbm>>
    tpu.wait_dma2 semaphore(%arg15 : memref<!tpu.dma_semaphore, #tpu.memory_space<semaphore_mem>>) src(%dma_wait3A_93 : memref<128xi32, #tpu.memory_space<hbm>>) dst(%dma_wait3A_91 : memref<128xi32, #tpu.memory_space<vmem>>)
    %dma_wait3A_94 = arith.constant 0 : i32
    %dma_wait3A_95 = arith.constant 0 : i32
    %dma_wait3A_96 = tpu.memref_slice %arg9[%dma_wait3A_94, %dma_wait3A_95] : memref<4x128xi32, #tpu.memory_space<vmem>> -> memref<1x128xi32, #tpu.memory_space<vmem>>
    %dma_wait3A_97 = tpu.memref_squeeze %dma_wait3A_96 : memref<1x128xi32, #tpu.memory_space<vmem>> -> memref<128xi32, #tpu.memory_space<vmem>>
    %dma_wait3A_98 = arith.constant 0 : i32
    %dma_wait3A_99 = tpu.memref_slice %arg4[%dma_wait3A_98] : memref<327680xi32, #tpu.memory_space<hbm>> -> memref<128xi32, #tpu.memory_space<hbm>>
    %dma_wait3A_100 = arith.constant 0 : i32
    %dma_wait3A_101 = tpu.memref_slice %arg9[%dma_wait3A_94, %dma_wait3A_100] : memref<4x128xi32, #tpu.memory_space<vmem>> -> memref<1x128xi32, #tpu.memory_space<vmem>>
    %dma_wait3A_102 = tpu.memref_squeeze %dma_wait3A_101 : memref<1x128xi32, #tpu.memory_space<vmem>> -> memref<128xi32, #tpu.memory_space<vmem>>
    %dma_wait3A_103 = arith.constant 0 : i32
    %dma_wait3A_104 = tpu.memref_slice %arg4[%dma_wait3A_103] : memref<327680xi32, #tpu.memory_space<hbm>> -> memref<128xi32, #tpu.memory_space<hbm>>
    tpu.wait_dma2 semaphore(%arg16 : memref<!tpu.dma_semaphore, #tpu.memory_space<semaphore_mem>>) src(%dma_wait3A_104 : memref<128xi32, #tpu.memory_space<hbm>>) dst(%dma_wait3A_102 : memref<128xi32, #tpu.memory_space<vmem>>)
    %dma_wait3A_105 = arith.constant 0 : i32
    %dma_wait3A_106 = arith.constant 0 : i32
    %dma_wait3A_107 = tpu.memref_slice %arg8[%dma_wait3A_105, %dma_wait3A_106] : memref<4x128xi32, #tpu.memory_space<vmem>> -> memref<1x128xi32, #tpu.memory_space<vmem>>
    %dma_wait3A_108 = tpu.memref_squeeze %dma_wait3A_107 : memref<1x128xi32, #tpu.memory_space<vmem>> -> memref<128xi32, #tpu.memory_space<vmem>>
    %dma_wait3A_109 = arith.constant 0 : i32
    %dma_wait3A_110 = tpu.memref_slice %arg3[%dma_wait3A_109] : memref<327680xi32, #tpu.memory_space<hbm>> -> memref<128xi32, #tpu.memory_space<hbm>>
    %dma_wait3A_111 = arith.constant 0 : i32
    %dma_wait3A_112 = tpu.memref_slice %arg8[%dma_wait3A_105, %dma_wait3A_111] : memref<4x128xi32, #tpu.memory_space<vmem>> -> memref<1x128xi32, #tpu.memory_space<vmem>>
    %dma_wait3A_113 = tpu.memref_squeeze %dma_wait3A_112 : memref<1x128xi32, #tpu.memory_space<vmem>> -> memref<128xi32, #tpu.memory_space<vmem>>
    %dma_wait3A_114 = arith.constant 0 : i32
    %dma_wait3A_115 = tpu.memref_slice %arg3[%dma_wait3A_114] : memref<327680xi32, #tpu.memory_space<hbm>> -> memref<128xi32, #tpu.memory_space<hbm>>
    tpu.wait_dma2 semaphore(%arg15 : memref<!tpu.dma_semaphore, #tpu.memory_space<semaphore_mem>>) src(%dma_wait3A_115 : memref<128xi32, #tpu.memory_space<hbm>>) dst(%dma_wait3A_113 : memref<128xi32, #tpu.memory_space<vmem>>)
    %dma_wait3A_116 = arith.constant 0 : i32
    %dma_wait3A_117 = arith.constant 0 : i32
    %dma_wait3A_118 = tpu.memref_slice %arg9[%dma_wait3A_116, %dma_wait3A_117] : memref<4x128xi32, #tpu.memory_space<vmem>> -> memref<1x128xi32, #tpu.memory_space<vmem>>
    %dma_wait3A_119 = tpu.memref_squeeze %dma_wait3A_118 : memref<1x128xi32, #tpu.memory_space<vmem>> -> memref<128xi32, #tpu.memory_space<vmem>>
    %dma_wait3A_120 = arith.constant 0 : i32
    %dma_wait3A_121 = tpu.memref_slice %arg4[%dma_wait3A_120] : memref<327680xi32, #tpu.memory_space<hbm>> -> memref<128xi32, #tpu.memory_space<hbm>>
    %dma_wait3A_122 = arith.constant 0 : i32
    %dma_wait3A_123 = tpu.memref_slice %arg9[%dma_wait3A_116, %dma_wait3A_122] : memref<4x128xi32, #tpu.memory_space<vmem>> -> memref<1x128xi32, #tpu.memory_space<vmem>>
    %dma_wait3A_124 = tpu.memref_squeeze %dma_wait3A_123 : memref<1x128xi32, #tpu.memory_space<vmem>> -> memref<128xi32, #tpu.memory_space<vmem>>
    %dma_wait3A_125 = arith.constant 0 : i32
    %dma_wait3A_126 = tpu.memref_slice %arg4[%dma_wait3A_125] : memref<327680xi32, #tpu.memory_space<hbm>> -> memref<128xi32, #tpu.memory_space<hbm>>
    tpu.wait_dma2 semaphore(%arg16 : memref<!tpu.dma_semaphore, #tpu.memory_space<semaphore_mem>>) src(%dma_wait3A_126 : memref<128xi32, #tpu.memory_space<hbm>>) dst(%dma_wait3A_124 : memref<128xi32, #tpu.memory_space<vmem>>)
    %dma_start3A_127 = arith.constant 0 : i32
    %dma_start3A_128 = arith.constant 0 : i32
    %dma_start3A_129 = tpu.memref_slice %arg8[%dma_start3A_127, %dma_start3A_128] : memref<4x128xi32, #tpu.memory_space<vmem>> -> memref<1x128xi32, #tpu.memory_space<vmem>>
    %dma_start3A_130 = tpu.memref_squeeze %dma_start3A_129 : memref<1x128xi32, #tpu.memory_space<vmem>> -> memref<128xi32, #tpu.memory_space<vmem>>
    %dma_start3A_131 = arith.constant 0 : i32
    %dma_start3A_132 = arith.constant 0 : i32
    %dma_start3A_133 = tpu.memref_slice %arg2[%dma_start3A_131, %dma_start3A_132] : memref<10000x128xf32, #tpu.memory_space<hbm>> -> memref<10000x128xf32, #tpu.memory_space<hbm>>
    tpu.enqueue_indirect_dma source(%dma_start3A_133 : memref<10000x128xf32, #tpu.memory_space<hbm>>) target(%arg10 : memref<128x128xf32, #tpu.memory_space<vmem>>) offsets(%dma_start3A_130 : memref<128xi32, #tpu.memory_space<vmem>>) semaphore(%arg13 : memref<!tpu.dma_semaphore, #tpu.memory_space<semaphore_mem>>)
    %dma_start3A_134 = arith.constant 1 : i32
    %dma_start3A_135 = arith.constant 0 : i32
    %dma_start3A_136 = tpu.memref_slice %arg8[%dma_start3A_134, %dma_start3A_135] : memref<4x128xi32, #tpu.memory_space<vmem>> -> memref<1x128xi32, #tpu.memory_space<vmem>>
    %dma_start3A_137 = tpu.memref_squeeze %dma_start3A_136 : memref<1x128xi32, #tpu.memory_space<vmem>> -> memref<128xi32, #tpu.memory_space<vmem>>
    %dma_start3A_138 = arith.constant 0 : i32
    %dma_start3A_139 = arith.constant 0 : i32
    %dma_start3A_140 = tpu.memref_slice %arg2[%dma_start3A_138, %dma_start3A_139] : memref<10000x128xf32, #tpu.memory_space<hbm>> -> memref<10000x128xf32, #tpu.memory_space<hbm>>
    tpu.enqueue_indirect_dma source(%dma_start3A_140 : memref<10000x128xf32, #tpu.memory_space<hbm>>) target(%arg11 : memref<128x128xf32, #tpu.memory_space<vmem>>) offsets(%dma_start3A_137 : memref<128xi32, #tpu.memory_space<vmem>>) semaphore(%arg14 : memref<!tpu.dma_semaphore, #tpu.memory_space<semaphore_mem>>)
    %scan3A = arith.constant 0 : i32
    %scan3A_141 = arith.constant 0 : i32
    %scan3A_142 = arith.constant 40 : i32
    %scan3A_143 = arith.addi %scan3A_141, %scan3A_142 : i32
    %scan3A_144 = arith.constant 1 : i32
    scf.for %scan3A_209 = %scan3A_141 to %scan3A_143 step %scan3A_144  : i32 {
      %mul3A_210 = arith.constant 2 : i32
      %mul3A_211 = arith.muli %mul3A_210, %scan3A_209 : i32
      %rem3A = arith.constant 4 : i32
      %rem3A_212 = arith.remsi %mul3A_211, %rem3A : i32
      %dma_wait3A_213 = arith.constant 0 : i32
      %dma_wait3A_214 = arith.constant 0 : i32
      %dma_wait3A_215 = tpu.memref_slice %arg8[%dma_wait3A_213, %dma_wait3A_214] : memref<4x128xi32, #tpu.memory_space<vmem>> -> memref<1x128xi32, #tpu.memory_space<vmem>>
      %dma_wait3A_216 = tpu.memref_squeeze %dma_wait3A_215 : memref<1x128xi32, #tpu.memory_space<vmem>> -> memref<128xi32, #tpu.memory_space<vmem>>
      %dma_wait3A_217 = arith.constant 0 : i32
      %dma_wait3A_218 = tpu.memref_slice %arg3[%dma_wait3A_217] : memref<327680xi32, #tpu.memory_space<hbm>> -> memref<128xi32, #tpu.memory_space<hbm>>
      %dma_wait3A_219 = arith.constant 0 : i32
      %dma_wait3A_220 = tpu.memref_slice %arg8[%dma_wait3A_213, %dma_wait3A_219] : memref<4x128xi32, #tpu.memory_space<vmem>> -> memref<1x128xi32, #tpu.memory_space<vmem>>
      %dma_wait3A_221 = tpu.memref_squeeze %dma_wait3A_220 : memref<1x128xi32, #tpu.memory_space<vmem>> -> memref<128xi32, #tpu.memory_space<vmem>>
      %dma_wait3A_222 = arith.constant 0 : i32
      %dma_wait3A_223 = tpu.memref_slice %arg3[%dma_wait3A_222] : memref<327680xi32, #tpu.memory_space<hbm>> -> memref<128xi32, #tpu.memory_space<hbm>>
      tpu.wait_dma2 semaphore(%arg15 : memref<!tpu.dma_semaphore, #tpu.memory_space<semaphore_mem>>) src(%dma_wait3A_223 : memref<128xi32, #tpu.memory_space<hbm>>) dst(%dma_wait3A_221 : memref<128xi32, #tpu.memory_space<vmem>>)
      %dma_wait3A_224 = arith.constant 0 : i32
      %dma_wait3A_225 = arith.constant 0 : i32
      %dma_wait3A_226 = tpu.memref_slice %arg9[%dma_wait3A_224, %dma_wait3A_225] : memref<4x128xi32, #tpu.memory_space<vmem>> -> memref<1x128xi32, #tpu.memory_space<vmem>>
      %dma_wait3A_227 = tpu.memref_squeeze %dma_wait3A_226 : memref<1x128xi32, #tpu.memory_space<vmem>> -> memref<128xi32, #tpu.memory_space<vmem>>
      %dma_wait3A_228 = arith.constant 0 : i32
      %dma_wait3A_229 = tpu.memref_slice %arg4[%dma_wait3A_228] : memref<327680xi32, #tpu.memory_space<hbm>> -> memref<128xi32, #tpu.memory_space<hbm>>
      %dma_wait3A_230 = arith.constant 0 : i32
      %dma_wait3A_231 = tpu.memref_slice %arg9[%dma_wait3A_224, %dma_wait3A_230] : memref<4x128xi32, #tpu.memory_space<vmem>> -> memref<1x128xi32, #tpu.memory_space<vmem>>
      %dma_wait3A_232 = tpu.memref_squeeze %dma_wait3A_231 : memref<1x128xi32, #tpu.memory_space<vmem>> -> memref<128xi32, #tpu.memory_space<vmem>>
      %dma_wait3A_233 = arith.constant 0 : i32
      %dma_wait3A_234 = tpu.memref_slice %arg4[%dma_wait3A_233] : memref<327680xi32, #tpu.memory_space<hbm>> -> memref<128xi32, #tpu.memory_space<hbm>>
      tpu.wait_dma2 semaphore(%arg16 : memref<!tpu.dma_semaphore, #tpu.memory_space<semaphore_mem>>) src(%dma_wait3A_234 : memref<128xi32, #tpu.memory_space<hbm>>) dst(%dma_wait3A_232 : memref<128xi32, #tpu.memory_space<vmem>>)
      %dma_wait3A_235 = arith.constant 0 : i32
      %dma_wait3A_236 = arith.constant 0 : i32
      %dma_wait3A_237 = tpu.memref_slice %arg8[%dma_wait3A_235, %dma_wait3A_236] : memref<4x128xi32, #tpu.memory_space<vmem>> -> memref<1x128xi32, #tpu.memory_space<vmem>>
      %dma_wait3A_238 = tpu.memref_squeeze %dma_wait3A_237 : memref<1x128xi32, #tpu.memory_space<vmem>> -> memref<128xi32, #tpu.memory_space<vmem>>
      %dma_wait3A_239 = arith.constant 0 : i32
      %dma_wait3A_240 = arith.constant 0 : i32
      %dma_wait3A_241 = tpu.memref_slice %arg2[%dma_wait3A_239, %dma_wait3A_240] : memref<10000x128xf32, #tpu.memory_space<hbm>> -> memref<10000x128xf32, #tpu.memory_space<hbm>>
      tpu.wait_indirect_dma semaphore(%arg13 : memref<!tpu.dma_semaphore, #tpu.memory_space<semaphore_mem>>) src(%dma_wait3A_241 : memref<10000x128xf32, #tpu.memory_space<hbm>>) dst(%arg10 : memref<128x128xf32, #tpu.memory_space<vmem>>)
      "tpu.region"() ({
        %run_scoped3A = tpu.sem_alloc : memref<!tpu.dma_semaphore, #tpu.memory_space<semaphore_mem>>
        %dma_start3A_342 = arith.constant 0 : i32
        %dma_start3A_343 = tpu.memref_slice %arg9[%rem3A_212, %dma_start3A_342] : memref<4x128xi32, #tpu.memory_space<vmem>> -> memref<1x128xi32, #tpu.memory_space<vmem>>
        %dma_start3A_344 = tpu.memref_squeeze %dma_start3A_343 : memref<1x128xi32, #tpu.memory_space<vmem>> -> memref<128xi32, #tpu.memory_space<vmem>>
        %dma_start3A_345 = arith.constant 0 : i32
        %dma_start3A_346 = arith.constant 0 : i32
        %dma_start3A_347 = tpu.memref_slice %arg12[%dma_start3A_345, %dma_start3A_346] : memref<10240x128xf32, #tpu.memory_space<vmem_shared>> -> memref<10240x128xf32, #tpu.memory_space<vmem_shared>>
        tpu.enqueue_indirect_dma source(%arg10 : memref<128x128xf32, #tpu.memory_space<vmem>>) target(%dma_start3A_347 : memref<10240x128xf32, #tpu.memory_space<vmem_shared>>) offsets(%dma_start3A_344 : memref<128xi32, #tpu.memory_space<vmem>>) semaphore(%run_scoped3A : memref<!tpu.dma_semaphore, #tpu.memory_space<semaphore_mem>>) {add = true}
        %dma_wait3A_348 = arith.constant 0 : i32
        %dma_wait3A_349 = tpu.memref_slice %arg9[%rem3A_212, %dma_wait3A_348] : memref<4x128xi32, #tpu.memory_space<vmem>> -> memref<1x128xi32, #tpu.memory_space<vmem>>
        %dma_wait3A_350 = tpu.memref_squeeze %dma_wait3A_349 : memref<1x128xi32, #tpu.memory_space<vmem>> -> memref<128xi32, #tpu.memory_space<vmem>>
        %dma_wait3A_351 = arith.constant 0 : i32
        %dma_wait3A_352 = arith.constant 0 : i32
        %dma_wait3A_353 = tpu.memref_slice %arg12[%dma_wait3A_351, %dma_wait3A_352] : memref<10240x128xf32, #tpu.memory_space<vmem_shared>> -> memref<10240x128xf32, #tpu.memory_space<vmem_shared>>
        tpu.wait_indirect_dma semaphore(%run_scoped3A : memref<!tpu.dma_semaphore, #tpu.memory_space<semaphore_mem>>) src(%arg10 : memref<128x128xf32, #tpu.memory_space<vmem>>) dst(%dma_wait3A_353 : memref<10240x128xf32, #tpu.memory_space<vmem_shared>>)
        tpu.yield
      }) : () -> ()
      %add3A_242 = arith.constant 2 : i32
      %add3A_243 = arith.addi %mul3A_211, %add3A_242 : i32
      %rem3A_244 = arith.constant 4 : i32
      %rem3A_245 = arith.remsi %add3A_243, %rem3A_244 : i32
      %dma_start3A_246 = arith.constant 0 : i32
      %dma_start3A_247 = tpu.memref_slice %arg8[%rem3A_245, %dma_start3A_246] : memref<4x128xi32, #tpu.memory_space<vmem>> -> memref<1x128xi32, #tpu.memory_space<vmem>>
      %dma_start3A_248 = tpu.memref_squeeze %dma_start3A_247 : memref<1x128xi32, #tpu.memory_space<vmem>> -> memref<128xi32, #tpu.memory_space<vmem>>
      %dma_start3A_249 = arith.constant 0 : i32
      %dma_start3A_250 = arith.constant 0 : i32
      %dma_start3A_251 = tpu.memref_slice %arg2[%dma_start3A_249, %dma_start3A_250] : memref<10000x128xf32, #tpu.memory_space<hbm>> -> memref<10000x128xf32, #tpu.memory_space<hbm>>
      tpu.enqueue_indirect_dma source(%dma_start3A_251 : memref<10000x128xf32, #tpu.memory_space<hbm>>) target(%arg10 : memref<128x128xf32, #tpu.memory_space<vmem>>) offsets(%dma_start3A_248 : memref<128xi32, #tpu.memory_space<vmem>>) semaphore(%arg13 : memref<!tpu.dma_semaphore, #tpu.memory_space<semaphore_mem>>)
      %add3A_252 = arith.constant 4 : i32
      %add3A_253 = arith.addi %mul3A_211, %add3A_252 : i32
      %min3A = arith.constant 79 : i32
      %min3A_254 = arith.minsi %add3A_253, %min3A : i32
      %mul3A_255 = arith.constant 128 : i32
      %mul3A_256 = arith.muli %min3A_254, %mul3A_255 : i32
      %add3A_257 = arith.addi %mul3A_2, %mul3A_256 : i32
      %dma_start3A_258 = arith.constant 0 : i32
      %dma_start3A_259 = tpu.memref_slice %arg8[%rem3A_212, %dma_start3A_258] : memref<4x128xi32, #tpu.memory_space<vmem>> -> memref<1x128xi32, #tpu.memory_space<vmem>>
      %dma_start3A_260 = tpu.memref_squeeze %dma_start3A_259 : memref<1x128xi32, #tpu.memory_space<vmem>> -> memref<128xi32, #tpu.memory_space<vmem>>
      %dma_start3A_261 = tpu.memref_slice %arg3[%add3A_257] : memref<327680xi32, #tpu.memory_space<hbm>> -> memref<128xi32, #tpu.memory_space<hbm>>
      %dma_start3A_262 = arith.constant 0 : i32
      %dma_start3A_263 = tpu.memref_slice %arg8[%rem3A_212, %dma_start3A_262] : memref<4x128xi32, #tpu.memory_space<vmem>> -> memref<1x128xi32, #tpu.memory_space<vmem>>
      %dma_start3A_264 = tpu.memref_squeeze %dma_start3A_263 : memref<1x128xi32, #tpu.memory_space<vmem>> -> memref<128xi32, #tpu.memory_space<vmem>>
      %dma_start3A_265 = tpu.memref_slice %arg3[%add3A_257] : memref<327680xi32, #tpu.memory_space<hbm>> -> memref<128xi32, #tpu.memory_space<hbm>>
      tpu.enqueue_dma source(%dma_start3A_265 : memref<128xi32, #tpu.memory_space<hbm>>) target(%dma_start3A_264 : memref<128xi32, #tpu.memory_space<vmem>>) target_semaphore(%arg15 : memref<!tpu.dma_semaphore, #tpu.memory_space<semaphore_mem>>)
      %dma_start3A_266 = arith.constant 0 : i32
      %dma_start3A_267 = tpu.memref_slice %arg9[%rem3A_212, %dma_start3A_266] : memref<4x128xi32, #tpu.memory_space<vmem>> -> memref<1x128xi32, #tpu.memory_space<vmem>>
      %dma_start3A_268 = tpu.memref_squeeze %dma_start3A_267 : memref<1x128xi32, #tpu.memory_space<vmem>> -> memref<128xi32, #tpu.memory_space<vmem>>
      %dma_start3A_269 = tpu.memref_slice %arg4[%add3A_257] : memref<327680xi32, #tpu.memory_space<hbm>> -> memref<128xi32, #tpu.memory_space<hbm>>
      %dma_start3A_270 = arith.constant 0 : i32
      %dma_start3A_271 = tpu.memref_slice %arg9[%rem3A_212, %dma_start3A_270] : memref<4x128xi32, #tpu.memory_space<vmem>> -> memref<1x128xi32, #tpu.memory_space<vmem>>
      %dma_start3A_272 = tpu.memref_squeeze %dma_start3A_271 : memref<1x128xi32, #tpu.memory_space<vmem>> -> memref<128xi32, #tpu.memory_space<vmem>>
      %dma_start3A_273 = tpu.memref_slice %arg4[%add3A_257] : memref<327680xi32, #tpu.memory_space<hbm>> -> memref<128xi32, #tpu.memory_space<hbm>>
      tpu.enqueue_dma source(%dma_start3A_273 : memref<128xi32, #tpu.memory_space<hbm>>) target(%dma_start3A_272 : memref<128xi32, #tpu.memory_space<vmem>>) target_semaphore(%arg16 : memref<!tpu.dma_semaphore, #tpu.memory_space<semaphore_mem>>)
      %mul3A_274 = arith.constant 2 : i32
      %mul3A_275 = arith.muli %mul3A_274, %scan3A_209 : i32
      %add3A_276 = arith.constant 1 : i32
      %add3A_277 = arith.addi %mul3A_275, %add3A_276 : i32
      %rem3A_278 = arith.constant 4 : i32
      %rem3A_279 = arith.remsi %add3A_277, %rem3A_278 : i32
      %dma_wait3A_280 = arith.constant 0 : i32
      %dma_wait3A_281 = arith.constant 0 : i32
      %dma_wait3A_282 = tpu.memref_slice %arg8[%dma_wait3A_280, %dma_wait3A_281] : memref<4x128xi32, #tpu.memory_space<vmem>> -> memref<1x128xi32, #tpu.memory_space<vmem>>
      %dma_wait3A_283 = tpu.memref_squeeze %dma_wait3A_282 : memref<1x128xi32, #tpu.memory_space<vmem>> -> memref<128xi32, #tpu.memory_space<vmem>>
      %dma_wait3A_284 = arith.constant 0 : i32
      %dma_wait3A_285 = tpu.memref_slice %arg3[%dma_wait3A_284] : memref<327680xi32, #tpu.memory_space<hbm>> -> memref<128xi32, #tpu.memory_space<hbm>>
      %dma_wait3A_286 = arith.constant 0 : i32
      %dma_wait3A_287 = tpu.memref_slice %arg8[%dma_wait3A_280, %dma_wait3A_286] : memref<4x128xi32, #tpu.memory_space<vmem>> -> memref<1x128xi32, #tpu.memory_space<vmem>>
      %dma_wait3A_288 = tpu.memref_squeeze %dma_wait3A_287 : memref<1x128xi32, #tpu.memory_space<vmem>> -> memref<128xi32, #tpu.memory_space<vmem>>
      %dma_wait3A_289 = arith.constant 0 : i32
      %dma_wait3A_290 = tpu.memref_slice %arg3[%dma_wait3A_289] : memref<327680xi32, #tpu.memory_space<hbm>> -> memref<128xi32, #tpu.memory_space<hbm>>
      tpu.wait_dma2 semaphore(%arg15 : memref<!tpu.dma_semaphore, #tpu.memory_space<semaphore_mem>>) src(%dma_wait3A_290 : memref<128xi32, #tpu.memory_space<hbm>>) dst(%dma_wait3A_288 : memref<128xi32, #tpu.memory_space<vmem>>)
      %dma_wait3A_291 = arith.constant 0 : i32
      %dma_wait3A_292 = arith.constant 0 : i32
      %dma_wait3A_293 = tpu.memref_slice %arg9[%dma_wait3A_291, %dma_wait3A_292] : memref<4x128xi32, #tpu.memory_space<vmem>> -> memref<1x128xi32, #tpu.memory_space<vmem>>
      %dma_wait3A_294 = tpu.memref_squeeze %dma_wait3A_293 : memref<1x128xi32, #tpu.memory_space<vmem>> -> memref<128xi32, #tpu.memory_space<vmem>>
      %dma_wait3A_295 = arith.constant 0 : i32
      %dma_wait3A_296 = tpu.memref_slice %arg4[%dma_wait3A_295] : memref<327680xi32, #tpu.memory_space<hbm>> -> memref<128xi32, #tpu.memory_space<hbm>>
      %dma_wait3A_297 = arith.constant 0 : i32
      %dma_wait3A_298 = tpu.memref_slice %arg9[%dma_wait3A_291, %dma_wait3A_297] : memref<4x128xi32, #tpu.memory_space<vmem>> -> memref<1x128xi32, #tpu.memory_space<vmem>>
      %dma_wait3A_299 = tpu.memref_squeeze %dma_wait3A_298 : memref<1x128xi32, #tpu.memory_space<vmem>> -> memref<128xi32, #tpu.memory_space<vmem>>
      %dma_wait3A_300 = arith.constant 0 : i32
      %dma_wait3A_301 = tpu.memref_slice %arg4[%dma_wait3A_300] : memref<327680xi32, #tpu.memory_space<hbm>> -> memref<128xi32, #tpu.memory_space<hbm>>
      tpu.wait_dma2 semaphore(%arg16 : memref<!tpu.dma_semaphore, #tpu.memory_space<semaphore_mem>>) src(%dma_wait3A_301 : memref<128xi32, #tpu.memory_space<hbm>>) dst(%dma_wait3A_299 : memref<128xi32, #tpu.memory_space<vmem>>)
      %dma_wait3A_302 = arith.constant 0 : i32
      %dma_wait3A_303 = arith.constant 0 : i32
      %dma_wait3A_304 = tpu.memref_slice %arg8[%dma_wait3A_302, %dma_wait3A_303] : memref<4x128xi32, #tpu.memory_space<vmem>> -> memref<1x128xi32, #tpu.memory_space<vmem>>
      %dma_wait3A_305 = tpu.memref_squeeze %dma_wait3A_304 : memref<1x128xi32, #tpu.memory_space<vmem>> -> memref<128xi32, #tpu.memory_space<vmem>>
      %dma_wait3A_306 = arith.constant 0 : i32
      %dma_wait3A_307 = arith.constant 0 : i32
      %dma_wait3A_308 = tpu.memref_slice %arg2[%dma_wait3A_306, %dma_wait3A_307] : memref<10000x128xf32, #tpu.memory_space<hbm>> -> memref<10000x128xf32, #tpu.memory_space<hbm>>
      tpu.wait_indirect_dma semaphore(%arg14 : memref<!tpu.dma_semaphore, #tpu.memory_space<semaphore_mem>>) src(%dma_wait3A_308 : memref<10000x128xf32, #tpu.memory_space<hbm>>) dst(%arg11 : memref<128x128xf32, #tpu.memory_space<vmem>>)
      "tpu.region"() ({
        %run_scoped3A = tpu.sem_alloc : memref<!tpu.dma_semaphore, #tpu.memory_space<semaphore_mem>>
        %dma_start3A_342 = arith.constant 0 : i32
        %dma_start3A_343 = tpu.memref_slice %arg9[%rem3A_279, %dma_start3A_342] : memref<4x128xi32, #tpu.memory_space<vmem>> -> memref<1x128xi32, #tpu.memory_space<vmem>>
        %dma_start3A_344 = tpu.memref_squeeze %dma_start3A_343 : memref<1x128xi32, #tpu.memory_space<vmem>> -> memref<128xi32, #tpu.memory_space<vmem>>
        %dma_start3A_345 = arith.constant 0 : i32
        %dma_start3A_346 = arith.constant 0 : i32
        %dma_start3A_347 = tpu.memref_slice %arg12[%dma_start3A_345, %dma_start3A_346] : memref<10240x128xf32, #tpu.memory_space<vmem_shared>> -> memref<10240x128xf32, #tpu.memory_space<vmem_shared>>
        tpu.enqueue_indirect_dma source(%arg11 : memref<128x128xf32, #tpu.memory_space<vmem>>) target(%dma_start3A_347 : memref<10240x128xf32, #tpu.memory_space<vmem_shared>>) offsets(%dma_start3A_344 : memref<128xi32, #tpu.memory_space<vmem>>) semaphore(%run_scoped3A : memref<!tpu.dma_semaphore, #tpu.memory_space<semaphore_mem>>) {add = true}
        %dma_wait3A_348 = arith.constant 0 : i32
        %dma_wait3A_349 = tpu.memref_slice %arg9[%rem3A_279, %dma_wait3A_348] : memref<4x128xi32, #tpu.memory_space<vmem>> -> memref<1x128xi32, #tpu.memory_space<vmem>>
        %dma_wait3A_350 = tpu.memref_squeeze %dma_wait3A_349 : memref<1x128xi32, #tpu.memory_space<vmem>> -> memref<128xi32, #tpu.memory_space<vmem>>
        %dma_wait3A_351 = arith.constant 0 : i32
        %dma_wait3A_352 = arith.constant 0 : i32
        %dma_wait3A_353 = tpu.memref_slice %arg12[%dma_wait3A_351, %dma_wait3A_352] : memref<10240x128xf32, #tpu.memory_space<vmem_shared>> -> memref<10240x128xf32, #tpu.memory_space<vmem_shared>>
        tpu.wait_indirect_dma semaphore(%run_scoped3A : memref<!tpu.dma_semaphore, #tpu.memory_space<semaphore_mem>>) src(%arg11 : memref<128x128xf32, #tpu.memory_space<vmem>>) dst(%dma_wait3A_353 : memref<10240x128xf32, #tpu.memory_space<vmem_shared>>)
        tpu.yield
      }) : () -> ()
      %add3A_309 = arith.constant 2 : i32
      %add3A_310 = arith.addi %add3A_277, %add3A_309 : i32
      %rem3A_311 = arith.constant 4 : i32
      %rem3A_312 = arith.remsi %add3A_310, %rem3A_311 : i32
      %dma_start3A_313 = arith.constant 0 : i32
      %dma_start3A_314 = tpu.memref_slice %arg8[%rem3A_312, %dma_start3A_313] : memref<4x128xi32, #tpu.memory_space<vmem>> -> memref<1x128xi32, #tpu.memory_space<vmem>>
      %dma_start3A_315 = tpu.memref_squeeze %dma_start3A_314 : memref<1x128xi32, #tpu.memory_space<vmem>> -> memref<128xi32, #tpu.memory_space<vmem>>
      %dma_start3A_316 = arith.constant 0 : i32
      %dma_start3A_317 = arith.constant 0 : i32
      %dma_start3A_318 = tpu.memref_slice %arg2[%dma_start3A_316, %dma_start3A_317] : memref<10000x128xf32, #tpu.memory_space<hbm>> -> memref<10000x128xf32, #tpu.memory_space<hbm>>
      tpu.enqueue_indirect_dma source(%dma_start3A_318 : memref<10000x128xf32, #tpu.memory_space<hbm>>) target(%arg11 : memref<128x128xf32, #tpu.memory_space<vmem>>) offsets(%dma_start3A_315 : memref<128xi32, #tpu.memory_space<vmem>>) semaphore(%arg14 : memref<!tpu.dma_semaphore, #tpu.memory_space<semaphore_mem>>)
      %add3A_319 = arith.constant 4 : i32
      %add3A_320 = arith.addi %add3A_277, %add3A_319 : i32
      %min3A_321 = arith.constant 79 : i32
      %min3A_322 = arith.minsi %add3A_320, %min3A_321 : i32
      %mul3A_323 = arith.constant 128 : i32
      %mul3A_324 = arith.muli %min3A_322, %mul3A_323 : i32
      %add3A_325 = arith.addi %mul3A_2, %mul3A_324 : i32
      %dma_start3A_326 = arith.constant 0 : i32
      %dma_start3A_327 = tpu.memref_slice %arg8[%rem3A_279, %dma_start3A_326] : memref<4x128xi32, #tpu.memory_space<vmem>> -> memref<1x128xi32, #tpu.memory_space<vmem>>
      %dma_start3A_328 = tpu.memref_squeeze %dma_start3A_327 : memref<1x128xi32, #tpu.memory_space<vmem>> -> memref<128xi32, #tpu.memory_space<vmem>>
      %dma_start3A_329 = tpu.memref_slice %arg3[%add3A_325] : memref<327680xi32, #tpu.memory_space<hbm>> -> memref<128xi32, #tpu.memory_space<hbm>>
      %dma_start3A_330 = arith.constant 0 : i32
      %dma_start3A_331 = tpu.memref_slice %arg8[%rem3A_279, %dma_start3A_330] : memref<4x128xi32, #tpu.memory_space<vmem>> -> memref<1x128xi32, #tpu.memory_space<vmem>>
      %dma_start3A_332 = tpu.memref_squeeze %dma_start3A_331 : memref<1x128xi32, #tpu.memory_space<vmem>> -> memref<128xi32, #tpu.memory_space<vmem>>
      %dma_start3A_333 = tpu.memref_slice %arg3[%add3A_325] : memref<327680xi32, #tpu.memory_space<hbm>> -> memref<128xi32, #tpu.memory_space<hbm>>
      tpu.enqueue_dma source(%dma_start3A_333 : memref<128xi32, #tpu.memory_space<hbm>>) target(%dma_start3A_332 : memref<128xi32, #tpu.memory_space<vmem>>) target_semaphore(%arg15 : memref<!tpu.dma_semaphore, #tpu.memory_space<semaphore_mem>>)
      %dma_start3A_334 = arith.constant 0 : i32
      %dma_start3A_335 = tpu.memref_slice %arg9[%rem3A_279, %dma_start3A_334] : memref<4x128xi32, #tpu.memory_space<vmem>> -> memref<1x128xi32, #tpu.memory_space<vmem>>
      %dma_start3A_336 = tpu.memref_squeeze %dma_start3A_335 : memref<1x128xi32, #tpu.memory_space<vmem>> -> memref<128xi32, #tpu.memory_space<vmem>>
      %dma_start3A_337 = tpu.memref_slice %arg4[%add3A_325] : memref<327680xi32, #tpu.memory_space<hbm>> -> memref<128xi32, #tpu.memory_space<hbm>>
      %dma_start3A_338 = arith.constant 0 : i32
      %dma_start3A_339 = tpu.memref_slice %arg9[%rem3A_279, %dma_start3A_338] : memref<4x128xi32, #tpu.memory_space<vmem>> -> memref<1x128xi32, #tpu.memory_space<vmem>>
      %dma_start3A_340 = tpu.memref_squeeze %dma_start3A_339 : memref<1x128xi32, #tpu.memory_space<vmem>> -> memref<128xi32, #tpu.memory_space<vmem>>
      %dma_start3A_341 = tpu.memref_slice %arg4[%add3A_325] : memref<327680xi32, #tpu.memory_space<hbm>> -> memref<128xi32, #tpu.memory_space<hbm>>
      tpu.enqueue_dma source(%dma_start3A_341 : memref<128xi32, #tpu.memory_space<hbm>>) target(%dma_start3A_340 : memref<128xi32, #tpu.memory_space<vmem>>) target_semaphore(%arg16 : memref<!tpu.dma_semaphore, #tpu.memory_space<semaphore_mem>>)
    }
    %scan3A_145 = arith.constant 40 : i32
    %dma_wait3A_146 = arith.constant 0 : i32
    %dma_wait3A_147 = arith.constant 0 : i32
    %dma_wait3A_148 = tpu.memref_slice %arg8[%dma_wait3A_146, %dma_wait3A_147] : memref<4x128xi32, #tpu.memory_space<vmem>> -> memref<1x128xi32, #tpu.memory_space<vmem>>
    %dma_wait3A_149 = tpu.memref_squeeze %dma_wait3A_148 : memref<1x128xi32, #tpu.memory_space<vmem>> -> memref<128xi32, #tpu.memory_space<vmem>>
    %dma_wait3A_150 = arith.constant 0 : i32
    %dma_wait3A_151 = arith.constant 0 : i32
    %dma_wait3A_152 = tpu.memref_slice %arg2[%dma_wait3A_150, %dma_wait3A_151] : memref<10000x128xf32, #tpu.memory_space<hbm>> -> memref<10000x128xf32, #tpu.memory_space<hbm>>
    tpu.wait_indirect_dma semaphore(%arg13 : memref<!tpu.dma_semaphore, #tpu.memory_space<semaphore_mem>>) src(%dma_wait3A_152 : memref<10000x128xf32, #tpu.memory_space<hbm>>) dst(%arg10 : memref<128x128xf32, #tpu.memory_space<vmem>>)
    %dma_wait3A_153 = arith.constant 0 : i32
    %dma_wait3A_154 = arith.constant 0 : i32
    %dma_wait3A_155 = tpu.memref_slice %arg8[%dma_wait3A_153, %dma_wait3A_154] : memref<4x128xi32, #tpu.memory_space<vmem>> -> memref<1x128xi32, #tpu.memory_space<vmem>>
    %dma_wait3A_156 = tpu.memref_squeeze %dma_wait3A_155 : memref<1x128xi32, #tpu.memory_space<vmem>> -> memref<128xi32, #tpu.memory_space<vmem>>
    %dma_wait3A_157 = arith.constant 0 : i32
    %dma_wait3A_158 = arith.constant 0 : i32
    %dma_wait3A_159 = tpu.memref_slice %arg2[%dma_wait3A_157, %dma_wait3A_158] : memref<10000x128xf32, #tpu.memory_space<hbm>> -> memref<10000x128xf32, #tpu.memory_space<hbm>>
    tpu.wait_indirect_dma semaphore(%arg14 : memref<!tpu.dma_semaphore, #tpu.memory_space<semaphore_mem>>) src(%dma_wait3A_159 : memref<10000x128xf32, #tpu.memory_space<hbm>>) dst(%arg11 : memref<128x128xf32, #tpu.memory_space<vmem>>)
    %dma_wait3A_160 = arith.constant 0 : i32
    %dma_wait3A_161 = arith.constant 0 : i32
    %dma_wait3A_162 = tpu.memref_slice %arg8[%dma_wait3A_160, %dma_wait3A_161] : memref<4x128xi32, #tpu.memory_space<vmem>> -> memref<1x128xi32, #tpu.memory_space<vmem>>
    %dma_wait3A_163 = tpu.memref_squeeze %dma_wait3A_162 : memref<1x128xi32, #tpu.memory_space<vmem>> -> memref<128xi32, #tpu.memory_space<vmem>>
    %dma_wait3A_164 = arith.constant 0 : i32
    %dma_wait3A_165 = tpu.memref_slice %arg3[%dma_wait3A_164] : memref<327680xi32, #tpu.memory_space<hbm>> -> memref<128xi32, #tpu.memory_space<hbm>>
    %dma_wait3A_166 = arith.constant 0 : i32
    %dma_wait3A_167 = tpu.memref_slice %arg8[%dma_wait3A_160, %dma_wait3A_166] : memref<4x128xi32, #tpu.memory_space<vmem>> -> memref<1x128xi32, #tpu.memory_space<vmem>>
    %dma_wait3A_168 = tpu.memref_squeeze %dma_wait3A_167 : memref<1x128xi32, #tpu.memory_space<vmem>> -> memref<128xi32, #tpu.memory_space<vmem>>
    %dma_wait3A_169 = arith.constant 0 : i32
    %dma_wait3A_170 = tpu.memref_slice %arg3[%dma_wait3A_169] : memref<327680xi32, #tpu.memory_space<hbm>> -> memref<128xi32, #tpu.memory_space<hbm>>
    tpu.wait_dma2 semaphore(%arg15 : memref<!tpu.dma_semaphore, #tpu.memory_space<semaphore_mem>>) src(%dma_wait3A_170 : memref<128xi32, #tpu.memory_space<hbm>>) dst(%dma_wait3A_168 : memref<128xi32, #tpu.memory_space<vmem>>)
    %dma_wait3A_171 = arith.constant 0 : i32
    %dma_wait3A_172 = arith.constant 0 : i32
    %dma_wait3A_173 = tpu.memref_slice %arg9[%dma_wait3A_171, %dma_wait3A_172] : memref<4x128xi32, #tpu.memory_space<vmem>> -> memref<1x128xi32, #tpu.memory_space<vmem>>
    %dma_wait3A_174 = tpu.memref_squeeze %dma_wait3A_173 : memref<1x128xi32, #tpu.memory_space<vmem>> -> memref<128xi32, #tpu.memory_space<vmem>>
    %dma_wait3A_175 = arith.constant 0 : i32
    %dma_wait3A_176 = tpu.memref_slice %arg4[%dma_wait3A_175] : memref<327680xi32, #tpu.memory_space<hbm>> -> memref<128xi32, #tpu.memory_space<hbm>>
    %dma_wait3A_177 = arith.constant 0 : i32
    %dma_wait3A_178 = tpu.memref_slice %arg9[%dma_wait3A_171, %dma_wait3A_177] : memref<4x128xi32, #tpu.memory_space<vmem>> -> memref<1x128xi32, #tpu.memory_space<vmem>>
    %dma_wait3A_179 = tpu.memref_squeeze %dma_wait3A_178 : memref<1x128xi32, #tpu.memory_space<vmem>> -> memref<128xi32, #tpu.memory_space<vmem>>
    %dma_wait3A_180 = arith.constant 0 : i32
    %dma_wait3A_181 = tpu.memref_slice %arg4[%dma_wait3A_180] : memref<327680xi32, #tpu.memory_space<hbm>> -> memref<128xi32, #tpu.memory_space<hbm>>
    tpu.wait_dma2 semaphore(%arg16 : memref<!tpu.dma_semaphore, #tpu.memory_space<semaphore_mem>>) src(%dma_wait3A_181 : memref<128xi32, #tpu.memory_space<hbm>>) dst(%dma_wait3A_179 : memref<128xi32, #tpu.memory_space<vmem>>)
    %dma_wait3A_182 = arith.constant 0 : i32
    %dma_wait3A_183 = arith.constant 0 : i32
    %dma_wait3A_184 = tpu.memref_slice %arg8[%dma_wait3A_182, %dma_wait3A_183] : memref<4x128xi32, #tpu.memory_space<vmem>> -> memref<1x128xi32, #tpu.memory_space<vmem>>
    %dma_wait3A_185 = tpu.memref_squeeze %dma_wait3A_184 : memref<1x128xi32, #tpu.memory_space<vmem>> -> memref<128xi32, #tpu.memory_space<vmem>>
    %dma_wait3A_186 = arith.constant 0 : i32
    %dma_wait3A_187 = tpu.memref_slice %arg3[%dma_wait3A_186] : memref<327680xi32, #tpu.memory_space<hbm>> -> memref<128xi32, #tpu.memory_space<hbm>>
    %dma_wait3A_188 = arith.constant 0 : i32
    %dma_wait3A_189 = tpu.memref_slice %arg8[%dma_wait3A_182, %dma_wait3A_188] : memref<4x128xi32, #tpu.memory_space<vmem>> -> memref<1x128xi32, #tpu.memory_space<vmem>>
    %dma_wait3A_190 = tpu.memref_squeeze %dma_wait3A_189 : memref<1x128xi32, #tpu.memory_space<vmem>> -> memref<128xi32, #tpu.memory_space<vmem>>
    %dma_wait3A_191 = arith.constant 0 : i32
    %dma_wait3A_192 = tpu.memref_slice %arg3[%dma_wait3A_191] : memref<327680xi32, #tpu.memory_space<hbm>> -> memref<128xi32, #tpu.memory_space<hbm>>
    tpu.wait_dma2 semaphore(%arg15 : memref<!tpu.dma_semaphore, #tpu.memory_space<semaphore_mem>>) src(%dma_wait3A_192 : memref<128xi32, #tpu.memory_space<hbm>>) dst(%dma_wait3A_190 : memref<128xi32, #tpu.memory_space<vmem>>)
    %dma_wait3A_193 = arith.constant 0 : i32
    %dma_wait3A_194 = arith.constant 0 : i32
    %dma_wait3A_195 = tpu.memref_slice %arg9[%dma_wait3A_193, %dma_wait3A_194] : memref<4x128xi32, #tpu.memory_space<vmem>> -> memref<1x128xi32, #tpu.memory_space<vmem>>
    %dma_wait3A_196 = tpu.memref_squeeze %dma_wait3A_195 : memref<1x128xi32, #tpu.memory_space<vmem>> -> memref<128xi32, #tpu.memory_space<vmem>>
    %dma_wait3A_197 = arith.constant 0 : i32
    %dma_wait3A_198 = tpu.memref_slice %arg4[%dma_wait3A_197] : memref<327680xi32, #tpu.memory_space<hbm>> -> memref<128xi32, #tpu.memory_space<hbm>>
    %dma_wait3A_199 = arith.constant 0 : i32
    %dma_wait3A_200 = tpu.memref_slice %arg9[%dma_wait3A_193, %dma_wait3A_199] : memref<4x128xi32, #tpu.memory_space<vmem>> -> memref<1x128xi32, #tpu.memory_space<vmem>>
    %dma_wait3A_201 = tpu.memref_squeeze %dma_wait3A_200 : memref<1x128xi32, #tpu.memory_space<vmem>> -> memref<128xi32, #tpu.memory_space<vmem>>
    %dma_wait3A_202 = arith.constant 0 : i32
    %dma_wait3A_203 = tpu.memref_slice %arg4[%dma_wait3A_202] : memref<327680xi32, #tpu.memory_space<hbm>> -> memref<128xi32, #tpu.memory_space<hbm>>
    tpu.wait_dma2 semaphore(%arg16 : memref<!tpu.dma_semaphore, #tpu.memory_space<semaphore_mem>>) src(%dma_wait3A_203 : memref<128xi32, #tpu.memory_space<hbm>>) dst(%dma_wait3A_201 : memref<128xi32, #tpu.memory_space<vmem>>)
    %barrier3A_204 = arith.constant 0 : index
    tpu.barrier barrier_id(%barrier3A_204)
    %mul3A_205 = arith.constant 640 : i32
    %mul3A_206 = arith.muli %arg1, %mul3A_205 : i32
    %mul3A_207 = arith.constant 640 : i32
    %mul3A_208 = arith.muli %arg1, %mul3A_207 : i32
    "tpu.region"() ({
      %run_scoped3A = tpu.sem_alloc : memref<!tpu.dma_semaphore, #tpu.memory_space<semaphore_mem>>
      %dma_start3A_209 = arith.constant 0 : i32
      %dma_start3A_210 = arith.constant 0 : i32
      %dma_start3A_211 = tpu.memref_slice %arg7[%arg0, %dma_start3A_209, %dma_start3A_210] : memref<2x10240x128xf32, #tpu.memory_space<hbm>> -> memref<1x10240x128xf32, #tpu.memory_space<hbm>>
      %dma_start3A_212 = tpu.memref_squeeze %dma_start3A_211 : memref<1x10240x128xf32, #tpu.memory_space<hbm>> -> memref<10240x128xf32, #tpu.memory_space<hbm>>
      %dma_start3A_213 = arith.constant 0 : i32
      %dma_start3A_214 = tpu.memref_slice %dma_start3A_212[%mul3A_208, %dma_start3A_213] : memref<10240x128xf32, #tpu.memory_space<hbm>> -> memref<640x128xf32, #tpu.memory_space<hbm>>
      %dma_start3A_215 = arith.constant 0 : i32
      %dma_start3A_216 = tpu.memref_slice %arg12[%mul3A_206, %dma_start3A_215] : memref<10240x128xf32, #tpu.memory_space<vmem_shared>> -> memref<640x128xf32, #tpu.memory_space<vmem_shared>>
      tpu.enqueue_dma source(%dma_start3A_216 : memref<640x128xf32, #tpu.memory_space<vmem_shared>>) target(%dma_start3A_214 : memref<640x128xf32, #tpu.memory_space<hbm>>) target_semaphore(%run_scoped3A : memref<!tpu.dma_semaphore, #tpu.memory_space<semaphore_mem>>)
      %dma_wait3A_217 = arith.constant 0 : i32
      %dma_wait3A_218 = arith.constant 0 : i32
      %dma_wait3A_219 = tpu.memref_slice %arg7[%arg0, %dma_wait3A_217, %dma_wait3A_218] : memref<2x10240x128xf32, #tpu.memory_space<hbm>> -> memref<1x10240x128xf32, #tpu.memory_space<hbm>>
      %dma_wait3A_220 = tpu.memref_squeeze %dma_wait3A_219 : memref<1x10240x128xf32, #tpu.memory_space<hbm>> -> memref<10240x128xf32, #tpu.memory_space<hbm>>
      %dma_wait3A_221 = arith.constant 0 : i32
      %dma_wait3A_222 = tpu.memref_slice %dma_wait3A_220[%mul3A_208, %dma_wait3A_221] : memref<10240x128xf32, #tpu.memory_space<hbm>> -> memref<640x128xf32, #tpu.memory_space<hbm>>
      %dma_wait3A_223 = arith.constant 0 : i32
      %dma_wait3A_224 = tpu.memref_slice %arg12[%mul3A_206, %dma_wait3A_223] : memref<10240x128xf32, #tpu.memory_space<vmem_shared>> -> memref<640x128xf32, #tpu.memory_space<vmem_shared>>
      tpu.wait_dma2 semaphore(%run_scoped3A : memref<!tpu.dma_semaphore, #tpu.memory_space<semaphore_mem>>) src(%dma_wait3A_224 : memref<640x128xf32, #tpu.memory_space<vmem_shared>>) dst(%dma_wait3A_222 : memref<640x128xf32, #tpu.memory_space<hbm>>)
      tpu.yield
    }) : () -> ()
    return
  }
}

#map = affine_map<(d0, d1) -> (0, 0)>
#map1 = affine_map<(d0, d1) -> (0)>
#map2 = affine_map<(d0, d1) -> (0, 0, 0)>
module attributes {stable_mosaic.version = 14 : i64} {
  func.func @sc_kernel(%arg0: i32, %arg1: i32, %arg2: memref<10000x128xf32, #tpu.memory_space<hbm>>, %arg3: memref<327680xi32, #tpu.memory_space<hbm>>, %arg4: memref<327680xi32, #tpu.memory_space<hbm>>, %arg5: memref<640x128xf32, #tpu.memory_space<hbm>>, %arg6: memref<80x128xf32, #tpu.memory_space<hbm>>, %arg7: memref<2x10240x128xf32, #tpu.memory_space<hbm>>, %arg8: memref<2x80x128xf32, #tpu.memory_space<hbm>>, %arg9: memref<4x128xi32, #tpu.memory_space<vmem>>, %arg10: memref<4x128xi32, #tpu.memory_space<vmem>>, %arg11: memref<128x128xf32, #tpu.memory_space<vmem>>, %arg12: memref<128x128xf32, #tpu.memory_space<vmem>>, %arg13: memref<10240x128xf32, #tpu.memory_space<vmem_shared>>, %arg14: memref<!tpu.dma_semaphore, #tpu.memory_space<semaphore_mem>>, %arg15: memref<!tpu.dma_semaphore, #tpu.memory_space<semaphore_mem>>, %arg16: memref<!tpu.dma_semaphore, #tpu.memory_space<semaphore_mem>>, %arg17: memref<!tpu.dma_semaphore, #tpu.memory_space<semaphore_mem>>, %arg18: memref<80x128xf32, #tpu.memory_space<vmem>>, %arg19: memref<80xi32, #tpu.memory_space<vmem>>, %arg20: memref<80x128xf32, #tpu.memory_space<vmem_shared>>) attributes {dimension_semantics = [#tpu.dimension_semantics<core_parallel>, #tpu.dimension_semantics<subcore_parallel>], iteration_bounds = array<i64: 2, 16>, scalar_prefetch = 0 : i64, scratch_operands = 12 : i64, tpu.core_type = #tpu.core_type<sc_vector_subcore>, window_params = [{transform_indices = #map}, {transform_indices = #map1}, {transform_indices = #map1}, {transform_indices = #map}, {transform_indices = #map}, {transform_indices = #map2}, {transform_indices = #map2}]} {
    %mul3A = arith.constant 2 : i32
    %mul3A_0 = arith.muli %arg1, %mul3A : i32
    %add3A = arith.addi %mul3A_0, %arg0 : i32
    %mul3A_1 = arith.constant 10240 : i32
    %mul3A_2 = arith.muli %add3A, %mul3A_1 : i32
    %mul3A_3 = arith.constant 640 : i32
    %mul3A_4 = arith.muli %arg1, %mul3A_3 : i32
    "tpu.region"() ({
      %run_scoped3A = tpu.sem_alloc : memref<!tpu.dma_semaphore, #tpu.memory_space<semaphore_mem>>
      %dma_start3A_244 = arith.constant 0 : i32
      %dma_start3A_245 = tpu.memref_slice %arg13[%mul3A_4, %dma_start3A_244] : memref<10240x128xf32, #tpu.memory_space<vmem_shared>> -> memref<640x128xf32, #tpu.memory_space<vmem_shared>>
      tpu.enqueue_dma source(%arg5 : memref<640x128xf32, #tpu.memory_space<hbm>>) target(%dma_start3A_245 : memref<640x128xf32, #tpu.memory_space<vmem_shared>>) target_semaphore(%run_scoped3A : memref<!tpu.dma_semaphore, #tpu.memory_space<semaphore_mem>>)
      %dma_wait3A_246 = arith.constant 0 : i32
      %dma_wait3A_247 = tpu.memref_slice %arg13[%mul3A_4, %dma_wait3A_246] : memref<10240x128xf32, #tpu.memory_space<vmem_shared>> -> memref<640x128xf32, #tpu.memory_space<vmem_shared>>
      tpu.wait_dma2 semaphore(%run_scoped3A : memref<!tpu.dma_semaphore, #tpu.memory_space<semaphore_mem>>) src(%arg5 : memref<640x128xf32, #tpu.memory_space<hbm>>) dst(%dma_wait3A_247 : memref<640x128xf32, #tpu.memory_space<vmem_shared>>)
      tpu.yield
    }) : () -> ()
    %eq3A = arith.constant 0 : i32
    %eq3A_5 = arith.cmpi eq, %arg1, %eq3A : i32
    %convert_element_type3A = arith.extui %eq3A_5 : i1 to i32
    %cond3A = arith.constant 0 : i32
    %cond3A_6 = arith.cmpi ne, %convert_element_type3A, %cond3A : i32
    scf.if %cond3A_6 {
      "tpu.region"() ({
        %run_scoped3A = tpu.sem_alloc : memref<!tpu.dma_semaphore, #tpu.memory_space<semaphore_mem>>
        tpu.enqueue_dma source(%arg6 : memref<80x128xf32, #tpu.memory_space<hbm>>) target(%arg20 : memref<80x128xf32, #tpu.memory_space<vmem_shared>>) target_semaphore(%run_scoped3A : memref<!tpu.dma_semaphore, #tpu.memory_space<semaphore_mem>>)
        tpu.wait_dma2 semaphore(%run_scoped3A : memref<!tpu.dma_semaphore, #tpu.memory_space<semaphore_mem>>) src(%arg6 : memref<80x128xf32, #tpu.memory_space<hbm>>) dst(%arg20 : memref<80x128xf32, #tpu.memory_space<vmem_shared>>)
        tpu.yield
      }) : () -> ()
    } else {
    }
    "tpu.region"() ({
      %run_scoped3A = tpu.sem_alloc : memref<!tpu.dma_semaphore, #tpu.memory_space<semaphore_mem>>
      tpu.enqueue_dma source(%arg6 : memref<80x128xf32, #tpu.memory_space<hbm>>) target(%arg18 : memref<80x128xf32, #tpu.memory_space<vmem>>) target_semaphore(%run_scoped3A : memref<!tpu.dma_semaphore, #tpu.memory_space<semaphore_mem>>)
      tpu.wait_dma2 semaphore(%run_scoped3A : memref<!tpu.dma_semaphore, #tpu.memory_space<semaphore_mem>>) src(%arg6 : memref<80x128xf32, #tpu.memory_space<hbm>>) dst(%arg18 : memref<80x128xf32, #tpu.memory_space<vmem>>)
      tpu.yield
    }) : () -> ()
    %iota3A = tpu.iota {dimensions = array<i32: 0>} : vector<16xi32>
    %add3A_7 = arith.constant 0 : i32
    %add3A_8 = vector.broadcast %add3A_7 : i32 to vector<16xi32>
    %add3A_9 = arith.addi %iota3A, %add3A_8 : vector<16xi32>
    %swap3A = arith.constant 0 : index
    %swap3A_10 = tpu.vector_load %arg19[%swap3A] {strides = array<i32>} : memref<80xi32, #tpu.memory_space<vmem>>, vector<16xi32>,
    tpu.vector_store %arg19[%swap3A], %add3A_9 {strides = array<i32>} : memref<80xi32, #tpu.memory_space<vmem>>, vector<16xi32>,
    %iota3A_11 = tpu.iota {dimensions = array<i32: 0>} : vector<16xi32>
    %add3A_12 = arith.constant 16 : i32
    %add3A_13 = vector.broadcast %add3A_12 : i32 to vector<16xi32>
    %add3A_14 = arith.addi %iota3A_11, %add3A_13 : vector<16xi32>
    %swap3A_15 = arith.constant 16 : index
    %swap3A_16 = tpu.vector_load %arg19[%swap3A_15] {strides = array<i32>} : memref<80xi32, #tpu.memory_space<vmem>>, vector<16xi32>,
    tpu.vector_store %arg19[%swap3A_15], %add3A_14 {strides = array<i32>} : memref<80xi32, #tpu.memory_space<vmem>>, vector<16xi32>,
    %iota3A_17 = tpu.iota {dimensions = array<i32: 0>} : vector<16xi32>
    %add3A_18 = arith.constant 32 : i32
    %add3A_19 = vector.broadcast %add3A_18 : i32 to vector<16xi32>
    %add3A_20 = arith.addi %iota3A_17, %add3A_19 : vector<16xi32>
    %swap3A_21 = arith.constant 32 : index
    %swap3A_22 = tpu.vector_load %arg19[%swap3A_21] {strides = array<i32>} : memref<80xi32, #tpu.memory_space<vmem>>, vector<16xi32>,
    tpu.vector_store %arg19[%swap3A_21], %add3A_20 {strides = array<i32>} : memref<80xi32, #tpu.memory_space<vmem>>, vector<16xi32>,
    %iota3A_23 = tpu.iota {dimensions = array<i32: 0>} : vector<16xi32>
    %add3A_24 = arith.constant 48 : i32
    %add3A_25 = vector.broadcast %add3A_24 : i32 to vector<16xi32>
    %add3A_26 = arith.addi %iota3A_23, %add3A_25 : vector<16xi32>
    %swap3A_27 = arith.constant 48 : index
    %swap3A_28 = tpu.vector_load %arg19[%swap3A_27] {strides = array<i32>} : memref<80xi32, #tpu.memory_space<vmem>>, vector<16xi32>,
    tpu.vector_store %arg19[%swap3A_27], %add3A_26 {strides = array<i32>} : memref<80xi32, #tpu.memory_space<vmem>>, vector<16xi32>,
    %iota3A_29 = tpu.iota {dimensions = array<i32: 0>} : vector<16xi32>
    %add3A_30 = arith.constant 64 : i32
    %add3A_31 = vector.broadcast %add3A_30 : i32 to vector<16xi32>
    %add3A_32 = arith.addi %iota3A_29, %add3A_31 : vector<16xi32>
    %swap3A_33 = arith.constant 64 : index
    %swap3A_34 = tpu.vector_load %arg19[%swap3A_33] {strides = array<i32>} : memref<80xi32, #tpu.memory_space<vmem>>, vector<16xi32>,
    tpu.vector_store %arg19[%swap3A_33], %add3A_32 {strides = array<i32>} : memref<80xi32, #tpu.memory_space<vmem>>, vector<16xi32>,
    %barrier3A = arith.constant 0 : index
    tpu.barrier barrier_id(%barrier3A)
    %add3A_35 = arith.constant 0 : i32
    %add3A_36 = arith.addi %mul3A_2, %add3A_35 : i32
    %dma_start3A = arith.constant 0 : i32
    %dma_start3A_37 = arith.constant 0 : i32
    %dma_start3A_38 = tpu.memref_slice %arg9[%dma_start3A, %dma_start3A_37] : memref<4x128xi32, #tpu.memory_space<vmem>> -> memref<1x128xi32, #tpu.memory_space<vmem>>
    %dma_start3A_39 = tpu.memref_squeeze %dma_start3A_38 : memref<1x128xi32, #tpu.memory_space<vmem>> -> memref<128xi32, #tpu.memory_space<vmem>>
    %dma_start3A_40 = tpu.memref_slice %arg3[%add3A_36] : memref<327680xi32, #tpu.memory_space<hbm>> -> memref<128xi32, #tpu.memory_space<hbm>>
    %dma_start3A_41 = arith.constant 0 : i32
    %dma_start3A_42 = tpu.memref_slice %arg9[%dma_start3A, %dma_start3A_41] : memref<4x128xi32, #tpu.memory_space<vmem>> -> memref<1x128xi32, #tpu.memory_space<vmem>>
    %dma_start3A_43 = tpu.memref_squeeze %dma_start3A_42 : memref<1x128xi32, #tpu.memory_space<vmem>> -> memref<128xi32, #tpu.memory_space<vmem>>
    %dma_start3A_44 = tpu.memref_slice %arg3[%add3A_36] : memref<327680xi32, #tpu.memory_space<hbm>> -> memref<128xi32, #tpu.memory_space<hbm>>
    tpu.enqueue_dma source(%dma_start3A_44 : memref<128xi32, #tpu.memory_space<hbm>>) target(%dma_start3A_43 : memref<128xi32, #tpu.memory_space<vmem>>) target_semaphore(%arg16 : memref<!tpu.dma_semaphore, #tpu.memory_space<semaphore_mem>>)
    %dma_start3A_45 = arith.constant 0 : i32
    %dma_start3A_46 = arith.constant 0 : i32
    %dma_start3A_47 = tpu.memref_slice %arg10[%dma_start3A_45, %dma_start3A_46] : memref<4x128xi32, #tpu.memory_space<vmem>> -> memref<1x128xi32, #tpu.memory_space<vmem>>
    %dma_start3A_48 = tpu.memref_squeeze %dma_start3A_47 : memref<1x128xi32, #tpu.memory_space<vmem>> -> memref<128xi32, #tpu.memory_space<vmem>>
    %dma_start3A_49 = tpu.memref_slice %arg4[%add3A_36] : memref<327680xi32, #tpu.memory_space<hbm>> -> memref<128xi32, #tpu.memory_space<hbm>>
    %dma_start3A_50 = arith.constant 0 : i32
    %dma_start3A_51 = tpu.memref_slice %arg10[%dma_start3A_45, %dma_start3A_50] : memref<4x128xi32, #tpu.memory_space<vmem>> -> memref<1x128xi32, #tpu.memory_space<vmem>>
    %dma_start3A_52 = tpu.memref_squeeze %dma_start3A_51 : memref<1x128xi32, #tpu.memory_space<vmem>> -> memref<128xi32, #tpu.memory_space<vmem>>
    %dma_start3A_53 = tpu.memref_slice %arg4[%add3A_36] : memref<327680xi32, #tpu.memory_space<hbm>> -> memref<128xi32, #tpu.memory_space<hbm>>
    tpu.enqueue_dma source(%dma_start3A_53 : memref<128xi32, #tpu.memory_space<hbm>>) target(%dma_start3A_52 : memref<128xi32, #tpu.memory_space<vmem>>) target_semaphore(%arg17 : memref<!tpu.dma_semaphore, #tpu.memory_space<semaphore_mem>>)
    %add3A_54 = arith.constant 128 : i32
    %add3A_55 = arith.addi %mul3A_2, %add3A_54 : i32
    %dma_start3A_56 = arith.constant 1 : i32
    %dma_start3A_57 = arith.constant 0 : i32
    %dma_start3A_58 = tpu.memref_slice %arg9[%dma_start3A_56, %dma_start3A_57] : memref<4x128xi32, #tpu.memory_space<vmem>> -> memref<1x128xi32, #tpu.memory_space<vmem>>
    %dma_start3A_59 = tpu.memref_squeeze %dma_start3A_58 : memref<1x128xi32, #tpu.memory_space<vmem>> -> memref<128xi32, #tpu.memory_space<vmem>>
    %dma_start3A_60 = tpu.memref_slice %arg3[%add3A_55] : memref<327680xi32, #tpu.memory_space<hbm>> -> memref<128xi32, #tpu.memory_space<hbm>>
    %dma_start3A_61 = arith.constant 0 : i32
    %dma_start3A_62 = tpu.memref_slice %arg9[%dma_start3A_56, %dma_start3A_61] : memref<4x128xi32, #tpu.memory_space<vmem>> -> memref<1x128xi32, #tpu.memory_space<vmem>>
    %dma_start3A_63 = tpu.memref_squeeze %dma_start3A_62 : memref<1x128xi32, #tpu.memory_space<vmem>> -> memref<128xi32, #tpu.memory_space<vmem>>
    %dma_start3A_64 = tpu.memref_slice %arg3[%add3A_55] : memref<327680xi32, #tpu.memory_space<hbm>> -> memref<128xi32, #tpu.memory_space<hbm>>
    tpu.enqueue_dma source(%dma_start3A_64 : memref<128xi32, #tpu.memory_space<hbm>>) target(%dma_start3A_63 : memref<128xi32, #tpu.memory_space<vmem>>) target_semaphore(%arg16 : memref<!tpu.dma_semaphore, #tpu.memory_space<semaphore_mem>>)
    %dma_start3A_65 = arith.constant 1 : i32
    %dma_start3A_66 = arith.constant 0 : i32
    %dma_start3A_67 = tpu.memref_slice %arg10[%dma_start3A_65, %dma_start3A_66] : memref<4x128xi32, #tpu.memory_space<vmem>> -> memref<1x128xi32, #tpu.memory_space<vmem>>
    %dma_start3A_68 = tpu.memref_squeeze %dma_start3A_67 : memref<1x128xi32, #tpu.memory_space<vmem>> -> memref<128xi32, #tpu.memory_space<vmem>>
    %dma_start3A_69 = tpu.memref_slice %arg4[%add3A_55] : memref<327680xi32, #tpu.memory_space<hbm>> -> memref<128xi32, #tpu.memory_space<hbm>>
    %dma_start3A_70 = arith.constant 0 : i32
    %dma_start3A_71 = tpu.memref_slice %arg10[%dma_start3A_65, %dma_start3A_70] : memref<4x128xi32, #tpu.memory_space<vmem>> -> memref<1x128xi32, #tpu.memory_space<vmem>>
    %dma_start3A_72 = tpu.memref_squeeze %dma_start3A_71 : memref<1x128xi32, #tpu.memory_space<vmem>> -> memref<128xi32, #tpu.memory_space<vmem>>
    %dma_start3A_73 = tpu.memref_slice %arg4[%add3A_55] : memref<327680xi32, #tpu.memory_space<hbm>> -> memref<128xi32, #tpu.memory_space<hbm>>
    tpu.enqueue_dma source(%dma_start3A_73 : memref<128xi32, #tpu.memory_space<hbm>>) target(%dma_start3A_72 : memref<128xi32, #tpu.memory_space<vmem>>) target_semaphore(%arg17 : memref<!tpu.dma_semaphore, #tpu.memory_space<semaphore_mem>>)
    %add3A_74 = arith.constant 256 : i32
    %add3A_75 = arith.addi %mul3A_2, %add3A_74 : i32
    %dma_start3A_76 = arith.constant 2 : i32
    %dma_start3A_77 = arith.constant 0 : i32
    %dma_start3A_78 = tpu.memref_slice %arg9[%dma_start3A_76, %dma_start3A_77] : memref<4x128xi32, #tpu.memory_space<vmem>> -> memref<1x128xi32, #tpu.memory_space<vmem>>
    %dma_start3A_79 = tpu.memref_squeeze %dma_start3A_78 : memref<1x128xi32, #tpu.memory_space<vmem>> -> memref<128xi32, #tpu.memory_space<vmem>>
    %dma_start3A_80 = tpu.memref_slice %arg3[%add3A_75] : memref<327680xi32, #tpu.memory_space<hbm>> -> memref<128xi32, #tpu.memory_space<hbm>>
    %dma_start3A_81 = arith.constant 0 : i32
    %dma_start3A_82 = tpu.memref_slice %arg9[%dma_start3A_76, %dma_start3A_81] : memref<4x128xi32, #tpu.memory_space<vmem>> -> memref<1x128xi32, #tpu.memory_space<vmem>>
    %dma_start3A_83 = tpu.memref_squeeze %dma_start3A_82 : memref<1x128xi32, #tpu.memory_space<vmem>> -> memref<128xi32, #tpu.memory_space<vmem>>
    %dma_start3A_84 = tpu.memref_slice %arg3[%add3A_75] : memref<327680xi32, #tpu.memory_space<hbm>> -> memref<128xi32, #tpu.memory_space<hbm>>
    tpu.enqueue_dma source(%dma_start3A_84 : memref<128xi32, #tpu.memory_space<hbm>>) target(%dma_start3A_83 : memref<128xi32, #tpu.memory_space<vmem>>) target_semaphore(%arg16 : memref<!tpu.dma_semaphore, #tpu.memory_space<semaphore_mem>>)
    %dma_start3A_85 = arith.constant 2 : i32
    %dma_start3A_86 = arith.constant 0 : i32
    %dma_start3A_87 = tpu.memref_slice %arg10[%dma_start3A_85, %dma_start3A_86] : memref<4x128xi32, #tpu.memory_space<vmem>> -> memref<1x128xi32, #tpu.memory_space<vmem>>
    %dma_start3A_88 = tpu.memref_squeeze %dma_start3A_87 : memref<1x128xi32, #tpu.memory_space<vmem>> -> memref<128xi32, #tpu.memory_space<vmem>>
    %dma_start3A_89 = tpu.memref_slice %arg4[%add3A_75] : memref<327680xi32, #tpu.memory_space<hbm>> -> memref<128xi32, #tpu.memory_space<hbm>>
    %dma_start3A_90 = arith.constant 0 : i32
    %dma_start3A_91 = tpu.memref_slice %arg10[%dma_start3A_85, %dma_start3A_90] : memref<4x128xi32, #tpu.memory_space<vmem>> -> memref<1x128xi32, #tpu.memory_space<vmem>>
    %dma_start3A_92 = tpu.memref_squeeze %dma_start3A_91 : memref<1x128xi32, #tpu.memory_space<vmem>> -> memref<128xi32, #tpu.memory_space<vmem>>
    %dma_start3A_93 = tpu.memref_slice %arg4[%add3A_75] : memref<327680xi32, #tpu.memory_space<hbm>> -> memref<128xi32, #tpu.memory_space<hbm>>
    tpu.enqueue_dma source(%dma_start3A_93 : memref<128xi32, #tpu.memory_space<hbm>>) target(%dma_start3A_92 : memref<128xi32, #tpu.memory_space<vmem>>) target_semaphore(%arg17 : memref<!tpu.dma_semaphore, #tpu.memory_space<semaphore_mem>>)
    %add3A_94 = arith.constant 384 : i32
    %add3A_95 = arith.addi %mul3A_2, %add3A_94 : i32
    %dma_start3A_96 = arith.constant 3 : i32
    %dma_start3A_97 = arith.constant 0 : i32
    %dma_start3A_98 = tpu.memref_slice %arg9[%dma_start3A_96, %dma_start3A_97] : memref<4x128xi32, #tpu.memory_space<vmem>> -> memref<1x128xi32, #tpu.memory_space<vmem>>
    %dma_start3A_99 = tpu.memref_squeeze %dma_start3A_98 : memref<1x128xi32, #tpu.memory_space<vmem>> -> memref<128xi32, #tpu.memory_space<vmem>>
    %dma_start3A_100 = tpu.memref_slice %arg3[%add3A_95] : memref<327680xi32, #tpu.memory_space<hbm>> -> memref<128xi32, #tpu.memory_space<hbm>>
    %dma_start3A_101 = arith.constant 0 : i32
    %dma_start3A_102 = tpu.memref_slice %arg9[%dma_start3A_96, %dma_start3A_101] : memref<4x128xi32, #tpu.memory_space<vmem>> -> memref<1x128xi32, #tpu.memory_space<vmem>>
    %dma_start3A_103 = tpu.memref_squeeze %dma_start3A_102 : memref<1x128xi32, #tpu.memory_space<vmem>> -> memref<128xi32, #tpu.memory_space<vmem>>
    %dma_start3A_104 = tpu.memref_slice %arg3[%add3A_95] : memref<327680xi32, #tpu.memory_space<hbm>> -> memref<128xi32, #tpu.memory_space<hbm>>
    tpu.enqueue_dma source(%dma_start3A_104 : memref<128xi32, #tpu.memory_space<hbm>>) target(%dma_start3A_103 : memref<128xi32, #tpu.memory_space<vmem>>) target_semaphore(%arg16 : memref<!tpu.dma_semaphore, #tpu.memory_space<semaphore_mem>>)
    %dma_start3A_105 = arith.constant 3 : i32
    %dma_start3A_106 = arith.constant 0 : i32
    %dma_start3A_107 = tpu.memref_slice %arg10[%dma_start3A_105, %dma_start3A_106] : memref<4x128xi32, #tpu.memory_space<vmem>> -> memref<1x128xi32, #tpu.memory_space<vmem>>
    %dma_start3A_108 = tpu.memref_squeeze %dma_start3A_107 : memref<1x128xi32, #tpu.memory_space<vmem>> -> memref<128xi32, #tpu.memory_space<vmem>>
    %dma_start3A_109 = tpu.memref_slice %arg4[%add3A_95] : memref<327680xi32, #tpu.memory_space<hbm>> -> memref<128xi32, #tpu.memory_space<hbm>>
    %dma_start3A_110 = arith.constant 0 : i32
    %dma_start3A_111 = tpu.memref_slice %arg10[%dma_start3A_105, %dma_start3A_110] : memref<4x128xi32, #tpu.memory_space<vmem>> -> memref<1x128xi32, #tpu.memory_space<vmem>>
    %dma_start3A_112 = tpu.memref_squeeze %dma_start3A_111 : memref<1x128xi32, #tpu.memory_space<vmem>> -> memref<128xi32, #tpu.memory_space<vmem>>
    %dma_start3A_113 = tpu.memref_slice %arg4[%add3A_95] : memref<327680xi32, #tpu.memory_space<hbm>> -> memref<128xi32, #tpu.memory_space<hbm>>
    tpu.enqueue_dma source(%dma_start3A_113 : memref<128xi32, #tpu.memory_space<hbm>>) target(%dma_start3A_112 : memref<128xi32, #tpu.memory_space<vmem>>) target_semaphore(%arg17 : memref<!tpu.dma_semaphore, #tpu.memory_space<semaphore_mem>>)
    %dma_wait3A = arith.constant 0 : i32
    %dma_wait3A_114 = arith.constant 0 : i32
    %dma_wait3A_115 = tpu.memref_slice %arg9[%dma_wait3A, %dma_wait3A_114] : memref<4x128xi32, #tpu.memory_space<vmem>> -> memref<1x128xi32, #tpu.memory_space<vmem>>
    %dma_wait3A_116 = tpu.memref_squeeze %dma_wait3A_115 : memref<1x128xi32, #tpu.memory_space<vmem>> -> memref<128xi32, #tpu.memory_space<vmem>>
    %dma_wait3A_117 = arith.constant 0 : i32
    %dma_wait3A_118 = tpu.memref_slice %arg3[%dma_wait3A_117] : memref<327680xi32, #tpu.memory_space<hbm>> -> memref<128xi32, #tpu.memory_space<hbm>>
    %dma_wait3A_119 = arith.constant 0 : i32
    %dma_wait3A_120 = tpu.memref_slice %arg9[%dma_wait3A, %dma_wait3A_119] : memref<4x128xi32, #tpu.memory_space<vmem>> -> memref<1x128xi32, #tpu.memory_space<vmem>>
    %dma_wait3A_121 = tpu.memref_squeeze %dma_wait3A_120 : memref<1x128xi32, #tpu.memory_space<vmem>> -> memref<128xi32, #tpu.memory_space<vmem>>
    %dma_wait3A_122 = arith.constant 0 : i32
    %dma_wait3A_123 = tpu.memref_slice %arg3[%dma_wait3A_122] : memref<327680xi32, #tpu.memory_space<hbm>> -> memref<128xi32, #tpu.memory_space<hbm>>
    tpu.wait_dma2 semaphore(%arg16 : memref<!tpu.dma_semaphore, #tpu.memory_space<semaphore_mem>>) src(%dma_wait3A_123 : memref<128xi32, #tpu.memory_space<hbm>>) dst(%dma_wait3A_121 : memref<128xi32, #tpu.memory_space<vmem>>)
    %dma_wait3A_124 = arith.constant 0 : i32
    %dma_wait3A_125 = arith.constant 0 : i32
    %dma_wait3A_126 = tpu.memref_slice %arg10[%dma_wait3A_124, %dma_wait3A_125] : memref<4x128xi32, #tpu.memory_space<vmem>> -> memref<1x128xi32, #tpu.memory_space<vmem>>
    %dma_wait3A_127 = tpu.memref_squeeze %dma_wait3A_126 : memref<1x128xi32, #tpu.memory_space<vmem>> -> memref<128xi32, #tpu.memory_space<vmem>>
    %dma_wait3A_128 = arith.constant 0 : i32
    %dma_wait3A_129 = tpu.memref_slice %arg4[%dma_wait3A_128] : memref<327680xi32, #tpu.memory_space<hbm>> -> memref<128xi32, #tpu.memory_space<hbm>>
    %dma_wait3A_130 = arith.constant 0 : i32
    %dma_wait3A_131 = tpu.memref_slice %arg10[%dma_wait3A_124, %dma_wait3A_130] : memref<4x128xi32, #tpu.memory_space<vmem>> -> memref<1x128xi32, #tpu.memory_space<vmem>>
    %dma_wait3A_132 = tpu.memref_squeeze %dma_wait3A_131 : memref<1x128xi32, #tpu.memory_space<vmem>> -> memref<128xi32, #tpu.memory_space<vmem>>
    %dma_wait3A_133 = arith.constant 0 : i32
    %dma_wait3A_134 = tpu.memref_slice %arg4[%dma_wait3A_133] : memref<327680xi32, #tpu.memory_space<hbm>> -> memref<128xi32, #tpu.memory_space<hbm>>
    tpu.wait_dma2 semaphore(%arg17 : memref<!tpu.dma_semaphore, #tpu.memory_space<semaphore_mem>>) src(%dma_wait3A_134 : memref<128xi32, #tpu.memory_space<hbm>>) dst(%dma_wait3A_132 : memref<128xi32, #tpu.memory_space<vmem>>)
    %dma_wait3A_135 = arith.constant 0 : i32
    %dma_wait3A_136 = arith.constant 0 : i32
    %dma_wait3A_137 = tpu.memref_slice %arg9[%dma_wait3A_135, %dma_wait3A_136] : memref<4x128xi32, #tpu.memory_space<vmem>> -> memref<1x128xi32, #tpu.memory_space<vmem>>
    %dma_wait3A_138 = tpu.memref_squeeze %dma_wait3A_137 : memref<1x128xi32, #tpu.memory_space<vmem>> -> memref<128xi32, #tpu.memory_space<vmem>>
    %dma_wait3A_139 = arith.constant 0 : i32
    %dma_wait3A_140 = tpu.memref_slice %arg3[%dma_wait3A_139] : memref<327680xi32, #tpu.memory_space<hbm>> -> memref<128xi32, #tpu.memory_space<hbm>>
    %dma_wait3A_141 = arith.constant 0 : i32
    %dma_wait3A_142 = tpu.memref_slice %arg9[%dma_wait3A_135, %dma_wait3A_141] : memref<4x128xi32, #tpu.memory_space<vmem>> -> memref<1x128xi32, #tpu.memory_space<vmem>>
    %dma_wait3A_143 = tpu.memref_squeeze %dma_wait3A_142 : memref<1x128xi32, #tpu.memory_space<vmem>> -> memref<128xi32, #tpu.memory_space<vmem>>
    %dma_wait3A_144 = arith.constant 0 : i32
    %dma_wait3A_145 = tpu.memref_slice %arg3[%dma_wait3A_144] : memref<327680xi32, #tpu.memory_space<hbm>> -> memref<128xi32, #tpu.memory_space<hbm>>
    tpu.wait_dma2 semaphore(%arg16 : memref<!tpu.dma_semaphore, #tpu.memory_space<semaphore_mem>>) src(%dma_wait3A_145 : memref<128xi32, #tpu.memory_space<hbm>>) dst(%dma_wait3A_143 : memref<128xi32, #tpu.memory_space<vmem>>)
    %dma_wait3A_146 = arith.constant 0 : i32
    %dma_wait3A_147 = arith.constant 0 : i32
    %dma_wait3A_148 = tpu.memref_slice %arg10[%dma_wait3A_146, %dma_wait3A_147] : memref<4x128xi32, #tpu.memory_space<vmem>> -> memref<1x128xi32, #tpu.memory_space<vmem>>
    %dma_wait3A_149 = tpu.memref_squeeze %dma_wait3A_148 : memref<1x128xi32, #tpu.memory_space<vmem>> -> memref<128xi32, #tpu.memory_space<vmem>>
    %dma_wait3A_150 = arith.constant 0 : i32
    %dma_wait3A_151 = tpu.memref_slice %arg4[%dma_wait3A_150] : memref<327680xi32, #tpu.memory_space<hbm>> -> memref<128xi32, #tpu.memory_space<hbm>>
    %dma_wait3A_152 = arith.constant 0 : i32
    %dma_wait3A_153 = tpu.memref_slice %arg10[%dma_wait3A_146, %dma_wait3A_152] : memref<4x128xi32, #tpu.memory_space<vmem>> -> memref<1x128xi32, #tpu.memory_space<vmem>>
    %dma_wait3A_154 = tpu.memref_squeeze %dma_wait3A_153 : memref<1x128xi32, #tpu.memory_space<vmem>> -> memref<128xi32, #tpu.memory_space<vmem>>
    %dma_wait3A_155 = arith.constant 0 : i32
    %dma_wait3A_156 = tpu.memref_slice %arg4[%dma_wait3A_155] : memref<327680xi32, #tpu.memory_space<hbm>> -> memref<128xi32, #tpu.memory_space<hbm>>
    tpu.wait_dma2 semaphore(%arg17 : memref<!tpu.dma_semaphore, #tpu.memory_space<semaphore_mem>>) src(%dma_wait3A_156 : memref<128xi32, #tpu.memory_space<hbm>>) dst(%dma_wait3A_154 : memref<128xi32, #tpu.memory_space<vmem>>)
    %dma_start3A_157 = arith.constant 0 : i32
    %dma_start3A_158 = arith.constant 0 : i32
    %dma_start3A_159 = tpu.memref_slice %arg9[%dma_start3A_157, %dma_start3A_158] : memref<4x128xi32, #tpu.memory_space<vmem>> -> memref<1x128xi32, #tpu.memory_space<vmem>>
    %dma_start3A_160 = tpu.memref_squeeze %dma_start3A_159 : memref<1x128xi32, #tpu.memory_space<vmem>> -> memref<128xi32, #tpu.memory_space<vmem>>
    %dma_start3A_161 = arith.constant 0 : i32
    %dma_start3A_162 = arith.constant 0 : i32
    %dma_start3A_163 = tpu.memref_slice %arg2[%dma_start3A_161, %dma_start3A_162] : memref<10000x128xf32, #tpu.memory_space<hbm>> -> memref<10000x128xf32, #tpu.memory_space<hbm>>
    tpu.enqueue_indirect_dma source(%dma_start3A_163 : memref<10000x128xf32, #tpu.memory_space<hbm>>) target(%arg11 : memref<128x128xf32, #tpu.memory_space<vmem>>) offsets(%dma_start3A_160 : memref<128xi32, #tpu.memory_space<vmem>>) semaphore(%arg14 : memref<!tpu.dma_semaphore, #tpu.memory_space<semaphore_mem>>)
    %dma_start3A_164 = arith.constant 1 : i32
    %dma_start3A_165 = arith.constant 0 : i32
    %dma_start3A_166 = tpu.memref_slice %arg9[%dma_start3A_164, %dma_start3A_165] : memref<4x128xi32, #tpu.memory_space<vmem>> -> memref<1x128xi32, #tpu.memory_space<vmem>>
    %dma_start3A_167 = tpu.memref_squeeze %dma_start3A_166 : memref<1x128xi32, #tpu.memory_space<vmem>> -> memref<128xi32, #tpu.memory_space<vmem>>
    %dma_start3A_168 = arith.constant 0 : i32
    %dma_start3A_169 = arith.constant 0 : i32
    %dma_start3A_170 = tpu.memref_slice %arg2[%dma_start3A_168, %dma_start3A_169] : memref<10000x128xf32, #tpu.memory_space<hbm>> -> memref<10000x128xf32, #tpu.memory_space<hbm>>
    tpu.enqueue_indirect_dma source(%dma_start3A_170 : memref<10000x128xf32, #tpu.memory_space<hbm>>) target(%arg12 : memref<128x128xf32, #tpu.memory_space<vmem>>) offsets(%dma_start3A_167 : memref<128xi32, #tpu.memory_space<vmem>>) semaphore(%arg15 : memref<!tpu.dma_semaphore, #tpu.memory_space<semaphore_mem>>)
    %scan3A = arith.constant 0 : i32
    %scan3A_171 = arith.constant 0 : i32
    %scan3A_172 = arith.constant 40 : i32
    %scan3A_173 = arith.addi %scan3A_171, %scan3A_172 : i32
    %scan3A_174 = arith.constant 1 : i32
    scf.for %scan3A_244 = %scan3A_171 to %scan3A_173 step %scan3A_174  : i32 {
      %mul3A_245 = arith.constant 2 : i32
      %mul3A_246 = arith.muli %mul3A_245, %scan3A_244 : i32
      %rem3A = arith.constant 4 : i32
      %rem3A_247 = arith.remsi %mul3A_246, %rem3A : i32
      %dma_wait3A_248 = arith.constant 0 : i32
      %dma_wait3A_249 = arith.constant 0 : i32
      %dma_wait3A_250 = tpu.memref_slice %arg9[%dma_wait3A_248, %dma_wait3A_249] : memref<4x128xi32, #tpu.memory_space<vmem>> -> memref<1x128xi32, #tpu.memory_space<vmem>>
      %dma_wait3A_251 = tpu.memref_squeeze %dma_wait3A_250 : memref<1x128xi32, #tpu.memory_space<vmem>> -> memref<128xi32, #tpu.memory_space<vmem>>
      %dma_wait3A_252 = arith.constant 0 : i32
      %dma_wait3A_253 = tpu.memref_slice %arg3[%dma_wait3A_252] : memref<327680xi32, #tpu.memory_space<hbm>> -> memref<128xi32, #tpu.memory_space<hbm>>
      %dma_wait3A_254 = arith.constant 0 : i32
      %dma_wait3A_255 = tpu.memref_slice %arg9[%dma_wait3A_248, %dma_wait3A_254] : memref<4x128xi32, #tpu.memory_space<vmem>> -> memref<1x128xi32, #tpu.memory_space<vmem>>
      %dma_wait3A_256 = tpu.memref_squeeze %dma_wait3A_255 : memref<1x128xi32, #tpu.memory_space<vmem>> -> memref<128xi32, #tpu.memory_space<vmem>>
      %dma_wait3A_257 = arith.constant 0 : i32
      %dma_wait3A_258 = tpu.memref_slice %arg3[%dma_wait3A_257] : memref<327680xi32, #tpu.memory_space<hbm>> -> memref<128xi32, #tpu.memory_space<hbm>>
      tpu.wait_dma2 semaphore(%arg16 : memref<!tpu.dma_semaphore, #tpu.memory_space<semaphore_mem>>) src(%dma_wait3A_258 : memref<128xi32, #tpu.memory_space<hbm>>) dst(%dma_wait3A_256 : memref<128xi32, #tpu.memory_space<vmem>>)
      %dma_wait3A_259 = arith.constant 0 : i32
      %dma_wait3A_260 = arith.constant 0 : i32
      %dma_wait3A_261 = tpu.memref_slice %arg10[%dma_wait3A_259, %dma_wait3A_260] : memref<4x128xi32, #tpu.memory_space<vmem>> -> memref<1x128xi32, #tpu.memory_space<vmem>>
      %dma_wait3A_262 = tpu.memref_squeeze %dma_wait3A_261 : memref<1x128xi32, #tpu.memory_space<vmem>> -> memref<128xi32, #tpu.memory_space<vmem>>
      %dma_wait3A_263 = arith.constant 0 : i32
      %dma_wait3A_264 = tpu.memref_slice %arg4[%dma_wait3A_263] : memref<327680xi32, #tpu.memory_space<hbm>> -> memref<128xi32, #tpu.memory_space<hbm>>
      %dma_wait3A_265 = arith.constant 0 : i32
      %dma_wait3A_266 = tpu.memref_slice %arg10[%dma_wait3A_259, %dma_wait3A_265] : memref<4x128xi32, #tpu.memory_space<vmem>> -> memref<1x128xi32, #tpu.memory_space<vmem>>
      %dma_wait3A_267 = tpu.memref_squeeze %dma_wait3A_266 : memref<1x128xi32, #tpu.memory_space<vmem>> -> memref<128xi32, #tpu.memory_space<vmem>>
      %dma_wait3A_268 = arith.constant 0 : i32
      %dma_wait3A_269 = tpu.memref_slice %arg4[%dma_wait3A_268] : memref<327680xi32, #tpu.memory_space<hbm>> -> memref<128xi32, #tpu.memory_space<hbm>>
      tpu.wait_dma2 semaphore(%arg17 : memref<!tpu.dma_semaphore, #tpu.memory_space<semaphore_mem>>) src(%dma_wait3A_269 : memref<128xi32, #tpu.memory_space<hbm>>) dst(%dma_wait3A_267 : memref<128xi32, #tpu.memory_space<vmem>>)
      %dma_wait3A_270 = arith.constant 0 : i32
      %dma_wait3A_271 = arith.constant 0 : i32
      %dma_wait3A_272 = tpu.memref_slice %arg9[%dma_wait3A_270, %dma_wait3A_271] : memref<4x128xi32, #tpu.memory_space<vmem>> -> memref<1x128xi32, #tpu.memory_space<vmem>>
      %dma_wait3A_273 = tpu.memref_squeeze %dma_wait3A_272 : memref<1x128xi32, #tpu.memory_space<vmem>> -> memref<128xi32, #tpu.memory_space<vmem>>
      %dma_wait3A_274 = arith.constant 0 : i32
      %dma_wait3A_275 = arith.constant 0 : i32
      %dma_wait3A_276 = tpu.memref_slice %arg2[%dma_wait3A_274, %dma_wait3A_275] : memref<10000x128xf32, #tpu.memory_space<hbm>> -> memref<10000x128xf32, #tpu.memory_space<hbm>>
      tpu.wait_indirect_dma semaphore(%arg14 : memref<!tpu.dma_semaphore, #tpu.memory_space<semaphore_mem>>) src(%dma_wait3A_276 : memref<10000x128xf32, #tpu.memory_space<hbm>>) dst(%arg11 : memref<128x128xf32, #tpu.memory_space<vmem>>)
      "tpu.region"() ({
        %run_scoped3A = tpu.sem_alloc : memref<!tpu.dma_semaphore, #tpu.memory_space<semaphore_mem>>
        %dma_start3A_596 = arith.constant 0 : i32
        %dma_start3A_597 = tpu.memref_slice %arg10[%rem3A_247, %dma_start3A_596] : memref<4x128xi32, #tpu.memory_space<vmem>> -> memref<1x128xi32, #tpu.memory_space<vmem>>
        %dma_start3A_598 = tpu.memref_squeeze %dma_start3A_597 : memref<1x128xi32, #tpu.memory_space<vmem>> -> memref<128xi32, #tpu.memory_space<vmem>>
        %dma_start3A_599 = arith.constant 0 : i32
        %dma_start3A_600 = arith.constant 0 : i32
        %dma_start3A_601 = tpu.memref_slice %arg13[%dma_start3A_599, %dma_start3A_600] : memref<10240x128xf32, #tpu.memory_space<vmem_shared>> -> memref<10240x128xf32, #tpu.memory_space<vmem_shared>>
        tpu.enqueue_indirect_dma source(%arg11 : memref<128x128xf32, #tpu.memory_space<vmem>>) target(%dma_start3A_601 : memref<10240x128xf32, #tpu.memory_space<vmem_shared>>) offsets(%dma_start3A_598 : memref<128xi32, #tpu.memory_space<vmem>>) semaphore(%run_scoped3A : memref<!tpu.dma_semaphore, #tpu.memory_space<semaphore_mem>>) {add = true}
        %dma_wait3A_602 = arith.constant 0 : i32
        %dma_wait3A_603 = tpu.memref_slice %arg10[%rem3A_247, %dma_wait3A_602] : memref<4x128xi32, #tpu.memory_space<vmem>> -> memref<1x128xi32, #tpu.memory_space<vmem>>
        %dma_wait3A_604 = tpu.memref_squeeze %dma_wait3A_603 : memref<1x128xi32, #tpu.memory_space<vmem>> -> memref<128xi32, #tpu.memory_space<vmem>>
        %dma_wait3A_605 = arith.constant 0 : i32
        %dma_wait3A_606 = arith.constant 0 : i32
        %dma_wait3A_607 = tpu.memref_slice %arg13[%dma_wait3A_605, %dma_wait3A_606] : memref<10240x128xf32, #tpu.memory_space<vmem_shared>> -> memref<10240x128xf32, #tpu.memory_space<vmem_shared>>
        tpu.wait_indirect_dma semaphore(%run_scoped3A : memref<!tpu.dma_semaphore, #tpu.memory_space<semaphore_mem>>) src(%arg11 : memref<128x128xf32, #tpu.memory_space<vmem>>) dst(%dma_wait3A_607 : memref<10240x128xf32, #tpu.memory_space<vmem_shared>>)
        tpu.yield
      }) : () -> ()
      %add3A_277 = arith.constant 2 : i32
      %add3A_278 = arith.addi %mul3A_246, %add3A_277 : i32
      %rem3A_279 = arith.constant 4 : i32
      %rem3A_280 = arith.remsi %add3A_278, %rem3A_279 : i32
      %dma_start3A_281 = arith.constant 0 : i32
      %dma_start3A_282 = tpu.memref_slice %arg9[%rem3A_280, %dma_start3A_281] : memref<4x128xi32, #tpu.memory_space<vmem>> -> memref<1x128xi32, #tpu.memory_space<vmem>>
      %dma_start3A_283 = tpu.memref_squeeze %dma_start3A_282 : memref<1x128xi32, #tpu.memory_space<vmem>> -> memref<128xi32, #tpu.memory_space<vmem>>
      %dma_start3A_284 = arith.constant 0 : i32
      %dma_start3A_285 = arith.constant 0 : i32
      %dma_start3A_286 = tpu.memref_slice %arg2[%dma_start3A_284, %dma_start3A_285] : memref<10000x128xf32, #tpu.memory_space<hbm>> -> memref<10000x128xf32, #tpu.memory_space<hbm>>
      tpu.enqueue_indirect_dma source(%dma_start3A_286 : memref<10000x128xf32, #tpu.memory_space<hbm>>) target(%arg11 : memref<128x128xf32, #tpu.memory_space<vmem>>) offsets(%dma_start3A_283 : memref<128xi32, #tpu.memory_space<vmem>>) semaphore(%arg14 : memref<!tpu.dma_semaphore, #tpu.memory_space<semaphore_mem>>)
      %get3A = arith.index_cast %rem3A_247 : i32 to index
      %get3A_287 = arith.constant 0 : index
      %get3A_288 = tpu.vector_load %arg10[%get3A, %get3A_287] {strides = array<i32>} : memref<4x128xi32, #tpu.memory_space<vmem>>, vector<16xi32>,
      %broadcast_in_dim3A = arith.constant true
      %broadcast_in_dim3A_289 = vector.broadcast %broadcast_in_dim3A : i1 to vector<16xi1>
      %unique3A, %unique3A_290 = tpu.scan_count mask(%broadcast_in_dim3A_289 : vector<16xi1>) value(%get3A_288 : vector<16xi32>) : vector<16xi1>, vector<16xi32>
      %shift_right_logical3A = arith.constant 7 : i32
      %shift_right_logical3A_291 = vector.broadcast %shift_right_logical3A : i32 to vector<16xi32>
      %shift_right_logical3A_292 = arith.shrui %get3A_288, %shift_right_logical3A_291 : vector<16xi32>
      %and3A = arith.constant 127 : i32
      %and3A_293 = vector.broadcast %and3A : i32 to vector<16xi32>
      %and3A_294 = arith.andi %get3A_288, %and3A_293 : vector<16xi32>
      %convert_element_type3A_295 = arith.sitofp %unique3A_290 : vector<16xi32> to vector<16xf32>
      tpu.vector_store_idx %arg18[%shift_right_logical3A_292, %and3A_294], %convert_element_type3A_295 masked %unique3A {add = true} : memref<80x128xf32, #tpu.memory_space<vmem>>[vector<16xi32>, vector<16xi32>], vector<16xf32>, vector<16xi1>
      %get3A_296 = arith.index_cast %rem3A_247 : i32 to index
      %get3A_297 = arith.constant 16 : index
      %get3A_298 = tpu.vector_load %arg10[%get3A_296, %get3A_297] {strides = array<i32>} : memref<4x128xi32, #tpu.memory_space<vmem>>, vector<16xi32>,
      %broadcast_in_dim3A_299 = arith.constant true
      %broadcast_in_dim3A_300 = vector.broadcast %broadcast_in_dim3A_299 : i1 to vector<16xi1>
      %unique3A_301, %unique3A_302 = tpu.scan_count mask(%broadcast_in_dim3A_300 : vector<16xi1>) value(%get3A_298 : vector<16xi32>) : vector<16xi1>, vector<16xi32>
      %shift_right_logical3A_303 = arith.constant 7 : i32
      %shift_right_logical3A_304 = vector.broadcast %shift_right_logical3A_303 : i32 to vector<16xi32>
      %shift_right_logical3A_305 = arith.shrui %get3A_298, %shift_right_logical3A_304 : vector<16xi32>
      %and3A_306 = arith.constant 127 : i32
      %and3A_307 = vector.broadcast %and3A_306 : i32 to vector<16xi32>
      %and3A_308 = arith.andi %get3A_298, %and3A_307 : vector<16xi32>
      %convert_element_type3A_309 = arith.sitofp %unique3A_302 : vector<16xi32> to vector<16xf32>
      tpu.vector_store_idx %arg18[%shift_right_logical3A_305, %and3A_308], %convert_element_type3A_309 masked %unique3A_301 {add = true} : memref<80x128xf32, #tpu.memory_space<vmem>>[vector<16xi32>, vector<16xi32>], vector<16xf32>, vector<16xi1>
      %get3A_310 = arith.index_cast %rem3A_247 : i32 to index
      %get3A_311 = arith.constant 32 : index
      %get3A_312 = tpu.vector_load %arg10[%get3A_310, %get3A_311] {strides = array<i32>} : memref<4x128xi32, #tpu.memory_space<vmem>>, vector<16xi32>,
      %broadcast_in_dim3A_313 = arith.constant true
      %broadcast_in_dim3A_314 = vector.broadcast %broadcast_in_dim3A_313 : i1 to vector<16xi1>
      %unique3A_315, %unique3A_316 = tpu.scan_count mask(%broadcast_in_dim3A_314 : vector<16xi1>) value(%get3A_312 : vector<16xi32>) : vector<16xi1>, vector<16xi32>
      %shift_right_logical3A_317 = arith.constant 7 : i32
      %shift_right_logical3A_318 = vector.broadcast %shift_right_logical3A_317 : i32 to vector<16xi32>
      %shift_right_logical3A_319 = arith.shrui %get3A_312, %shift_right_logical3A_318 : vector<16xi32>
      %and3A_320 = arith.constant 127 : i32
      %and3A_321 = vector.broadcast %and3A_320 : i32 to vector<16xi32>
      %and3A_322 = arith.andi %get3A_312, %and3A_321 : vector<16xi32>
      %convert_element_type3A_323 = arith.sitofp %unique3A_316 : vector<16xi32> to vector<16xf32>
      tpu.vector_store_idx %arg18[%shift_right_logical3A_319, %and3A_322], %convert_element_type3A_323 masked %unique3A_315 {add = true} : memref<80x128xf32, #tpu.memory_space<vmem>>[vector<16xi32>, vector<16xi32>], vector<16xf32>, vector<16xi1>
      %get3A_324 = arith.index_cast %rem3A_247 : i32 to index
      %get3A_325 = arith.constant 48 : index
      %get3A_326 = tpu.vector_load %arg10[%get3A_324, %get3A_325] {strides = array<i32>} : memref<4x128xi32, #tpu.memory_space<vmem>>, vector<16xi32>,
      %broadcast_in_dim3A_327 = arith.constant true
      %broadcast_in_dim3A_328 = vector.broadcast %broadcast_in_dim3A_327 : i1 to vector<16xi1>
      %unique3A_329, %unique3A_330 = tpu.scan_count mask(%broadcast_in_dim3A_328 : vector<16xi1>) value(%get3A_326 : vector<16xi32>) : vector<16xi1>, vector<16xi32>
      %shift_right_logical3A_331 = arith.constant 7 : i32
      %shift_right_logical3A_332 = vector.broadcast %shift_right_logical3A_331 : i32 to vector<16xi32>
      %shift_right_logical3A_333 = arith.shrui %get3A_326, %shift_right_logical3A_332 : vector<16xi32>
      %and3A_334 = arith.constant 127 : i32
      %and3A_335 = vector.broadcast %and3A_334 : i32 to vector<16xi32>
      %and3A_336 = arith.andi %get3A_326, %and3A_335 : vector<16xi32>
      %convert_element_type3A_337 = arith.sitofp %unique3A_330 : vector<16xi32> to vector<16xf32>
      tpu.vector_store_idx %arg18[%shift_right_logical3A_333, %and3A_336], %convert_element_type3A_337 masked %unique3A_329 {add = true} : memref<80x128xf32, #tpu.memory_space<vmem>>[vector<16xi32>, vector<16xi32>], vector<16xf32>, vector<16xi1>
      %get3A_338 = arith.index_cast %rem3A_247 : i32 to index
      %get3A_339 = arith.constant 64 : index
      %get3A_340 = tpu.vector_load %arg10[%get3A_338, %get3A_339] {strides = array<i32>} : memref<4x128xi32, #tpu.memory_space<vmem>>, vector<16xi32>,
      %broadcast_in_dim3A_341 = arith.constant true
      %broadcast_in_dim3A_342 = vector.broadcast %broadcast_in_dim3A_341 : i1 to vector<16xi1>
      %unique3A_343, %unique3A_344 = tpu.scan_count mask(%broadcast_in_dim3A_342 : vector<16xi1>) value(%get3A_340 : vector<16xi32>) : vector<16xi1>, vector<16xi32>
      %shift_right_logical3A_345 = arith.constant 7 : i32
      %shift_right_logical3A_346 = vector.broadcast %shift_right_logical3A_345 : i32 to vector<16xi32>
      %shift_right_logical3A_347 = arith.shrui %get3A_340, %shift_right_logical3A_346 : vector<16xi32>
      %and3A_348 = arith.constant 127 : i32
      %and3A_349 = vector.broadcast %and3A_348 : i32 to vector<16xi32>
      %and3A_350 = arith.andi %get3A_340, %and3A_349 : vector<16xi32>
      %convert_element_type3A_351 = arith.sitofp %unique3A_344 : vector<16xi32> to vector<16xf32>
      tpu.vector_store_idx %arg18[%shift_right_logical3A_347, %and3A_350], %convert_element_type3A_351 masked %unique3A_343 {add = true} : memref<80x128xf32, #tpu.memory_space<vmem>>[vector<16xi32>, vector<16xi32>], vector<16xf32>, vector<16xi1>
      %get3A_352 = arith.index_cast %rem3A_247 : i32 to index
      %get3A_353 = arith.constant 80 : index
      %get3A_354 = tpu.vector_load %arg10[%get3A_352, %get3A_353] {strides = array<i32>} : memref<4x128xi32, #tpu.memory_space<vmem>>, vector<16xi32>,
      %broadcast_in_dim3A_355 = arith.constant true
      %broadcast_in_dim3A_356 = vector.broadcast %broadcast_in_dim3A_355 : i1 to vector<16xi1>
      %unique3A_357, %unique3A_358 = tpu.scan_count mask(%broadcast_in_dim3A_356 : vector<16xi1>) value(%get3A_354 : vector<16xi32>) : vector<16xi1>, vector<16xi32>
      %shift_right_logical3A_359 = arith.constant 7 : i32
      %shift_right_logical3A_360 = vector.broadcast %shift_right_logical3A_359 : i32 to vector<16xi32>
      %shift_right_logical3A_361 = arith.shrui %get3A_354, %shift_right_logical3A_360 : vector<16xi32>
      %and3A_362 = arith.constant 127 : i32
      %and3A_363 = vector.broadcast %and3A_362 : i32 to vector<16xi32>
      %and3A_364 = arith.andi %get3A_354, %and3A_363 : vector<16xi32>
      %convert_element_type3A_365 = arith.sitofp %unique3A_358 : vector<16xi32> to vector<16xf32>
      tpu.vector_store_idx %arg18[%shift_right_logical3A_361, %and3A_364], %convert_element_type3A_365 masked %unique3A_357 {add = true} : memref<80x128xf32, #tpu.memory_space<vmem>>[vector<16xi32>, vector<16xi32>], vector<16xf32>, vector<16xi1>
      %get3A_366 = arith.index_cast %rem3A_247 : i32 to index
      %get3A_367 = arith.constant 96 : index
      %get3A_368 = tpu.vector_load %arg10[%get3A_366, %get3A_367] {strides = array<i32>} : memref<4x128xi32, #tpu.memory_space<vmem>>, vector<16xi32>,
      %broadcast_in_dim3A_369 = arith.constant true
      %broadcast_in_dim3A_370 = vector.broadcast %broadcast_in_dim3A_369 : i1 to vector<16xi1>
      %unique3A_371, %unique3A_372 = tpu.scan_count mask(%broadcast_in_dim3A_370 : vector<16xi1>) value(%get3A_368 : vector<16xi32>) : vector<16xi1>, vector<16xi32>
      %shift_right_logical3A_373 = arith.constant 7 : i32
      %shift_right_logical3A_374 = vector.broadcast %shift_right_logical3A_373 : i32 to vector<16xi32>
      %shift_right_logical3A_375 = arith.shrui %get3A_368, %shift_right_logical3A_374 : vector<16xi32>
      %and3A_376 = arith.constant 127 : i32
      %and3A_377 = vector.broadcast %and3A_376 : i32 to vector<16xi32>
      %and3A_378 = arith.andi %get3A_368, %and3A_377 : vector<16xi32>
      %convert_element_type3A_379 = arith.sitofp %unique3A_372 : vector<16xi32> to vector<16xf32>
      tpu.vector_store_idx %arg18[%shift_right_logical3A_375, %and3A_378], %convert_element_type3A_379 masked %unique3A_371 {add = true} : memref<80x128xf32, #tpu.memory_space<vmem>>[vector<16xi32>, vector<16xi32>], vector<16xf32>, vector<16xi1>
      %get3A_380 = arith.index_cast %rem3A_247 : i32 to index
      %get3A_381 = arith.constant 112 : index
      %get3A_382 = tpu.vector_load %arg10[%get3A_380, %get3A_381] {strides = array<i32>} : memref<4x128xi32, #tpu.memory_space<vmem>>, vector<16xi32>,
      %broadcast_in_dim3A_383 = arith.constant true
      %broadcast_in_dim3A_384 = vector.broadcast %broadcast_in_dim3A_383 : i1 to vector<16xi1>
      %unique3A_385, %unique3A_386 = tpu.scan_count mask(%broadcast_in_dim3A_384 : vector<16xi1>) value(%get3A_382 : vector<16xi32>) : vector<16xi1>, vector<16xi32>
      %shift_right_logical3A_387 = arith.constant 7 : i32
      %shift_right_logical3A_388 = vector.broadcast %shift_right_logical3A_387 : i32 to vector<16xi32>
      %shift_right_logical3A_389 = arith.shrui %get3A_382, %shift_right_logical3A_388 : vector<16xi32>
      %and3A_390 = arith.constant 127 : i32
      %and3A_391 = vector.broadcast %and3A_390 : i32 to vector<16xi32>
      %and3A_392 = arith.andi %get3A_382, %and3A_391 : vector<16xi32>
      %convert_element_type3A_393 = arith.sitofp %unique3A_386 : vector<16xi32> to vector<16xf32>
      tpu.vector_store_idx %arg18[%shift_right_logical3A_389, %and3A_392], %convert_element_type3A_393 masked %unique3A_385 {add = true} : memref<80x128xf32, #tpu.memory_space<vmem>>[vector<16xi32>, vector<16xi32>], vector<16xf32>, vector<16xi1>
      %add3A_394 = arith.constant 4 : i32
      %add3A_395 = arith.addi %mul3A_246, %add3A_394 : i32
      %min3A = arith.constant 79 : i32
      %min3A_396 = arith.minsi %add3A_395, %min3A : i32
      %mul3A_397 = arith.constant 128 : i32
      %mul3A_398 = arith.muli %min3A_396, %mul3A_397 : i32
      %add3A_399 = arith.addi %mul3A_2, %mul3A_398 : i32
      %dma_start3A_400 = arith.constant 0 : i32
      %dma_start3A_401 = tpu.memref_slice %arg9[%rem3A_247, %dma_start3A_400] : memref<4x128xi32, #tpu.memory_space<vmem>> -> memref<1x128xi32, #tpu.memory_space<vmem>>
      %dma_start3A_402 = tpu.memref_squeeze %dma_start3A_401 : memref<1x128xi32, #tpu.memory_space<vmem>> -> memref<128xi32, #tpu.memory_space<vmem>>
      %dma_start3A_403 = tpu.memref_slice %arg3[%add3A_399] : memref<327680xi32, #tpu.memory_space<hbm>> -> memref<128xi32, #tpu.memory_space<hbm>>
      %dma_start3A_404 = arith.constant 0 : i32
      %dma_start3A_405 = tpu.memref_slice %arg9[%rem3A_247, %dma_start3A_404] : memref<4x128xi32, #tpu.memory_space<vmem>> -> memref<1x128xi32, #tpu.memory_space<vmem>>
      %dma_start3A_406 = tpu.memref_squeeze %dma_start3A_405 : memref<1x128xi32, #tpu.memory_space<vmem>> -> memref<128xi32, #tpu.memory_space<vmem>>
      %dma_start3A_407 = tpu.memref_slice %arg3[%add3A_399] : memref<327680xi32, #tpu.memory_space<hbm>> -> memref<128xi32, #tpu.memory_space<hbm>>
      tpu.enqueue_dma source(%dma_start3A_407 : memref<128xi32, #tpu.memory_space<hbm>>) target(%dma_start3A_406 : memref<128xi32, #tpu.memory_space<vmem>>) target_semaphore(%arg16 : memref<!tpu.dma_semaphore, #tpu.memory_space<semaphore_mem>>)
      %dma_start3A_408 = arith.constant 0 : i32
      %dma_start3A_409 = tpu.memref_slice %arg10[%rem3A_247, %dma_start3A_408] : memref<4x128xi32, #tpu.memory_space<vmem>> -> memref<1x128xi32, #tpu.memory_space<vmem>>
      %dma_start3A_410 = tpu.memref_squeeze %dma_start3A_409 : memref<1x128xi32, #tpu.memory_space<vmem>> -> memref<128xi32, #tpu.memory_space<vmem>>
      %dma_start3A_411 = tpu.memref_slice %arg4[%add3A_399] : memref<327680xi32, #tpu.memory_space<hbm>> -> memref<128xi32, #tpu.memory_space<hbm>>
      %dma_start3A_412 = arith.constant 0 : i32
      %dma_start3A_413 = tpu.memref_slice %arg10[%rem3A_247, %dma_start3A_412] : memref<4x128xi32, #tpu.memory_space<vmem>> -> memref<1x128xi32, #tpu.memory_space<vmem>>
      %dma_start3A_414 = tpu.memref_squeeze %dma_start3A_413 : memref<1x128xi32, #tpu.memory_space<vmem>> -> memref<128xi32, #tpu.memory_space<vmem>>
      %dma_start3A_415 = tpu.memref_slice %arg4[%add3A_399] : memref<327680xi32, #tpu.memory_space<hbm>> -> memref<128xi32, #tpu.memory_space<hbm>>
      tpu.enqueue_dma source(%dma_start3A_415 : memref<128xi32, #tpu.memory_space<hbm>>) target(%dma_start3A_414 : memref<128xi32, #tpu.memory_space<vmem>>) target_semaphore(%arg17 : memref<!tpu.dma_semaphore, #tpu.memory_space<semaphore_mem>>)
      %mul3A_416 = arith.constant 2 : i32
      %mul3A_417 = arith.muli %mul3A_416, %scan3A_244 : i32
      %add3A_418 = arith.constant 1 : i32
      %add3A_419 = arith.addi %mul3A_417, %add3A_418 : i32
      %rem3A_420 = arith.constant 4 : i32
      %rem3A_421 = arith.remsi %add3A_419, %rem3A_420 : i32
      %dma_wait3A_422 = arith.constant 0 : i32
      %dma_wait3A_423 = arith.constant 0 : i32
      %dma_wait3A_424 = tpu.memref_slice %arg9[%dma_wait3A_422, %dma_wait3A_423] : memref<4x128xi32, #tpu.memory_space<vmem>> -> memref<1x128xi32, #tpu.memory_space<vmem>>
      %dma_wait3A_425 = tpu.memref_squeeze %dma_wait3A_424 : memref<1x128xi32, #tpu.memory_space<vmem>> -> memref<128xi32, #tpu.memory_space<vmem>>
      %dma_wait3A_426 = arith.constant 0 : i32
      %dma_wait3A_427 = tpu.memref_slice %arg3[%dma_wait3A_426] : memref<327680xi32, #tpu.memory_space<hbm>> -> memref<128xi32, #tpu.memory_space<hbm>>
      %dma_wait3A_428 = arith.constant 0 : i32
      %dma_wait3A_429 = tpu.memref_slice %arg9[%dma_wait3A_422, %dma_wait3A_428] : memref<4x128xi32, #tpu.memory_space<vmem>> -> memref<1x128xi32, #tpu.memory_space<vmem>>
      %dma_wait3A_430 = tpu.memref_squeeze %dma_wait3A_429 : memref<1x128xi32, #tpu.memory_space<vmem>> -> memref<128xi32, #tpu.memory_space<vmem>>
      %dma_wait3A_431 = arith.constant 0 : i32
      %dma_wait3A_432 = tpu.memref_slice %arg3[%dma_wait3A_431] : memref<327680xi32, #tpu.memory_space<hbm>> -> memref<128xi32, #tpu.memory_space<hbm>>
      tpu.wait_dma2 semaphore(%arg16 : memref<!tpu.dma_semaphore, #tpu.memory_space<semaphore_mem>>) src(%dma_wait3A_432 : memref<128xi32, #tpu.memory_space<hbm>>) dst(%dma_wait3A_430 : memref<128xi32, #tpu.memory_space<vmem>>)
      %dma_wait3A_433 = arith.constant 0 : i32
      %dma_wait3A_434 = arith.constant 0 : i32
      %dma_wait3A_435 = tpu.memref_slice %arg10[%dma_wait3A_433, %dma_wait3A_434] : memref<4x128xi32, #tpu.memory_space<vmem>> -> memref<1x128xi32, #tpu.memory_space<vmem>>
      %dma_wait3A_436 = tpu.memref_squeeze %dma_wait3A_435 : memref<1x128xi32, #tpu.memory_space<vmem>> -> memref<128xi32, #tpu.memory_space<vmem>>
      %dma_wait3A_437 = arith.constant 0 : i32
      %dma_wait3A_438 = tpu.memref_slice %arg4[%dma_wait3A_437] : memref<327680xi32, #tpu.memory_space<hbm>> -> memref<128xi32, #tpu.memory_space<hbm>>
      %dma_wait3A_439 = arith.constant 0 : i32
      %dma_wait3A_440 = tpu.memref_slice %arg10[%dma_wait3A_433, %dma_wait3A_439] : memref<4x128xi32, #tpu.memory_space<vmem>> -> memref<1x128xi32, #tpu.memory_space<vmem>>
      %dma_wait3A_441 = tpu.memref_squeeze %dma_wait3A_440 : memref<1x128xi32, #tpu.memory_space<vmem>> -> memref<128xi32, #tpu.memory_space<vmem>>
      %dma_wait3A_442 = arith.constant 0 : i32
      %dma_wait3A_443 = tpu.memref_slice %arg4[%dma_wait3A_442] : memref<327680xi32, #tpu.memory_space<hbm>> -> memref<128xi32, #tpu.memory_space<hbm>>
      tpu.wait_dma2 semaphore(%arg17 : memref<!tpu.dma_semaphore, #tpu.memory_space<semaphore_mem>>) src(%dma_wait3A_443 : memref<128xi32, #tpu.memory_space<hbm>>) dst(%dma_wait3A_441 : memref<128xi32, #tpu.memory_space<vmem>>)
      %dma_wait3A_444 = arith.constant 0 : i32
      %dma_wait3A_445 = arith.constant 0 : i32
      %dma_wait3A_446 = tpu.memref_slice %arg9[%dma_wait3A_444, %dma_wait3A_445] : memref<4x128xi32, #tpu.memory_space<vmem>> -> memref<1x128xi32, #tpu.memory_space<vmem>>
      %dma_wait3A_447 = tpu.memref_squeeze %dma_wait3A_446 : memref<1x128xi32, #tpu.memory_space<vmem>> -> memref<128xi32, #tpu.memory_space<vmem>>
      %dma_wait3A_448 = arith.constant 0 : i32
      %dma_wait3A_449 = arith.constant 0 : i32
      %dma_wait3A_450 = tpu.memref_slice %arg2[%dma_wait3A_448, %dma_wait3A_449] : memref<10000x128xf32, #tpu.memory_space<hbm>> -> memref<10000x128xf32, #tpu.memory_space<hbm>>
      tpu.wait_indirect_dma semaphore(%arg15 : memref<!tpu.dma_semaphore, #tpu.memory_space<semaphore_mem>>) src(%dma_wait3A_450 : memref<10000x128xf32, #tpu.memory_space<hbm>>) dst(%arg12 : memref<128x128xf32, #tpu.memory_space<vmem>>)
      "tpu.region"() ({
        %run_scoped3A = tpu.sem_alloc : memref<!tpu.dma_semaphore, #tpu.memory_space<semaphore_mem>>
        %dma_start3A_596 = arith.constant 0 : i32
        %dma_start3A_597 = tpu.memref_slice %arg10[%rem3A_421, %dma_start3A_596] : memref<4x128xi32, #tpu.memory_space<vmem>> -> memref<1x128xi32, #tpu.memory_space<vmem>>
        %dma_start3A_598 = tpu.memref_squeeze %dma_start3A_597 : memref<1x128xi32, #tpu.memory_space<vmem>> -> memref<128xi32, #tpu.memory_space<vmem>>
        %dma_start3A_599 = arith.constant 0 : i32
        %dma_start3A_600 = arith.constant 0 : i32
        %dma_start3A_601 = tpu.memref_slice %arg13[%dma_start3A_599, %dma_start3A_600] : memref<10240x128xf32, #tpu.memory_space<vmem_shared>> -> memref<10240x128xf32, #tpu.memory_space<vmem_shared>>
        tpu.enqueue_indirect_dma source(%arg12 : memref<128x128xf32, #tpu.memory_space<vmem>>) target(%dma_start3A_601 : memref<10240x128xf32, #tpu.memory_space<vmem_shared>>) offsets(%dma_start3A_598 : memref<128xi32, #tpu.memory_space<vmem>>) semaphore(%run_scoped3A : memref<!tpu.dma_semaphore, #tpu.memory_space<semaphore_mem>>) {add = true}
        %dma_wait3A_602 = arith.constant 0 : i32
        %dma_wait3A_603 = tpu.memref_slice %arg10[%rem3A_421, %dma_wait3A_602] : memref<4x128xi32, #tpu.memory_space<vmem>> -> memref<1x128xi32, #tpu.memory_space<vmem>>
        %dma_wait3A_604 = tpu.memref_squeeze %dma_wait3A_603 : memref<1x128xi32, #tpu.memory_space<vmem>> -> memref<128xi32, #tpu.memory_space<vmem>>
        %dma_wait3A_605 = arith.constant 0 : i32
        %dma_wait3A_606 = arith.constant 0 : i32
        %dma_wait3A_607 = tpu.memref_slice %arg13[%dma_wait3A_605, %dma_wait3A_606] : memref<10240x128xf32, #tpu.memory_space<vmem_shared>> -> memref<10240x128xf32, #tpu.memory_space<vmem_shared>>
        tpu.wait_indirect_dma semaphore(%run_scoped3A : memref<!tpu.dma_semaphore, #tpu.memory_space<semaphore_mem>>) src(%arg12 : memref<128x128xf32, #tpu.memory_space<vmem>>) dst(%dma_wait3A_607 : memref<10240x128xf32, #tpu.memory_space<vmem_shared>>)
        tpu.yield
      }) : () -> ()
      %add3A_451 = arith.constant 2 : i32
      %add3A_452 = arith.addi %add3A_419, %add3A_451 : i32
      %rem3A_453 = arith.constant 4 : i32
      %rem3A_454 = arith.remsi %add3A_452, %rem3A_453 : i32
      %dma_start3A_455 = arith.constant 0 : i32
      %dma_start3A_456 = tpu.memref_slice %arg9[%rem3A_454, %dma_start3A_455] : memref<4x128xi32, #tpu.memory_space<vmem>> -> memref<1x128xi32, #tpu.memory_space<vmem>>
      %dma_start3A_457 = tpu.memref_squeeze %dma_start3A_456 : memref<1x128xi32, #tpu.memory_space<vmem>> -> memref<128xi32, #tpu.memory_space<vmem>>
      %dma_start3A_458 = arith.constant 0 : i32
      %dma_start3A_459 = arith.constant 0 : i32
      %dma_start3A_460 = tpu.memref_slice %arg2[%dma_start3A_458, %dma_start3A_459] : memref<10000x128xf32, #tpu.memory_space<hbm>> -> memref<10000x128xf32, #tpu.memory_space<hbm>>
      tpu.enqueue_indirect_dma source(%dma_start3A_460 : memref<10000x128xf32, #tpu.memory_space<hbm>>) target(%arg12 : memref<128x128xf32, #tpu.memory_space<vmem>>) offsets(%dma_start3A_457 : memref<128xi32, #tpu.memory_space<vmem>>) semaphore(%arg15 : memref<!tpu.dma_semaphore, #tpu.memory_space<semaphore_mem>>)
      %get3A_461 = arith.index_cast %rem3A_421 : i32 to index
      %get3A_462 = arith.constant 0 : index
      %get3A_463 = tpu.vector_load %arg10[%get3A_461, %get3A_462] {strides = array<i32>} : memref<4x128xi32, #tpu.memory_space<vmem>>, vector<16xi32>,
      %broadcast_in_dim3A_464 = arith.constant true
      %broadcast_in_dim3A_465 = vector.broadcast %broadcast_in_dim3A_464 : i1 to vector<16xi1>
      %unique3A_466, %unique3A_467 = tpu.scan_count mask(%broadcast_in_dim3A_465 : vector<16xi1>) value(%get3A_463 : vector<16xi32>) : vector<16xi1>, vector<16xi32>
      %shift_right_logical3A_468 = arith.constant 7 : i32
      %shift_right_logical3A_469 = vector.broadcast %shift_right_logical3A_468 : i32 to vector<16xi32>
      %shift_right_logical3A_470 = arith.shrui %get3A_463, %shift_right_logical3A_469 : vector<16xi32>
      %and3A_471 = arith.constant 127 : i32
      %and3A_472 = vector.broadcast %and3A_471 : i32 to vector<16xi32>
      %and3A_473 = arith.andi %get3A_463, %and3A_472 : vector<16xi32>
      %convert_element_type3A_474 = arith.sitofp %unique3A_467 : vector<16xi32> to vector<16xf32>
      tpu.vector_store_idx %arg18[%shift_right_logical3A_470, %and3A_473], %convert_element_type3A_474 masked %unique3A_466 {add = true} : memref<80x128xf32, #tpu.memory_space<vmem>>[vector<16xi32>, vector<16xi32>], vector<16xf32>, vector<16xi1>
      %get3A_475 = arith.index_cast %rem3A_421 : i32 to index
      %get3A_476 = arith.constant 16 : index
      %get3A_477 = tpu.vector_load %arg10[%get3A_475, %get3A_476] {strides = array<i32>} : memref<4x128xi32, #tpu.memory_space<vmem>>, vector<16xi32>,
      %broadcast_in_dim3A_478 = arith.constant true
      %broadcast_in_dim3A_479 = vector.broadcast %broadcast_in_dim3A_478 : i1 to vector<16xi1>
      %unique3A_480, %unique3A_481 = tpu.scan_count mask(%broadcast_in_dim3A_479 : vector<16xi1>) value(%get3A_477 : vector<16xi32>) : vector<16xi1>, vector<16xi32>
      %shift_right_logical3A_482 = arith.constant 7 : i32
      %shift_right_logical3A_483 = vector.broadcast %shift_right_logical3A_482 : i32 to vector<16xi32>
      %shift_right_logical3A_484 = arith.shrui %get3A_477, %shift_right_logical3A_483 : vector<16xi32>
      %and3A_485 = arith.constant 127 : i32
      %and3A_486 = vector.broadcast %and3A_485 : i32 to vector<16xi32>
      %and3A_487 = arith.andi %get3A_477, %and3A_486 : vector<16xi32>
      %convert_element_type3A_488 = arith.sitofp %unique3A_481 : vector<16xi32> to vector<16xf32>
      tpu.vector_store_idx %arg18[%shift_right_logical3A_484, %and3A_487], %convert_element_type3A_488 masked %unique3A_480 {add = true} : memref<80x128xf32, #tpu.memory_space<vmem>>[vector<16xi32>, vector<16xi32>], vector<16xf32>, vector<16xi1>
      %get3A_489 = arith.index_cast %rem3A_421 : i32 to index
      %get3A_490 = arith.constant 32 : index
      %get3A_491 = tpu.vector_load %arg10[%get3A_489, %get3A_490] {strides = array<i32>} : memref<4x128xi32, #tpu.memory_space<vmem>>, vector<16xi32>,
      %broadcast_in_dim3A_492 = arith.constant true
      %broadcast_in_dim3A_493 = vector.broadcast %broadcast_in_dim3A_492 : i1 to vector<16xi1>
      %unique3A_494, %unique3A_495 = tpu.scan_count mask(%broadcast_in_dim3A_493 : vector<16xi1>) value(%get3A_491 : vector<16xi32>) : vector<16xi1>, vector<16xi32>
      %shift_right_logical3A_496 = arith.constant 7 : i32
      %shift_right_logical3A_497 = vector.broadcast %shift_right_logical3A_496 : i32 to vector<16xi32>
      %shift_right_logical3A_498 = arith.shrui %get3A_491, %shift_right_logical3A_497 : vector<16xi32>
      %and3A_499 = arith.constant 127 : i32
      %and3A_500 = vector.broadcast %and3A_499 : i32 to vector<16xi32>
      %and3A_501 = arith.andi %get3A_491, %and3A_500 : vector<16xi32>
      %convert_element_type3A_502 = arith.sitofp %unique3A_495 : vector<16xi32> to vector<16xf32>
      tpu.vector_store_idx %arg18[%shift_right_logical3A_498, %and3A_501], %convert_element_type3A_502 masked %unique3A_494 {add = true} : memref<80x128xf32, #tpu.memory_space<vmem>>[vector<16xi32>, vector<16xi32>], vector<16xf32>, vector<16xi1>
      %get3A_503 = arith.index_cast %rem3A_421 : i32 to index
      %get3A_504 = arith.constant 48 : index
      %get3A_505 = tpu.vector_load %arg10[%get3A_503, %get3A_504] {strides = array<i32>} : memref<4x128xi32, #tpu.memory_space<vmem>>, vector<16xi32>,
      %broadcast_in_dim3A_506 = arith.constant true
      %broadcast_in_dim3A_507 = vector.broadcast %broadcast_in_dim3A_506 : i1 to vector<16xi1>
      %unique3A_508, %unique3A_509 = tpu.scan_count mask(%broadcast_in_dim3A_507 : vector<16xi1>) value(%get3A_505 : vector<16xi32>) : vector<16xi1>, vector<16xi32>
      %shift_right_logical3A_510 = arith.constant 7 : i32
      %shift_right_logical3A_511 = vector.broadcast %shift_right_logical3A_510 : i32 to vector<16xi32>
      %shift_right_logical3A_512 = arith.shrui %get3A_505, %shift_right_logical3A_511 : vector<16xi32>
      %and3A_513 = arith.constant 127 : i32
      %and3A_514 = vector.broadcast %and3A_513 : i32 to vector<16xi32>
      %and3A_515 = arith.andi %get3A_505, %and3A_514 : vector<16xi32>
      %convert_element_type3A_516 = arith.sitofp %unique3A_509 : vector<16xi32> to vector<16xf32>
      tpu.vector_store_idx %arg18[%shift_right_logical3A_512, %and3A_515], %convert_element_type3A_516 masked %unique3A_508 {add = true} : memref<80x128xf32, #tpu.memory_space<vmem>>[vector<16xi32>, vector<16xi32>], vector<16xf32>, vector<16xi1>
      %get3A_517 = arith.index_cast %rem3A_421 : i32 to index
      %get3A_518 = arith.constant 64 : index
      %get3A_519 = tpu.vector_load %arg10[%get3A_517, %get3A_518] {strides = array<i32>} : memref<4x128xi32, #tpu.memory_space<vmem>>, vector<16xi32>,
      %broadcast_in_dim3A_520 = arith.constant true
      %broadcast_in_dim3A_521 = vector.broadcast %broadcast_in_dim3A_520 : i1 to vector<16xi1>
      %unique3A_522, %unique3A_523 = tpu.scan_count mask(%broadcast_in_dim3A_521 : vector<16xi1>) value(%get3A_519 : vector<16xi32>) : vector<16xi1>, vector<16xi32>
      %shift_right_logical3A_524 = arith.constant 7 : i32
      %shift_right_logical3A_525 = vector.broadcast %shift_right_logical3A_524 : i32 to vector<16xi32>
      %shift_right_logical3A_526 = arith.shrui %get3A_519, %shift_right_logical3A_525 : vector<16xi32>
      %and3A_527 = arith.constant 127 : i32
      %and3A_528 = vector.broadcast %and3A_527 : i32 to vector<16xi32>
      %and3A_529 = arith.andi %get3A_519, %and3A_528 : vector<16xi32>
      %convert_element_type3A_530 = arith.sitofp %unique3A_523 : vector<16xi32> to vector<16xf32>
      tpu.vector_store_idx %arg18[%shift_right_logical3A_526, %and3A_529], %convert_element_type3A_530 masked %unique3A_522 {add = true} : memref<80x128xf32, #tpu.memory_space<vmem>>[vector<16xi32>, vector<16xi32>], vector<16xf32>, vector<16xi1>
      %get3A_531 = arith.index_cast %rem3A_421 : i32 to index
      %get3A_532 = arith.constant 80 : index
      %get3A_533 = tpu.vector_load %arg10[%get3A_531, %get3A_532] {strides = array<i32>} : memref<4x128xi32, #tpu.memory_space<vmem>>, vector<16xi32>,
      %broadcast_in_dim3A_534 = arith.constant true
      %broadcast_in_dim3A_535 = vector.broadcast %broadcast_in_dim3A_534 : i1 to vector<16xi1>
      %unique3A_536, %unique3A_537 = tpu.scan_count mask(%broadcast_in_dim3A_535 : vector<16xi1>) value(%get3A_533 : vector<16xi32>) : vector<16xi1>, vector<16xi32>
      %shift_right_logical3A_538 = arith.constant 7 : i32
      %shift_right_logical3A_539 = vector.broadcast %shift_right_logical3A_538 : i32 to vector<16xi32>
      %shift_right_logical3A_540 = arith.shrui %get3A_533, %shift_right_logical3A_539 : vector<16xi32>
      %and3A_541 = arith.constant 127 : i32
      %and3A_542 = vector.broadcast %and3A_541 : i32 to vector<16xi32>
      %and3A_543 = arith.andi %get3A_533, %and3A_542 : vector<16xi32>
      %convert_element_type3A_544 = arith.sitofp %unique3A_537 : vector<16xi32> to vector<16xf32>
      tpu.vector_store_idx %arg18[%shift_right_logical3A_540, %and3A_543], %convert_element_type3A_544 masked %unique3A_536 {add = true} : memref<80x128xf32, #tpu.memory_space<vmem>>[vector<16xi32>, vector<16xi32>], vector<16xf32>, vector<16xi1>
      %get3A_545 = arith.index_cast %rem3A_421 : i32 to index
      %get3A_546 = arith.constant 96 : index
      %get3A_547 = tpu.vector_load %arg10[%get3A_545, %get3A_546] {strides = array<i32>} : memref<4x128xi32, #tpu.memory_space<vmem>>, vector<16xi32>,
      %broadcast_in_dim3A_548 = arith.constant true
      %broadcast_in_dim3A_549 = vector.broadcast %broadcast_in_dim3A_548 : i1 to vector<16xi1>
      %unique3A_550, %unique3A_551 = tpu.scan_count mask(%broadcast_in_dim3A_549 : vector<16xi1>) value(%get3A_547 : vector<16xi32>) : vector<16xi1>, vector<16xi32>
      %shift_right_logical3A_552 = arith.constant 7 : i32
      %shift_right_logical3A_553 = vector.broadcast %shift_right_logical3A_552 : i32 to vector<16xi32>
      %shift_right_logical3A_554 = arith.shrui %get3A_547, %shift_right_logical3A_553 : vector<16xi32>
      %and3A_555 = arith.constant 127 : i32
      %and3A_556 = vector.broadcast %and3A_555 : i32 to vector<16xi32>
      %and3A_557 = arith.andi %get3A_547, %and3A_556 : vector<16xi32>
      %convert_element_type3A_558 = arith.sitofp %unique3A_551 : vector<16xi32> to vector<16xf32>
      tpu.vector_store_idx %arg18[%shift_right_logical3A_554, %and3A_557], %convert_element_type3A_558 masked %unique3A_550 {add = true} : memref<80x128xf32, #tpu.memory_space<vmem>>[vector<16xi32>, vector<16xi32>], vector<16xf32>, vector<16xi1>
      %get3A_559 = arith.index_cast %rem3A_421 : i32 to index
      %get3A_560 = arith.constant 112 : index
      %get3A_561 = tpu.vector_load %arg10[%get3A_559, %get3A_560] {strides = array<i32>} : memref<4x128xi32, #tpu.memory_space<vmem>>, vector<16xi32>,
      %broadcast_in_dim3A_562 = arith.constant true
      %broadcast_in_dim3A_563 = vector.broadcast %broadcast_in_dim3A_562 : i1 to vector<16xi1>
      %unique3A_564, %unique3A_565 = tpu.scan_count mask(%broadcast_in_dim3A_563 : vector<16xi1>) value(%get3A_561 : vector<16xi32>) : vector<16xi1>, vector<16xi32>
      %shift_right_logical3A_566 = arith.constant 7 : i32
      %shift_right_logical3A_567 = vector.broadcast %shift_right_logical3A_566 : i32 to vector<16xi32>
      %shift_right_logical3A_568 = arith.shrui %get3A_561, %shift_right_logical3A_567 : vector<16xi32>
      %and3A_569 = arith.constant 127 : i32
      %and3A_570 = vector.broadcast %and3A_569 : i32 to vector<16xi32>
      %and3A_571 = arith.andi %get3A_561, %and3A_570 : vector<16xi32>
      %convert_element_type3A_572 = arith.sitofp %unique3A_565 : vector<16xi32> to vector<16xf32>
      tpu.vector_store_idx %arg18[%shift_right_logical3A_568, %and3A_571], %convert_element_type3A_572 masked %unique3A_564 {add = true} : memref<80x128xf32, #tpu.memory_space<vmem>>[vector<16xi32>, vector<16xi32>], vector<16xf32>, vector<16xi1>
      %add3A_573 = arith.constant 4 : i32
      %add3A_574 = arith.addi %add3A_419, %add3A_573 : i32
      %min3A_575 = arith.constant 79 : i32
      %min3A_576 = arith.minsi %add3A_574, %min3A_575 : i32
      %mul3A_577 = arith.constant 128 : i32
      %mul3A_578 = arith.muli %min3A_576, %mul3A_577 : i32
      %add3A_579 = arith.addi %mul3A_2, %mul3A_578 : i32
      %dma_start3A_580 = arith.constant 0 : i32
      %dma_start3A_581 = tpu.memref_slice %arg9[%rem3A_421, %dma_start3A_580] : memref<4x128xi32, #tpu.memory_space<vmem>> -> memref<1x128xi32, #tpu.memory_space<vmem>>
      %dma_start3A_582 = tpu.memref_squeeze %dma_start3A_581 : memref<1x128xi32, #tpu.memory_space<vmem>> -> memref<128xi32, #tpu.memory_space<vmem>>
      %dma_start3A_583 = tpu.memref_slice %arg3[%add3A_579] : memref<327680xi32, #tpu.memory_space<hbm>> -> memref<128xi32, #tpu.memory_space<hbm>>
      %dma_start3A_584 = arith.constant 0 : i32
      %dma_start3A_585 = tpu.memref_slice %arg9[%rem3A_421, %dma_start3A_584] : memref<4x128xi32, #tpu.memory_space<vmem>> -> memref<1x128xi32, #tpu.memory_space<vmem>>
      %dma_start3A_586 = tpu.memref_squeeze %dma_start3A_585 : memref<1x128xi32, #tpu.memory_space<vmem>> -> memref<128xi32, #tpu.memory_space<vmem>>
      %dma_start3A_587 = tpu.memref_slice %arg3[%add3A_579] : memref<327680xi32, #tpu.memory_space<hbm>> -> memref<128xi32, #tpu.memory_space<hbm>>
      tpu.enqueue_dma source(%dma_start3A_587 : memref<128xi32, #tpu.memory_space<hbm>>) target(%dma_start3A_586 : memref<128xi32, #tpu.memory_space<vmem>>) target_semaphore(%arg16 : memref<!tpu.dma_semaphore, #tpu.memory_space<semaphore_mem>>)
      %dma_start3A_588 = arith.constant 0 : i32
      %dma_start3A_589 = tpu.memref_slice %arg10[%rem3A_421, %dma_start3A_588] : memref<4x128xi32, #tpu.memory_space<vmem>> -> memref<1x128xi32, #tpu.memory_space<vmem>>
      %dma_start3A_590 = tpu.memref_squeeze %dma_start3A_589 : memref<1x128xi32, #tpu.memory_space<vmem>> -> memref<128xi32, #tpu.memory_space<vmem>>
      %dma_start3A_591 = tpu.memref_slice %arg4[%add3A_579] : memref<327680xi32, #tpu.memory_space<hbm>> -> memref<128xi32, #tpu.memory_space<hbm>>
      %dma_start3A_592 = arith.constant 0 : i32
      %dma_start3A_593 = tpu.memref_slice %arg10[%rem3A_421, %dma_start3A_592] : memref<4x128xi32, #tpu.memory_space<vmem>> -> memref<1x128xi32, #tpu.memory_space<vmem>>
      %dma_start3A_594 = tpu.memref_squeeze %dma_start3A_593 : memref<1x128xi32, #tpu.memory_space<vmem>> -> memref<128xi32, #tpu.memory_space<vmem>>
      %dma_start3A_595 = tpu.memref_slice %arg4[%add3A_579] : memref<327680xi32, #tpu.memory_space<hbm>> -> memref<128xi32, #tpu.memory_space<hbm>>
      tpu.enqueue_dma source(%dma_start3A_595 : memref<128xi32, #tpu.memory_space<hbm>>) target(%dma_start3A_594 : memref<128xi32, #tpu.memory_space<vmem>>) target_semaphore(%arg17 : memref<!tpu.dma_semaphore, #tpu.memory_space<semaphore_mem>>)
    }
    %scan3A_175 = arith.constant 40 : i32
    %dma_wait3A_176 = arith.constant 0 : i32
    %dma_wait3A_177 = arith.constant 0 : i32
    %dma_wait3A_178 = tpu.memref_slice %arg9[%dma_wait3A_176, %dma_wait3A_177] : memref<4x128xi32, #tpu.memory_space<vmem>> -> memref<1x128xi32, #tpu.memory_space<vmem>>
    %dma_wait3A_179 = tpu.memref_squeeze %dma_wait3A_178 : memref<1x128xi32, #tpu.memory_space<vmem>> -> memref<128xi32, #tpu.memory_space<vmem>>
    %dma_wait3A_180 = arith.constant 0 : i32
    %dma_wait3A_181 = arith.constant 0 : i32
    %dma_wait3A_182 = tpu.memref_slice %arg2[%dma_wait3A_180, %dma_wait3A_181] : memref<10000x128xf32, #tpu.memory_space<hbm>> -> memref<10000x128xf32, #tpu.memory_space<hbm>>
    tpu.wait_indirect_dma semaphore(%arg14 : memref<!tpu.dma_semaphore, #tpu.memory_space<semaphore_mem>>) src(%dma_wait3A_182 : memref<10000x128xf32, #tpu.memory_space<hbm>>) dst(%arg11 : memref<128x128xf32, #tpu.memory_space<vmem>>)
    %dma_wait3A_183 = arith.constant 0 : i32
    %dma_wait3A_184 = arith.constant 0 : i32
    %dma_wait3A_185 = tpu.memref_slice %arg9[%dma_wait3A_183, %dma_wait3A_184] : memref<4x128xi32, #tpu.memory_space<vmem>> -> memref<1x128xi32, #tpu.memory_space<vmem>>
    %dma_wait3A_186 = tpu.memref_squeeze %dma_wait3A_185 : memref<1x128xi32, #tpu.memory_space<vmem>> -> memref<128xi32, #tpu.memory_space<vmem>>
    %dma_wait3A_187 = arith.constant 0 : i32
    %dma_wait3A_188 = arith.constant 0 : i32
    %dma_wait3A_189 = tpu.memref_slice %arg2[%dma_wait3A_187, %dma_wait3A_188] : memref<10000x128xf32, #tpu.memory_space<hbm>> -> memref<10000x128xf32, #tpu.memory_space<hbm>>
    tpu.wait_indirect_dma semaphore(%arg15 : memref<!tpu.dma_semaphore, #tpu.memory_space<semaphore_mem>>) src(%dma_wait3A_189 : memref<10000x128xf32, #tpu.memory_space<hbm>>) dst(%arg12 : memref<128x128xf32, #tpu.memory_space<vmem>>)
    %dma_wait3A_190 = arith.constant 0 : i32
    %dma_wait3A_191 = arith.constant 0 : i32
    %dma_wait3A_192 = tpu.memref_slice %arg9[%dma_wait3A_190, %dma_wait3A_191] : memref<4x128xi32, #tpu.memory_space<vmem>> -> memref<1x128xi32, #tpu.memory_space<vmem>>
    %dma_wait3A_193 = tpu.memref_squeeze %dma_wait3A_192 : memref<1x128xi32, #tpu.memory_space<vmem>> -> memref<128xi32, #tpu.memory_space<vmem>>
    %dma_wait3A_194 = arith.constant 0 : i32
    %dma_wait3A_195 = tpu.memref_slice %arg3[%dma_wait3A_194] : memref<327680xi32, #tpu.memory_space<hbm>> -> memref<128xi32, #tpu.memory_space<hbm>>
    %dma_wait3A_196 = arith.constant 0 : i32
    %dma_wait3A_197 = tpu.memref_slice %arg9[%dma_wait3A_190, %dma_wait3A_196] : memref<4x128xi32, #tpu.memory_space<vmem>> -> memref<1x128xi32, #tpu.memory_space<vmem>>
    %dma_wait3A_198 = tpu.memref_squeeze %dma_wait3A_197 : memref<1x128xi32, #tpu.memory_space<vmem>> -> memref<128xi32, #tpu.memory_space<vmem>>
    %dma_wait3A_199 = arith.constant 0 : i32
    %dma_wait3A_200 = tpu.memref_slice %arg3[%dma_wait3A_199] : memref<327680xi32, #tpu.memory_space<hbm>> -> memref<128xi32, #tpu.memory_space<hbm>>
    tpu.wait_dma2 semaphore(%arg16 : memref<!tpu.dma_semaphore, #tpu.memory_space<semaphore_mem>>) src(%dma_wait3A_200 : memref<128xi32, #tpu.memory_space<hbm>>) dst(%dma_wait3A_198 : memref<128xi32, #tpu.memory_space<vmem>>)
    %dma_wait3A_201 = arith.constant 0 : i32
    %dma_wait3A_202 = arith.constant 0 : i32
    %dma_wait3A_203 = tpu.memref_slice %arg10[%dma_wait3A_201, %dma_wait3A_202] : memref<4x128xi32, #tpu.memory_space<vmem>> -> memref<1x128xi32, #tpu.memory_space<vmem>>
    %dma_wait3A_204 = tpu.memref_squeeze %dma_wait3A_203 : memref<1x128xi32, #tpu.memory_space<vmem>> -> memref<128xi32, #tpu.memory_space<vmem>>
    %dma_wait3A_205 = arith.constant 0 : i32
    %dma_wait3A_206 = tpu.memref_slice %arg4[%dma_wait3A_205] : memref<327680xi32, #tpu.memory_space<hbm>> -> memref<128xi32, #tpu.memory_space<hbm>>
    %dma_wait3A_207 = arith.constant 0 : i32
    %dma_wait3A_208 = tpu.memref_slice %arg10[%dma_wait3A_201, %dma_wait3A_207] : memref<4x128xi32, #tpu.memory_space<vmem>> -> memref<1x128xi32, #tpu.memory_space<vmem>>
    %dma_wait3A_209 = tpu.memref_squeeze %dma_wait3A_208 : memref<1x128xi32, #tpu.memory_space<vmem>> -> memref<128xi32, #tpu.memory_space<vmem>>
    %dma_wait3A_210 = arith.constant 0 : i32
    %dma_wait3A_211 = tpu.memref_slice %arg4[%dma_wait3A_210] : memref<327680xi32, #tpu.memory_space<hbm>> -> memref<128xi32, #tpu.memory_space<hbm>>
    tpu.wait_dma2 semaphore(%arg17 : memref<!tpu.dma_semaphore, #tpu.memory_space<semaphore_mem>>) src(%dma_wait3A_211 : memref<128xi32, #tpu.memory_space<hbm>>) dst(%dma_wait3A_209 : memref<128xi32, #tpu.memory_space<vmem>>)
    %dma_wait3A_212 = arith.constant 0 : i32
    %dma_wait3A_213 = arith.constant 0 : i32
    %dma_wait3A_214 = tpu.memref_slice %arg9[%dma_wait3A_212, %dma_wait3A_213] : memref<4x128xi32, #tpu.memory_space<vmem>> -> memref<1x128xi32, #tpu.memory_space<vmem>>
    %dma_wait3A_215 = tpu.memref_squeeze %dma_wait3A_214 : memref<1x128xi32, #tpu.memory_space<vmem>> -> memref<128xi32, #tpu.memory_space<vmem>>
    %dma_wait3A_216 = arith.constant 0 : i32
    %dma_wait3A_217 = tpu.memref_slice %arg3[%dma_wait3A_216] : memref<327680xi32, #tpu.memory_space<hbm>> -> memref<128xi32, #tpu.memory_space<hbm>>
    %dma_wait3A_218 = arith.constant 0 : i32
    %dma_wait3A_219 = tpu.memref_slice %arg9[%dma_wait3A_212, %dma_wait3A_218] : memref<4x128xi32, #tpu.memory_space<vmem>> -> memref<1x128xi32, #tpu.memory_space<vmem>>
    %dma_wait3A_220 = tpu.memref_squeeze %dma_wait3A_219 : memref<1x128xi32, #tpu.memory_space<vmem>> -> memref<128xi32, #tpu.memory_space<vmem>>
    %dma_wait3A_221 = arith.constant 0 : i32
    %dma_wait3A_222 = tpu.memref_slice %arg3[%dma_wait3A_221] : memref<327680xi32, #tpu.memory_space<hbm>> -> memref<128xi32, #tpu.memory_space<hbm>>
    tpu.wait_dma2 semaphore(%arg16 : memref<!tpu.dma_semaphore, #tpu.memory_space<semaphore_mem>>) src(%dma_wait3A_222 : memref<128xi32, #tpu.memory_space<hbm>>) dst(%dma_wait3A_220 : memref<128xi32, #tpu.memory_space<vmem>>)
    %dma_wait3A_223 = arith.constant 0 : i32
    %dma_wait3A_224 = arith.constant 0 : i32
    %dma_wait3A_225 = tpu.memref_slice %arg10[%dma_wait3A_223, %dma_wait3A_224] : memref<4x128xi32, #tpu.memory_space<vmem>> -> memref<1x128xi32, #tpu.memory_space<vmem>>
    %dma_wait3A_226 = tpu.memref_squeeze %dma_wait3A_225 : memref<1x128xi32, #tpu.memory_space<vmem>> -> memref<128xi32, #tpu.memory_space<vmem>>
    %dma_wait3A_227 = arith.constant 0 : i32
    %dma_wait3A_228 = tpu.memref_slice %arg4[%dma_wait3A_227] : memref<327680xi32, #tpu.memory_space<hbm>> -> memref<128xi32, #tpu.memory_space<hbm>>
    %dma_wait3A_229 = arith.constant 0 : i32
    %dma_wait3A_230 = tpu.memref_slice %arg10[%dma_wait3A_223, %dma_wait3A_229] : memref<4x128xi32, #tpu.memory_space<vmem>> -> memref<1x128xi32, #tpu.memory_space<vmem>>
    %dma_wait3A_231 = tpu.memref_squeeze %dma_wait3A_230 : memref<1x128xi32, #tpu.memory_space<vmem>> -> memref<128xi32, #tpu.memory_space<vmem>>
    %dma_wait3A_232 = arith.constant 0 : i32
    %dma_wait3A_233 = tpu.memref_slice %arg4[%dma_wait3A_232] : memref<327680xi32, #tpu.memory_space<hbm>> -> memref<128xi32, #tpu.memory_space<hbm>>
    tpu.wait_dma2 semaphore(%arg17 : memref<!tpu.dma_semaphore, #tpu.memory_space<semaphore_mem>>) src(%dma_wait3A_233 : memref<128xi32, #tpu.memory_space<hbm>>) dst(%dma_wait3A_231 : memref<128xi32, #tpu.memory_space<vmem>>)
    "tpu.region"() ({
      %run_scoped3A = tpu.sem_alloc : memref<!tpu.dma_semaphore, #tpu.memory_space<semaphore_mem>>
      %dma_start3A_244 = arith.constant 0 : i32
      %dma_start3A_245 = arith.constant 0 : i32
      %dma_start3A_246 = tpu.memref_slice %arg20[%dma_start3A_244, %dma_start3A_245] : memref<80x128xf32, #tpu.memory_space<vmem_shared>> -> memref<80x128xf32, #tpu.memory_space<vmem_shared>>
      tpu.enqueue_indirect_dma source(%arg18 : memref<80x128xf32, #tpu.memory_space<vmem>>) target(%dma_start3A_246 : memref<80x128xf32, #tpu.memory_space<vmem_shared>>) offsets(%arg19 : memref<80xi32, #tpu.memory_space<vmem>>) semaphore(%run_scoped3A : memref<!tpu.dma_semaphore, #tpu.memory_space<semaphore_mem>>) {add = true}
      %dma_wait3A_247 = arith.constant 0 : i32
      %dma_wait3A_248 = arith.constant 0 : i32
      %dma_wait3A_249 = tpu.memref_slice %arg20[%dma_wait3A_247, %dma_wait3A_248] : memref<80x128xf32, #tpu.memory_space<vmem_shared>> -> memref<80x128xf32, #tpu.memory_space<vmem_shared>>
      tpu.wait_indirect_dma semaphore(%run_scoped3A : memref<!tpu.dma_semaphore, #tpu.memory_space<semaphore_mem>>) src(%arg18 : memref<80x128xf32, #tpu.memory_space<vmem>>) dst(%dma_wait3A_249 : memref<80x128xf32, #tpu.memory_space<vmem_shared>>)
      tpu.yield
    }) : () -> ()
    %barrier3A_234 = arith.constant 0 : index
    tpu.barrier barrier_id(%barrier3A_234)
    %mul3A_235 = arith.constant 640 : i32
    %mul3A_236 = arith.muli %arg1, %mul3A_235 : i32
    %mul3A_237 = arith.constant 640 : i32
    %mul3A_238 = arith.muli %arg1, %mul3A_237 : i32
    "tpu.region"() ({
      %run_scoped3A = tpu.sem_alloc : memref<!tpu.dma_semaphore, #tpu.memory_space<semaphore_mem>>
      %dma_start3A_244 = arith.constant 0 : i32
      %dma_start3A_245 = arith.constant 0 : i32
      %dma_start3A_246 = tpu.memref_slice %arg7[%arg0, %dma_start3A_244, %dma_start3A_245] : memref<2x10240x128xf32, #tpu.memory_space<hbm>> -> memref<1x10240x128xf32, #tpu.memory_space<hbm>>
      %dma_start3A_247 = tpu.memref_squeeze %dma_start3A_246 : memref<1x10240x128xf32, #tpu.memory_space<hbm>> -> memref<10240x128xf32, #tpu.memory_space<hbm>>
      %dma_start3A_248 = arith.constant 0 : i32
      %dma_start3A_249 = tpu.memref_slice %dma_start3A_247[%mul3A_238, %dma_start3A_248] : memref<10240x128xf32, #tpu.memory_space<hbm>> -> memref<640x128xf32, #tpu.memory_space<hbm>>
      %dma_start3A_250 = arith.constant 0 : i32
      %dma_start3A_251 = tpu.memref_slice %arg13[%mul3A_236, %dma_start3A_250] : memref<10240x128xf32, #tpu.memory_space<vmem_shared>> -> memref<640x128xf32, #tpu.memory_space<vmem_shared>>
      tpu.enqueue_dma source(%dma_start3A_251 : memref<640x128xf32, #tpu.memory_space<vmem_shared>>) target(%dma_start3A_249 : memref<640x128xf32, #tpu.memory_space<hbm>>) target_semaphore(%run_scoped3A : memref<!tpu.dma_semaphore, #tpu.memory_space<semaphore_mem>>)
      %dma_wait3A_252 = arith.constant 0 : i32
      %dma_wait3A_253 = arith.constant 0 : i32
      %dma_wait3A_254 = tpu.memref_slice %arg7[%arg0, %dma_wait3A_252, %dma_wait3A_253] : memref<2x10240x128xf32, #tpu.memory_space<hbm>> -> memref<1x10240x128xf32, #tpu.memory_space<hbm>>
      %dma_wait3A_255 = tpu.memref_squeeze %dma_wait3A_254 : memref<1x10240x128xf32, #tpu.memory_space<hbm>> -> memref<10240x128xf32, #tpu.memory_space<hbm>>
      %dma_wait3A_256 = arith.constant 0 : i32
      %dma_wait3A_257 = tpu.memref_slice %dma_wait3A_255[%mul3A_238, %dma_wait3A_256] : memref<10240x128xf32, #tpu.memory_space<hbm>> -> memref<640x128xf32, #tpu.memory_space<hbm>>
      %dma_wait3A_258 = arith.constant 0 : i32
      %dma_wait3A_259 = tpu.memref_slice %arg13[%mul3A_236, %dma_wait3A_258] : memref<10240x128xf32, #tpu.memory_space<vmem_shared>> -> memref<640x128xf32, #tpu.memory_space<vmem_shared>>
      tpu.wait_dma2 semaphore(%run_scoped3A : memref<!tpu.dma_semaphore, #tpu.memory_space<semaphore_mem>>) src(%dma_wait3A_259 : memref<640x128xf32, #tpu.memory_space<vmem_shared>>) dst(%dma_wait3A_257 : memref<640x128xf32, #tpu.memory_space<hbm>>)
      tpu.yield
    }) : () -> ()
    %eq3A_239 = arith.constant 0 : i32
    %eq3A_240 = arith.cmpi eq, %arg1, %eq3A_239 : i32
    %convert_element_type3A_241 = arith.extui %eq3A_240 : i1 to i32
    %cond3A_242 = arith.constant 0 : i32
    %cond3A_243 = arith.cmpi ne, %convert_element_type3A_241, %cond3A_242 : i32
    scf.if %cond3A_243 {
      "tpu.region"() ({
        %run_scoped3A = tpu.sem_alloc : memref<!tpu.dma_semaphore, #tpu.memory_space<semaphore_mem>>
        %dma_start3A_244 = arith.constant 0 : i32
        %dma_start3A_245 = arith.constant 0 : i32
        %dma_start3A_246 = tpu.memref_slice %arg8[%arg0, %dma_start3A_244, %dma_start3A_245] : memref<2x80x128xf32, #tpu.memory_space<hbm>> -> memref<1x80x128xf32, #tpu.memory_space<hbm>>
        %dma_start3A_247 = tpu.memref_squeeze %dma_start3A_246 : memref<1x80x128xf32, #tpu.memory_space<hbm>> -> memref<80x128xf32, #tpu.memory_space<hbm>>
        tpu.enqueue_dma source(%arg20 : memref<80x128xf32, #tpu.memory_space<vmem_shared>>) target(%dma_start3A_247 : memref<80x128xf32, #tpu.memory_space<hbm>>) target_semaphore(%run_scoped3A : memref<!tpu.dma_semaphore, #tpu.memory_space<semaphore_mem>>)
        %dma_wait3A_248 = arith.constant 0 : i32
        %dma_wait3A_249 = arith.constant 0 : i32
        %dma_wait3A_250 = tpu.memref_slice %arg8[%arg0, %dma_wait3A_248, %dma_wait3A_249] : memref<2x80x128xf32, #tpu.memory_space<hbm>> -> memref<1x80x128xf32, #tpu.memory_space<hbm>>
        %dma_wait3A_251 = tpu.memref_squeeze %dma_wait3A_250 : memref<1x80x128xf32, #tpu.memory_space<hbm>> -> memref<80x128xf32, #tpu.memory_space<hbm>>
        tpu.wait_dma2 semaphore(%run_scoped3A : memref<!tpu.dma_semaphore, #tpu.memory_space<semaphore_mem>>) src(%arg20 : memref<80x128xf32, #tpu.memory_space<vmem_shared>>) dst(%dma_wait3A_251 : memref<80x128xf32, #tpu.memory_space<hbm>>)
        tpu.yield
      }) : () -> ()
    } else {
    }
    return
  }
}

module attributes {stable_mosaic.version = 14 : i64} {
  func.func @_tc1_body(%arg0: i32, %arg1: memref<2000x128xf32, #tpu.memory_space<vmem>>, %arg2: memref<128x128xf32, #tpu.memory_space<vmem>>, %arg3: memref<128x128xf32, #tpu.memory_space<vmem>>, %arg4: memref<1x128xf32, #tpu.memory_space<vmem>>, %arg5: memref<2000x128xf32, #tpu.memory_space<vmem>>, %arg6: memref<2000x128xf32, #tpu.memory_space<vmem>>) attributes {dimension_semantics = [#tpu.dimension_semantics<arbitrary>], iteration_bounds = array<i64: 5>, scalar_prefetch = 0 : i64, scratch_operands = 0 : i64, tpu.core_type = #tpu.core_type<tc>, window_params = [{transform_indices = @transform_0, window_bounds = array<i64: 2000, 128>}, {pipeline_mode = #tpu.pipeline_mode<synchronous>, transform_indices = @transform_1, window_bounds = array<i64: 128, 128>}, {pipeline_mode = #tpu.pipeline_mode<synchronous>, transform_indices = @transform_2, window_bounds = array<i64: 128, 128>}, {pipeline_mode = #tpu.pipeline_mode<synchronous>, transform_indices = @transform_3, window_bounds = array<i64: 1, 128>}, {transform_indices = @transform_4, window_bounds = array<i64: 2000, 128>}, {transform_indices = @transform_5, window_bounds = array<i64: 2000, 128>}]} {
    %get3A = arith.constant 0 : index
    %get3A_0 = arith.constant 0 : index
    %get3A_1 = vector.load %arg1[%get3A, %get3A_0] : memref<2000x128xf32, #tpu.memory_space<vmem>>, vector<2000x128xf32>
    %get3A_2 = arith.constant 0 : index
    %get3A_3 = arith.constant 0 : index
    %get3A_4 = vector.load %arg2[%get3A_2, %get3A_3] : memref<128x128xf32, #tpu.memory_space<vmem>>, vector<128x128xf32>
    %dot_general3A = arith.constant dense<0.000000e+00> : vector<2000x128xf32>
    %dot_general3A_5 = tpu.matmul %get3A_1, %get3A_4, %dot_general3A {dimension_numbers = #tpu.dot_dimension_numbers<[1], [1], [0], [0], [0, 0, 1, 0], [], []>, transpose_lhs_hint = false} : vector<2000x128xf32>, vector<128x128xf32>, vector<2000x128xf32> -> vector<2000x128xf32>
    %swap3A = arith.constant 0 : index
    %swap3A_6 = arith.constant 0 : index
    %swap3A_7 = vector.load %arg5[%swap3A, %swap3A_6] : memref<2000x128xf32, #tpu.memory_space<vmem>>, vector<2000x128xf32>
    tpu.vector_store %arg5[%swap3A, %swap3A_6], %dot_general3A_5 {strides = array<i32>} : memref<2000x128xf32, #tpu.memory_space<vmem>>, vector<2000x128xf32>,
    %get3A_8 = arith.constant 0 : index
    %get3A_9 = arith.constant 0 : index
    %get3A_10 = vector.load %arg3[%get3A_8, %get3A_9] : memref<128x128xf32, #tpu.memory_space<vmem>>, vector<128x128xf32>
    %dot_general3A_11 = arith.constant dense<0.000000e+00> : vector<2000x128xf32>
    %dot_general3A_12 = tpu.matmul %get3A_1, %get3A_10, %dot_general3A_11 {dimension_numbers = #tpu.dot_dimension_numbers<[1], [1], [0], [0], [0, 0, 1, 0], [], []>, transpose_lhs_hint = false} : vector<2000x128xf32>, vector<128x128xf32>, vector<2000x128xf32> -> vector<2000x128xf32>
    %get3A_13 = arith.constant 0 : index
    %get3A_14 = arith.constant 0 : index
    %get3A_15 = vector.load %arg4[%get3A_13, %get3A_14] : memref<1x128xf32, #tpu.memory_space<vmem>>, vector<1x128xf32>
    %add3A = vector.broadcast %get3A_15 : vector<1x128xf32> to vector<2000x128xf32>
    %add3A_16 = arith.addf %dot_general3A_12, %add3A : vector<2000x128xf32>
    %swap3A_17 = arith.constant 0 : index
    %swap3A_18 = arith.constant 0 : index
    %swap3A_19 = vector.load %arg6[%swap3A_17, %swap3A_18] : memref<2000x128xf32, #tpu.memory_space<vmem>>, vector<2000x128xf32>
    tpu.vector_store %arg6[%swap3A_17, %swap3A_18], %add3A_16 {strides = array<i32>} : memref<2000x128xf32, #tpu.memory_space<vmem>>, vector<2000x128xf32>,
    return
  }
  func.func @transform_0(%arg0: i32) -> (i32, i32) {
    %c0_i32 = arith.constant 0 : i32
    %c0_i32_0 = arith.constant 0 : i32
    return %arg0, %c0_i32 : i32, i32
  }
  func.func @transform_1(%arg0: i32) -> (i32, i32) {
    %c0_i32 = arith.constant 0 : i32
    %c0_i32_0 = arith.constant 0 : i32
    %c0_i32_1 = arith.constant 0 : i32
    return %c0_i32, %c0_i32_0 : i32, i32
  }
  func.func @transform_2(%arg0: i32) -> (i32, i32) {
    %c0_i32 = arith.constant 0 : i32
    %c0_i32_0 = arith.constant 0 : i32
    %c0_i32_1 = arith.constant 0 : i32
    return %c0_i32, %c0_i32_0 : i32, i32
  }
  func.func @transform_3(%arg0: i32) -> (i32, i32) {
    %c0_i32 = arith.constant 0 : i32
    %c0_i32_0 = arith.constant 0 : i32
    %c0_i32_1 = arith.constant 0 : i32
    return %c0_i32, %c0_i32_0 : i32, i32
  }
  func.func @transform_4(%arg0: i32) -> (i32, i32) {
    %c0_i32 = arith.constant 0 : i32
    %c0_i32_0 = arith.constant 0 : i32
    return %arg0, %c0_i32 : i32, i32
  }
  func.func @transform_5(%arg0: i32) -> (i32, i32) {
    %c0_i32 = arith.constant 0 : i32
    %c0_i32_0 = arith.constant 0 : i32
    return %arg0, %c0_i32 : i32, i32
  }
}

module attributes {stable_mosaic.version = 14 : i64} {
  func.func @_tc2_body(%arg0: i32, %arg1: memref<2x2000x128xf32, #tpu.memory_space<vmem>>, %arg2: memref<2x2000x1xf32, #tpu.memory_space<vmem>>, %arg3: memref<2000x128xf32, #tpu.memory_space<vmem>>, %arg4: memref<128x128xf32, #tpu.memory_space<vmem>>, %arg5: memref<1x128xf32, #tpu.memory_space<vmem>>, %arg6: memref<128x128xf32, #tpu.memory_space<vmem>>, %arg7: memref<2000x128xf32, #tpu.memory_space<vmem>>, %arg8: memref<2000x128xf32, #tpu.memory_space<vmem>>) attributes {dimension_semantics = [#tpu.dimension_semantics<arbitrary>], iteration_bounds = array<i64: 5>, scalar_prefetch = 0 : i64, scratch_operands = 0 : i64, tpu.core_type = #tpu.core_type<tc>, window_params = [{transform_indices = @transform_0, window_bounds = array<i64: 2, 2000, 128>}, {transform_indices = @transform_1, window_bounds = array<i64: 2, 2000, 1>}, {transform_indices = @transform_2, window_bounds = array<i64: 2000, 128>}, {pipeline_mode = #tpu.pipeline_mode<synchronous>, transform_indices = @transform_3, window_bounds = array<i64: 128, 128>}, {pipeline_mode = #tpu.pipeline_mode<synchronous>, transform_indices = @transform_4, window_bounds = array<i64: 1, 128>}, {pipeline_mode = #tpu.pipeline_mode<synchronous>, transform_indices = @transform_5, window_bounds = array<i64: 128, 128>}, {transform_indices = @transform_6, window_bounds = array<i64: 2000, 128>}, {transform_indices = @transform_7, window_bounds = array<i64: 2000, 128>}]} {
    %get3A = arith.constant 0 : index
    %get3A_0 = arith.constant 0 : index
    %get3A_1 = arith.constant 0 : index
    %get3A_2 = vector.load %arg1[%get3A, %get3A_0, %get3A_1] : memref<2x2000x128xf32, #tpu.memory_space<vmem>>, vector<1x2000x128xf32>
    %get3A_3 = vector.shape_cast %get3A_2 : vector<1x2000x128xf32> to vector<2000x128xf32>
    %get3A_4 = arith.constant 1 : index
    %get3A_5 = arith.constant 0 : index
    %get3A_6 = arith.constant 0 : index
    %get3A_7 = vector.load %arg1[%get3A_4, %get3A_5, %get3A_6] : memref<2x2000x128xf32, #tpu.memory_space<vmem>>, vector<1x2000x128xf32>
    %get3A_8 = vector.shape_cast %get3A_7 : vector<1x2000x128xf32> to vector<2000x128xf32>
    %add3A = arith.addf %get3A_3, %get3A_8 : vector<2000x128xf32>
    %get3A_9 = arith.constant 0 : index
    %get3A_10 = arith.constant 0 : index
    %get3A_11 = arith.constant 0 : index
    %get3A_12 = vector.load %arg2[%get3A_9, %get3A_10, %get3A_11] : memref<2x2000x1xf32, #tpu.memory_space<vmem>>, vector<1x2000x1xf32>
    %get3A_13 = vector.shape_cast %get3A_12 : vector<1x2000x1xf32> to vector<2000x1xf32>
    %get3A_14 = arith.constant 1 : index
    %get3A_15 = arith.constant 0 : index
    %get3A_16 = arith.constant 0 : index
    %get3A_17 = vector.load %arg2[%get3A_14, %get3A_15, %get3A_16] : memref<2x2000x1xf32, #tpu.memory_space<vmem>>, vector<1x2000x1xf32>
    %get3A_18 = vector.shape_cast %get3A_17 : vector<1x2000x1xf32> to vector<2000x1xf32>
    %add3A_19 = arith.addf %get3A_13, %get3A_18 : vector<2000x1xf32>
    %max3A = arith.constant 1.000000e+00 : f32
    %max3A_20 = vector.broadcast %max3A : f32 to vector<2000x1xf32>
    %max3A_21 = arith.maximumf %add3A_19, %max3A_20 : vector<2000x1xf32>
    %div3A = arith.constant 1.000000e+00 : f32
    %div3A_22 = vector.broadcast %div3A : f32 to vector<2000x1xf32>
    %div3A_23 = arith.divf %div3A_22, %max3A_21 : vector<2000x1xf32>
    %mul3A = vector.broadcast %div3A_23 : vector<2000x1xf32> to vector<2000x128xf32>
    %mul3A_24 = arith.mulf %add3A, %mul3A : vector<2000x128xf32>
    %get3A_25 = arith.constant 0 : index
    %get3A_26 = arith.constant 0 : index
    %get3A_27 = vector.load %arg3[%get3A_25, %get3A_26] : memref<2000x128xf32, #tpu.memory_space<vmem>>, vector<2000x128xf32>
    %add3A_28 = arith.addf %mul3A_24, %get3A_27 : vector<2000x128xf32>
    %max3A_29 = arith.constant 0.000000e+00 : f32
    %max3A_30 = vector.broadcast %max3A_29 : f32 to vector<2000x128xf32>
    %max3A_31 = arith.maximumf %add3A_28, %max3A_30 : vector<2000x128xf32>
    %get3A_32 = arith.constant 0 : index
    %get3A_33 = arith.constant 0 : index
    %get3A_34 = vector.load %arg4[%get3A_32, %get3A_33] : memref<128x128xf32, #tpu.memory_space<vmem>>, vector<128x128xf32>
    %dot_general3A = arith.constant dense<0.000000e+00> : vector<2000x128xf32>
    %dot_general3A_35 = tpu.matmul %max3A_31, %get3A_34, %dot_general3A {dimension_numbers = #tpu.dot_dimension_numbers<[1], [1], [0], [0], [0, 0, 1, 0], [], []>, transpose_lhs_hint = false} : vector<2000x128xf32>, vector<128x128xf32>, vector<2000x128xf32> -> vector<2000x128xf32>
    %swap3A = arith.constant 0 : index
    %swap3A_36 = arith.constant 0 : index
    %swap3A_37 = vector.load %arg7[%swap3A, %swap3A_36] : memref<2000x128xf32, #tpu.memory_space<vmem>>, vector<2000x128xf32>
    tpu.vector_store %arg7[%swap3A, %swap3A_36], %dot_general3A_35 {strides = array<i32>} : memref<2000x128xf32, #tpu.memory_space<vmem>>, vector<2000x128xf32>,
    %get3A_38 = arith.constant 0 : index
    %get3A_39 = arith.constant 0 : index
    %get3A_40 = vector.load %arg6[%get3A_38, %get3A_39] : memref<128x128xf32, #tpu.memory_space<vmem>>, vector<128x128xf32>
    %dot_general3A_41 = arith.constant dense<0.000000e+00> : vector<2000x128xf32>
    %dot_general3A_42 = tpu.matmul %max3A_31, %get3A_40, %dot_general3A_41 {dimension_numbers = #tpu.dot_dimension_numbers<[1], [1], [0], [0], [0, 0, 1, 0], [], []>, transpose_lhs_hint = false} : vector<2000x128xf32>, vector<128x128xf32>, vector<2000x128xf32> -> vector<2000x128xf32>
    %get3A_43 = arith.constant 0 : index
    %get3A_44 = arith.constant 0 : index
    %get3A_45 = vector.load %arg5[%get3A_43, %get3A_44] : memref<1x128xf32, #tpu.memory_space<vmem>>, vector<1x128xf32>
    %add3A_46 = vector.broadcast %get3A_45 : vector<1x128xf32> to vector<2000x128xf32>
    %add3A_47 = arith.addf %dot_general3A_42, %add3A_46 : vector<2000x128xf32>
    %swap3A_48 = arith.constant 0 : index
    %swap3A_49 = arith.constant 0 : index
    %swap3A_50 = vector.load %arg8[%swap3A_48, %swap3A_49] : memref<2000x128xf32, #tpu.memory_space<vmem>>, vector<2000x128xf32>
    tpu.vector_store %arg8[%swap3A_48, %swap3A_49], %add3A_47 {strides = array<i32>} : memref<2000x128xf32, #tpu.memory_space<vmem>>, vector<2000x128xf32>,
    return
  }
  func.func @transform_0(%arg0: i32) -> (i32, i32, i32) {
    %c0_i32 = arith.constant 0 : i32
    %c0_i32_0 = arith.constant 0 : i32
    %c0_i32_1 = arith.constant 0 : i32
    return %c0_i32, %arg0, %c0_i32_0 : i32, i32, i32
  }
  func.func @transform_1(%arg0: i32) -> (i32, i32, i32) {
    %c0_i32 = arith.constant 0 : i32
    %c0_i32_0 = arith.constant 0 : i32
    %c0_i32_1 = arith.constant 0 : i32
    return %c0_i32, %arg0, %c0_i32_0 : i32, i32, i32
  }
  func.func @transform_2(%arg0: i32) -> (i32, i32) {
    %c0_i32 = arith.constant 0 : i32
    %c0_i32_0 = arith.constant 0 : i32
    return %arg0, %c0_i32 : i32, i32
  }
  func.func @transform_3(%arg0: i32) -> (i32, i32) {
    %c0_i32 = arith.constant 0 : i32
    %c0_i32_0 = arith.constant 0 : i32
    %c0_i32_1 = arith.constant 0 : i32
    return %c0_i32, %c0_i32_0 : i32, i32
  }
  func.func @transform_4(%arg0: i32) -> (i32, i32) {
    %c0_i32 = arith.constant 0 : i32
    %c0_i32_0 = arith.constant 0 : i32
    %c0_i32_1 = arith.constant 0 : i32
    return %c0_i32, %c0_i32_0 : i32, i32
  }
  func.func @transform_5(%arg0: i32) -> (i32, i32) {
    %c0_i32 = arith.constant 0 : i32
    %c0_i32_0 = arith.constant 0 : i32
    %c0_i32_1 = arith.constant 0 : i32
    return %c0_i32, %c0_i32_0 : i32, i32
  }
  func.func @transform_6(%arg0: i32) -> (i32, i32) {
    %c0_i32 = arith.constant 0 : i32
    %c0_i32_0 = arith.constant 0 : i32
    return %arg0, %c0_i32 : i32, i32
  }
  func.func @transform_7(%arg0: i32) -> (i32, i32) {
    %c0_i32 = arith.constant 0 : i32
    %c0_i32_0 = arith.constant 0 : i32
    return %arg0, %c0_i32 : i32, i32
  }
}

module attributes {stable_mosaic.version = 14 : i64} {
  func.func @_tc3_body(%arg0: i32, %arg1: memref<2x2000x128xf32, #tpu.memory_space<vmem>>, %arg2: memref<2x2000x1xf32, #tpu.memory_space<vmem>>, %arg3: memref<2000x128xf32, #tpu.memory_space<vmem>>, %arg4: memref<2000x128xf32, #tpu.memory_space<vmem>>) attributes {dimension_semantics = [#tpu.dimension_semantics<arbitrary>], iteration_bounds = array<i64: 5>, scalar_prefetch = 0 : i64, scratch_operands = 0 : i64, tpu.core_type = #tpu.core_type<tc>, window_params = [{transform_indices = @transform_0, window_bounds = array<i64: 2, 2000, 128>}, {transform_indices = @transform_1, window_bounds = array<i64: 2, 2000, 1>}, {transform_indices = @transform_2, window_bounds = array<i64: 2000, 128>}, {transform_indices = @transform_3, window_bounds = array<i64: 2000, 128>}]} {
    %get3A = arith.constant 0 : index
    %get3A_0 = arith.constant 0 : index
    %get3A_1 = arith.constant 0 : index
    %get3A_2 = vector.load %arg1[%get3A, %get3A_0, %get3A_1] : memref<2x2000x128xf32, #tpu.memory_space<vmem>>, vector<1x2000x128xf32>
    %get3A_3 = vector.shape_cast %get3A_2 : vector<1x2000x128xf32> to vector<2000x128xf32>
    %get3A_4 = arith.constant 1 : index
    %get3A_5 = arith.constant 0 : index
    %get3A_6 = arith.constant 0 : index
    %get3A_7 = vector.load %arg1[%get3A_4, %get3A_5, %get3A_6] : memref<2x2000x128xf32, #tpu.memory_space<vmem>>, vector<1x2000x128xf32>
    %get3A_8 = vector.shape_cast %get3A_7 : vector<1x2000x128xf32> to vector<2000x128xf32>
    %add3A = arith.addf %get3A_3, %get3A_8 : vector<2000x128xf32>
    %get3A_9 = arith.constant 0 : index
    %get3A_10 = arith.constant 0 : index
    %get3A_11 = arith.constant 0 : index
    %get3A_12 = vector.load %arg2[%get3A_9, %get3A_10, %get3A_11] : memref<2x2000x1xf32, #tpu.memory_space<vmem>>, vector<1x2000x1xf32>
    %get3A_13 = vector.shape_cast %get3A_12 : vector<1x2000x1xf32> to vector<2000x1xf32>
    %get3A_14 = arith.constant 1 : index
    %get3A_15 = arith.constant 0 : index
    %get3A_16 = arith.constant 0 : index
    %get3A_17 = vector.load %arg2[%get3A_14, %get3A_15, %get3A_16] : memref<2x2000x1xf32, #tpu.memory_space<vmem>>, vector<1x2000x1xf32>
    %get3A_18 = vector.shape_cast %get3A_17 : vector<1x2000x1xf32> to vector<2000x1xf32>
    %add3A_19 = arith.addf %get3A_13, %get3A_18 : vector<2000x1xf32>
    %max3A = arith.constant 1.000000e+00 : f32
    %max3A_20 = vector.broadcast %max3A : f32 to vector<2000x1xf32>
    %max3A_21 = arith.maximumf %add3A_19, %max3A_20 : vector<2000x1xf32>
    %div3A = arith.constant 1.000000e+00 : f32
    %div3A_22 = vector.broadcast %div3A : f32 to vector<2000x1xf32>
    %div3A_23 = arith.divf %div3A_22, %max3A_21 : vector<2000x1xf32>
    %mul3A = vector.broadcast %div3A_23 : vector<2000x1xf32> to vector<2000x128xf32>
    %mul3A_24 = arith.mulf %add3A, %mul3A : vector<2000x128xf32>
    %get3A_25 = arith.constant 0 : index
    %get3A_26 = arith.constant 0 : index
    %get3A_27 = vector.load %arg3[%get3A_25, %get3A_26] : memref<2000x128xf32, #tpu.memory_space<vmem>>, vector<2000x128xf32>
    %add3A_28 = arith.addf %mul3A_24, %get3A_27 : vector<2000x128xf32>
    %swap3A = arith.constant 0 : index
    %swap3A_29 = arith.constant 0 : index
    %swap3A_30 = vector.load %arg4[%swap3A, %swap3A_29] : memref<2000x128xf32, #tpu.memory_space<vmem>>, vector<2000x128xf32>
    tpu.vector_store %arg4[%swap3A, %swap3A_29], %add3A_28 {strides = array<i32>} : memref<2000x128xf32, #tpu.memory_space<vmem>>, vector<2000x128xf32>,
    return
  }
  func.func @transform_0(%arg0: i32) -> (i32, i32, i32) {
    %c0_i32 = arith.constant 0 : i32
    %c0_i32_0 = arith.constant 0 : i32
    %c0_i32_1 = arith.constant 0 : i32
    return %c0_i32, %arg0, %c0_i32_0 : i32, i32, i32
  }
  func.func @transform_1(%arg0: i32) -> (i32, i32, i32) {
    %c0_i32 = arith.constant 0 : i32
    %c0_i32_0 = arith.constant 0 : i32
    %c0_i32_1 = arith.constant 0 : i32
    return %c0_i32, %arg0, %c0_i32_0 : i32, i32, i32
  }
  func.func @transform_2(%arg0: i32) -> (i32, i32) {
    %c0_i32 = arith.constant 0 : i32
    %c0_i32_0 = arith.constant 0 : i32
    return %arg0, %c0_i32 : i32, i32
  }
  func.func @transform_3(%arg0: i32) -> (i32, i32) {
    %c0_i32 = arith.constant 0 : i32
    %c0_i32_0 = arith.constant 0 : i32
    return %arg0, %c0_i32 : i32, i32
  }
}

</mosaic_0001>

<sc_bundles>
// kernel: kernel.10.cloned.1.call-start
scs
__scs_entry_jumppad:
0x0: {  	(pc) =	sbr.rel $0x88, $3  }
0x1: {  	(tag) =	ssettag $0x0;
	lr =	simm.s32 $0x1  }
0x2: {  	[smem:$0x3F99] =	sst lr;
	_ =	strace $0xD0000000  }
0x3: {  	_ = 	snop  }
0x4: {  	_ = 	snop  }
0x5: {  	_ = 	snop  }
0x6: {  	_ = 	snop  }
0x7: {  	_ = 	snop  }
__scs_overlays_trampoline_lowered:
0x8: {  	[smem:$0x3FA8] =	sst s0  }
0x9: {  	[smem:$0x3FA9] =	sst s1  }
0xa: {  	[smem:$0x3FAA] =	sst s2  }
0xb: {  	[smem:$0x3FAB] =	sst s3  }
0xc: {  	[smem:$0x3FAC] =	sst s4  }
0xd: {  	[smem:$0x3FAD] =	sst s5  }
0xe: {  	[smem:$0x3FAE] =	sst s6  }
0xf: {  	[smem:$0x3FAF] =	sst s7  }
0x10: {  	[smem:$0x3FB0] =	sst s8  }
0x11: {  	[smem:$0x3FB1] =	sst s9;
	s0 =	simm.s32 @!p0 $0x0  }
0x12: {  	s1 =	sld [smem:$0x3F97];
	s0 =	simm.s32 @p0 $0x1  }
0x13: {  	[smem:$0x3FB2] =	sst s0;
	s0 =	simm.s32 @!p1 $0x0  }
0x14: {  	s2 =	sld [smem:$0x3F96];
	s0 =	simm.s32 @p1 $0x1  }
0x15: {  	[smem:$0x3FB3] =	sst s0;
	s0 =	simm.s32 @!p2 $0x0  }
0x16: {  	s3 =	sld [smem:$0x3FDB];
	s0 =	simm.s32 @p2 $0x1  }
0x17: {  	s4 =	simm.s32 $0x1BF5;
	[smem:$0x3FB5] =	sst s0  }
0x18: {  	s0 =	sld [smem:$0x3F98];
	_ =	swait.ge [sflag:s4], $0x0  }
0x19: {  	s7 =	sld [smem:$0x3F99]  }
0x1a: {  	s8 =	sadd.s32 $0xFFFFE003, lr  }
0x1b: {  	s9 =	sadd.s32 $0xFFFFFEF7, lr;
	s5 =	simm.s32 $0xFFFFFFFF;
	p2 =	slt.u32 s8, $0xFFFFF086  }
0x1c: {  	p1 =	slt.u32 s9, $0xF7A;
	s5 =	simm.s32 @!p2 $0x0  }
0x1d: {  	s5 =	simm.s32 @p1 $0x1;
	p0 =	seq.s32 s7, s2  }
0x1e: {  	s7 =	smul.u32 @!p0 $0xF7A, s2;
	p2 =	seq.s32 @!p0 s5, $0x0  }
0x1f: {  	s9 =	smul.u32 $0xF7A, s1;
	s8 =	simm.s32 @!p0 $0x1BF5;
	p2 =	por !p2, p0  }
0x20: {  	[sflag:s8] =	ssyncset.s32 @!p0 $0xFFFFF086;
	s6 =	sadd.s32 @!p0 s3, s7;
	s7 =	simm.s32 @!p0 $0x108  }
0x21: {  	s3 =	sadd.s32 s3, s9;
	s6 =	sadd.s32 @!p0 $0x88, s6;
	s7 =	simm.s32 @p2 $0x1082  }
0x22: {  	[simem:s7], [sflag:s8] =	dma.local @!p0 [hbm:s6], $0xF7A  }
0x23: {  	s9 =	sor.u32 $0xD0000000, s2;
	s6 =	simm.s32 $0x108;
	_ =	swait.ge @!p0 [sflag:s8], $0x0  }
0x24: {  	s3 =	sadd.s32 $0x88, s3;
	s6 =	simm.s32 @!p1 $0x1082;
	[sflag:s4] =	ssyncset.s32 $0xFFFFF086  }
0x25: {  	[simem:s6], [sflag:s4] =	dma.local [hbm:s3], $0xF7A  }
0x26: {  	[smem:$0x3F99] =	sst s1;
	(tag) =	ssettag s2;
	_ =	strace s9  }
0x27: {  	s1 =	sld [smem:$0x3FA9]  }
0x28: {  	s2 =	sld [smem:$0x3FAA]  }
0x29: {  	s4 =	sld [smem:$0x3FAC]  }
0x2a: {  	p0 =	seq.s32 s5, $0x0;
	s5 =	sld [smem:$0x3FAD]  }
0x2b: {  	s6 =	sld [smem:$0x3FAE]  }
0x2c: {  	s7 =	sld [smem:$0x3FAF]  }
0x2d: {  	s3 =	simm.s32 $0x108;
	s8 =	sld [smem:$0x3FB0]  }
0x2e: {  	s3 =	simm.s32 @!p0 $0x1082;
	s9 =	sld [smem:$0x3FB1]  }
0x2f: {  	lr =	sadd.s32 s0, s3;
	s0 =	sld [smem:$0x3FA8]  }
0x30: {  	s3 =	sld [smem:$0x3FAB]  }
0x31: {  	[smem:$0x3FB4] =	sst s10  }
0x32: {  	s10 =	sld [smem:$0x3FB2];
	_ =	sdelay $0x3  }
0x33: {  	p0 =	seq.s32 s10, $0x1;
	s10 =	sld [smem:$0x3FB4];
	_ =	sdelay $0x3  }
0x34: {  	[smem:$0x3FB4] =	sst s10  }
0x35: {  	s10 =	sld [smem:$0x3FB3];
	_ =	sdelay $0x3  }
0x36: {  	p1 =	seq.s32 s10, $0x1;
	s10 =	sld [smem:$0x3FB4];
	_ =	sdelay $0x3  }
0x37: {  	[smem:$0x3FB4] =	sst s10  }
0x38: {  	s10 =	sld [smem:$0x3FB5]  }
0x39: {  	_ = 	snop;
	(pc) =	sbr.ind lr, $3  }
0x3a: {  	_ = 	snop  }
0x3b: {  	_ = 	snop  }
0x3c: {  	p2 =	seq.s32 s10, $0x1;
	s10 =	sld [smem:$0x3FB4]  }
0x3d: {  	_ =	shalt  }
0x3e: {  	_ =	shalt  }
0x3f: {  	_ =	shalt  }
0x40: {  	_ =	shalt  }
0x41: {  	_ =	shalt  }
0x42: {  	_ =	shalt  }
0x43: {  	_ =	shalt  }
0x44: {  	_ =	shalt  }
0x45: {  	_ =	shalt  }
0x46: {  	_ =	shalt  }
0x47: {  	_ =	shalt  }
0x48: {  	_ =	shalt  }
0x49: {  	_ =	shalt  }
0x4a: {  	_ =	shalt  }
0x4b: {  	_ =	shalt  }
0x4c: {  	_ =	shalt  }
0x4d: {  	_ =	shalt  }
0x4e: {  	_ =	shalt  }
0x4f: {  	_ =	shalt  }
0x50: {  	_ =	shalt  }
0x51: {  	_ =	shalt  }
0x52: {  	_ =	shalt  }
0x53: {  	_ =	shalt  }
0x54: {  	_ =	shalt  }
0x55: {  	_ =	shalt  }
0x56: {  	_ =	shalt  }
0x57: {  	_ =	shalt  }
0x58: {  	_ =	shalt  }
0x59: {  	_ =	shalt  }
0x5a: {  	_ =	shalt  }
0x5b: {  	_ =	shalt  }
0x5c: {  	_ =	shalt  }
0x5d: {  	_ =	shalt  }
0x5e: {  	_ =	shalt  }
0x5f: {  	_ =	shalt  }
0x60: {  	_ =	shalt  }
0x61: {  	_ =	shalt  }
0x62: {  	_ =	shalt  }
0x63: {  	_ =	shalt  }
0x64: {  	_ =	shalt  }
0x65: {  	_ =	shalt  }
0x66: {  	_ =	shalt  }
0x67: {  	_ =	shalt  }
0x68: {  	_ =	shalt  }
0x69: {  	_ =	shalt  }
0x6a: {  	_ =	shalt  }
0x6b: {  	_ =	shalt  }
0x6c: {  	_ =	shalt  }
0x6d: {  	_ =	shalt  }
0x6e: {  	_ =	shalt  }
0x6f: {  	_ =	shalt  }
0x70: {  	_ =	shalt  }
0x71: {  	_ =	shalt  }
0x72: {  	_ =	shalt  }
0x73: {  	_ =	shalt  }
0x74: {  	_ =	shalt  }
0x75: {  	_ =	shalt  }
0x76: {  	_ =	shalt  }
0x77: {  	_ =	shalt  }
0x78: {  	_ =	shalt  }
0x79: {  	_ =	shalt  }
0x7a: {  	_ =	shalt  }
0x7b: {  	_ =	shalt  }
0x7c: {  	_ =	shalt  }
0x7d: {  	_ =	shalt  }
0x7e: {  	_ =	shalt  }
0x7f: {  	_ =	shalt  }
0x80: {  	_ =	shalt  }
0x81: {  	_ =	shalt  }
0x82: {  	_ =	shalt  }
0x83: {  	_ =	shalt  }
0x84: {  	_ =	shalt  }
0x85: {  	_ =	shalt  }
0x86: {  	_ =	shalt  }
0x87: {  	_ =	shalt  }
.Lfunc_end0:
.L_simem_size_0:
called_computation.1_lowered:
.L_overlay_start_0:
0x88: {  	s2 =	sld [smem:$0x3FD9]  }
0x89: {  	s3 =	sld [smem:$0x3FFE];
	_ =	sdelay $0x1  }
0x8a: {  	s1 =	srdreg.scid  }
0x8b: {  	s0 =	sand.u32 $0x1, s1  }
0x8c: {  	s17 =	sshll.u32 s0, $0xA;
	s2 =	sadd.s32 s3, s2  }
0x8d: {  	s2 =	sadd.s32 s2, s17  }
0x8e: {  	[smem:$0x3FC0] =	sst s2  }
0x8f: {  	_ = 	snop  }
0x90: {  	s2 =	sld [smem:$0x3FD0];
	(tm) =	ssettm $0x1  }
0x91: {  	s18 =	sld [smem:$0x3FFB];
	_ =	sdelay $0x3  }
0x92: {  	_ =	strace s18  }
0x93: {  	s3 =	sld [smem:$0x3FFC];
	_ =	sdelay $0x3  }
0x94: {  	_ =	strace s3  }
0x95: {  	s3 =	sld [smem:$0x3FFD];
	_ =	sdelay $0x3  }
0x96: {  	_ =	strace s3  }
0x97: {  	_ =	strace $0x8FFFFFFF  }
0x98: {  	s19 =	sld [smem:$0x3FDB];
	_ =	sdelay $0x1  }
0x99: {  	s4 =	simm.s32 $_scs_section_size  }
0x9a: {  	s5 =	simm.s32 $_size__tile_overlayer_lowered;
	s6 =	simm.s32 $_tile_overlayer_lowered  }
0x9b: {  	s22 =	simm.s32 $0x1BFF;
	s21 =	sshll.u32 s6, $0x1;
	s3 =	sadd.s32 s4, s19  }
0x9c: {  	s7 =	simm.s32 $0x0;
	s20 =	sshll.u32 s5, $0x1;
	s5 =	sadd.s32 s21, s3  }
0x9d: {  	[timem:s7], [sflag:s22] =	dma.local [hbm:s5], s20  }
0x9e: {  	_ =	swait.ge [sflag:s22], s20  }
0x9f: {  	s4 =	ssub.s32 $0x0, s20;
	[sflag:s22] =	ssyncset.done $0x0  }
0xa0: {  	[sflag:s22] =	ssyncadd.s32 s4;
	_ =	sdelay $0x1  }
0xa1: {  	s23 =	simm.s32 $0x1B8B  }
0xa2: {  	_ =	swait.ge [sflag:s23], $0x1  }
0xa3: {  	[sflag:s23] =	ssyncset.done $0x0  }
0xa4: {  	s25 =	simm.s32 $0x1B8E;
	s24 =	sld [smem:$0x3FFE];
	[sflag:s23] =	ssyncadd.s32 $0xFFFFFFFF  }
0xa5: {  	s26 =	simm.s32 $execute0_lowered;
	[smem:$0x3FD2] =	sst s25  }
0xa6: {  	s5 =	sshll.u32 s26, $0x1;
	_ =	strace $0x80000049;
	[dreg:$0x1] =	wrdreg $0xFFFFFFFF  }
0xa7: {  	s28 =	simm.s32 $_size_execute0_lowered;
	s3 =	sadd.s32 s3, s5;
	[dreg:$0x0] =	wrdreg $0x0  }
0xa8: {  	s5 =	sshll.u32 s28, $0x1;
	[dreg:$0x2] =	wrdreg s3  }
0xa9: {  	[dreg:$0x3] =	wrdreg s5  }
0xaa: {  	[dreg:$0x4] =	wrdreg $0xC0  }
0xab: {  	_ =	task [dreg:s7], $0x5FFFF  }
0xac: {  	[dreg:$0x1] =	wrdreg $0xFFFFFFFF  }
0xad: {  	[dreg:$0x0] =	wrdreg $0x60  }
0xae: {  	[dreg:$0x2] =	wrdreg s2  }
0xaf: {  	[dreg:$0x3] =	wrdreg s24  }
0xb0: {  	[dreg:$0x4] =	wrdreg $0x84000  }
0xb1: {  	[dreg:$0x5] =	wrdreg $0x9  }
0xb2: {  	_ =	task.clear_ibuf [dreg:s7], $0x6FFFF;
	_ =	strace $0x90000049  }
0xb3: {  	s29 =	simm.s32 $0x9;
	_ =	strace $0x8000004B  }
0xb4: {  	_ =	swait.ge [sflag:s29], $0x1  }
0xb5: {  	[sflag:s29] =	ssyncadd.s32 $0xFFFFFFFF  }
0xb6: {  	_ =	strace $0x9000004B  }
0xb7: {  	_ =	sfence  }
0xb8: {  	s30 =	sld [smem:$0x0];
	_ =	sdelay $0x2  }
0xb9: {  	s31 =	sshll.u32 s1, $0xD;
	s1 =	sshrl.u32 s1, $0x2  }
0xba: {  	s3 =	sand.u32 $0x4000, s31;
	s1 =	sadd.s32 s1, s30  }
0xbb: {  	s0 =	sor.u32 s3, s0;
	s1 =	sshll.u32 s1, $0x11  }
0xbc: {  	s0 =	sor.u32 s1, s0  }
0xbd: {  	s0 =	sadd.s32 $0x8F2B, s0  }
0xbe: {  	[sflag:s0] =	ssyncadd.remote.s32 $0x1  }
0xbf: {  	_ =	sfence.sel $0xFFFF  }
0xc0: {  	[dreg:$0x0] =	wrdreg $0xFFFFFFFF;
	(pc) =	sbr.abs _section_cstart, $3  }
0xc1: {  	[dreg:$0x1] =	wrdreg $0xFFFFFFFF  }
0xc2: {  	_ =	task.clear_ibuf [dreg:s7], $0x2FFFF;
	_ =	strace $0x9FFFFFFF  }
0xc3: {  	(tm) =	ssettm $0x7FFFFFFF  }
tec
execute0_lowered:
.L_overlay_start_1:
0x0: {  	(tag) =	ssettag $0x1  }
0x1: {  	s1 =	rddreg [dreg:$0x0]  }
0x2: {  	s0 =	rddreg [dreg:$0x1]  }
0x3: {  	s3 =	rddreg [dreg:$0x2]  }
0x4: {  	s4 =	simm.s32 $0x0;
	s2 =	srdreg.scid;
	s12 =	stileid.u32  }
0x5: {  	s29 =	simm.s32 $0x3;
	s30 =	simm.s32 $0x4;
	s31 =	simm.s32 $0x400  }
0x6: {  	[smem:$0x7FF] =	sst s4;
	s2 =	sand.u32 $0x1, s2;
	s10 =	smul.u32 $0x50000, s12  }
0x7: {  	s5 =	sshll.u32 s12, $0x1;
	s11 =	sadd.s32 $0x16400, s0;
	s28 =	smul.u32 $0x2800, s12  }
0x8: {  	s19 =	sshll.u32 s12, $0x6;
	_ =	strace $0x8000004A;
	s7 =	smul.u32 $0x28000, s2  }
0x9: {  	s6 =	sor.u32 s2, s5;
	s5 =	sadd.s32 $0x1E00, s0;
	s2 =	ssub.s32 $0x2, s2  }
0xa: {  	[dreg:$0x6] =	wrdreg s11;
	s8 =	smul.u32 $0x2800, s6;
	s6 =	sadd.s32 $0xBE00, s0  }
0xb: {  	s9 =	sshrl.u32 s2, $0x1;
	s18 =	sshrl.u32 s10, $0x2;
	s0 =	sadd.s32 s7, s0  }
0xc: {  	s2 =	ssub.s32 s2, s9;
	s7 =	sadd.s32 s18, s3;
	s9 =	sor.u32 $0x1C05, s19  }
0xd: {  	s19 =	simm.s32 $0x5;
	s20 =	sshrl.u32 s8, $0x3;
	[dreg:$0x7] =	wrdreg s7  }
0xe: {  	s26 =	sor.u32 $0x200, s8;
	s8 =	sor.u32 $0x280, s8;
	s0 =	sadd.s32 $0x18C00, s0  }
0xf: {  	s18 =	smax.u32 s2, $0x1;
	s2 =	simm.s32 $0x1;
	[dreg:$0x4] =	wrdreg s26  }
0x10: {  	s21 =	sadd.s32 s5, s20;
	s22 =	sadd.s32 s6, s20;
	[dreg:$0x5] =	wrdreg s8  }
0x11: {  	s23 =	sor.u32 $0x10, s20;
	s24 =	sor.u32 $0x20, s20;
	[dreg:$0x8] =	wrdreg s21  }
0x12: {  	s25 =	sor.u32 $0x30, s20;
	s20 =	simm.s32 $0x2;
	[dreg:$0x9] =	wrdreg s22  }
0x13: {  	s13 =	sadd.s32 s5, s23;
	s7 =	sadd.s32 s6, s23;
	s14 =	sadd.s32 s5, s24  }
0x14: {  	s15 =	sadd.s32 s6, s24;
	s16 =	sadd.s32 s5, s25;
	s17 =	sadd.s32 s6, s25  }
0x15: {  	s21 =	simm.s32 $0x80;
	s24 =	sadd.s32 s28, s0;
	[dreg:$0xa] =	wrdreg s13  }
0x16: {  	s0 =	simm.s32 $0x4400;
	s22 =	simm.s32 $0x0;
	[dreg:$0xb] =	wrdreg s7  }
.LBB2_1:
0x17: {  	s7 =	rddreg [dreg:$0x7]  }
0x18: {  	s10 =	rddreg [dreg:$0x6];
	s23 =	sshrl.u32 s7, $0x3  }
0x19: {  	[spmem:s23], [sflag:s9] =	dma.local [hbm:s10], $0x2800  }
0x1a: {  	_ =	swait.ge [sflag:s19], $0x2800  }
0x1b: {  	[sflag:s19] =	ssyncset.done $0x0  }
0x1c: {  	[sflag:s19] =	ssyncadd.s32 $0xFFFFD800  }
0x1d: {  	[bflag:$0x0] =	sbarrier.arrive $0xFFFF  }
0x1e: {  	s11 =	rddreg [dreg:$0x8]  }
0x1f: {  	[tilespmem:s4], [sflag:$0x3] =	stream.linear.gather [hbm4b:s11+s4], $0x80, $0x38;
	[tilespmem:$0x1C400] =	vst v63  }
0x20: {  	s8 =	simm.s32 $0x200;
	s12 =	rddreg [dreg:$0x9]  }
0x21: {  	[tilespmem:s8], [sflag:$0x4] =	stream.linear.gather [hbm4b:s12+s4], $0x80, $0x38;
	[tilespmem:$0x1C400] =	vst v63  }
0x22: {  	s13 =	rddreg [dreg:$0xa]  }
0x23: {  	[tilespmem:s21], [sflag:$0x3] =	stream.linear.gather [hbm4b:s13+s4], $0x80, $0x38;
	[tilespmem:$0x1C400] =	vst v63  }
0x24: {  	s26 =	simm.s32 $0x280;
	s25 =	rddreg [dreg:$0xb]  }
0x25: {  	[tilespmem:s26], [sflag:$0x4] =	stream.linear.gather [hbm4b:s25+s4], $0x80, $0x38;
	[tilespmem:$0x1C400] =	vst v63  }
0x26: {  	s8 =	simm.s32 $0x100  }
0x27: {  	[tilespmem:s8], [sflag:$0x3] =	stream.linear.gather [hbm4b:s14+s4], $0x80, $0x38;
	[tilespmem:$0x1C400] =	vst v63  }
0x28: {  	s10 =	simm.s32 $0x300  }
0x29: {  	[tilespmem:s10], [sflag:$0x4] =	stream.linear.gather [hbm4b:s15+s4], $0x80, $0x38;
	[tilespmem:$0x1C400] =	vst v63  }
0x2a: {  	s11 =	simm.s32 $0x180  }
0x2b: {  	[tilespmem:s11], [sflag:$0x3] =	stream.linear.gather [hbm4b:s16+s4], $0x80, $0x38;
	[tilespmem:$0x1C400] =	vst v63  }
0x2c: {  	s12 =	simm.s32 $0x380  }
0x2d: {  	[tilespmem:s12], [sflag:$0x4] =	stream.linear.gather [hbm4b:s17+s4], $0x80, $0x38;
	[tilespmem:$0x1C400] =	vst v63  }
0x2e: {  	_ =	swait.ge [sflag:s29], $0x80  }
0x2f: {  	[sflag:s29] =	ssyncset.done $0x0  }
0x30: {  	[sflag:s29] =	ssyncadd.s32 $0xFFFFFF80  }
0x31: {  	_ =	swait.ge [sflag:s30], $0x80  }
0x32: {  	[sflag:s30] =	ssyncset.done $0x0  }
0x33: {  	[sflag:s30] =	ssyncadd.s32 $0xFFFFFF80  }
0x34: {  	_ =	swait.ge [sflag:s29], $0x80  }
0x35: {  	[sflag:s29] =	ssyncset.done $0x0  }
0x36: {  	[sflag:s29] =	ssyncadd.s32 $0xFFFFFF80  }
0x37: {  	_ =	swait.ge [sflag:s30], $0x80  }
0x38: {  	[sflag:s30] =	ssyncset.done $0x0  }
0x39: {  	[sflag:s30] =	ssyncadd.s32 $0xFFFFFF80  }
0x3a: {  	[tilespmem:s31], [sflag:$0x1] =	stream.indirect.gather [hbm4b:s1+s21], $0x80, s4, s21, $0xb8;
	[tilespmem:$0x1C400] =	vst v63  }
0x3b: {  	_ = 	snop  }
0x3c: {  	[tilespmem:s0], [sflag:$0x2] =	stream.indirect.gather [hbm4b:s1+s21], $0x80, s21, s21, $0xb8;
	[tilespmem:$0x1C400] =	vst v63  }
0x3d: {  	_ =	swait.ge [sflag:s29], $0x80  }
0x3e: {  	[sflag:s29] =	ssyncset.done $0x0  }
0x3f: {  	[sflag:s29] =	ssyncadd.s32 $0xFFFFFF80  }
0x40: {  	_ =	swait.ge [sflag:s30], $0x80  }
0x41: {  	[sflag:s30] =	ssyncset.done $0x0  }
0x42: {  	[sflag:s30] =	ssyncadd.s32 $0xFFFFFF80  }
0x43: {  	_ =	swait.ge [sflag:s2], $0x4000  }
0x44: {  	s13 =	simm.s32 $0x0;
	s25 =	sand.u32 $0x100, s4;
	[sflag:s2] =	ssyncset.done $0x0  }
0x45: {  	s7 =	sxor.u32 $0xFFFFFFFF, s13;
	s26 =	sor.u32 $0x200, s25;
	[sflag:s2] =	ssyncadd.s32 $0xFFFFC000  }
0x46: {  	[spmem:s3] =	stream.indirect.scatter.add.f32 [tilespmem:s31], [sflag:$0x5], $0x80, s26, s21, $0xb8;
	[tilespmem:$0x1C400] =	vst v63  }
0x47: {  	s7 =	sand.u32 $0x400, s7;
	s10 =	smin.u32 s4, $0x4B;
	_ =	swait.ge [sflag:s19], $0x4000  }
0x48: {  	s10 =	sshll.u32 s10, $0x7;
	[sflag:s19] =	ssyncset.done $0x0;
	s11 =	rddreg [dreg:$0x4]  }
0x49: {  	s7 =	sshrl.u32 s7, $0x2;
	[sflag:s19] =	ssyncadd.s32 $0xFFFFC000;
	s10 =	sadd.s32 s10, s11  }
0x4a: {  	[tilespmem:s31], [sflag:$0x1] =	stream.indirect.gather [hbm4b:s1+s21], $0x80, s7, s21, $0xb8;
	[tilespmem:$0x1C400] =	vst v63  }
0x4b: {  	s7 =	sshrl.u32 s10, $0x3  }
0x4c: {  	s11 =	sadd.s32 s5, s7  }
0x4d: {  	[tilespmem:s25], [sflag:$0x3] =	stream.linear.gather [hbm4b:s11+s4], $0x80, $0x38;
	[tilespmem:$0x1C400] =	vst v63  }
0x4e: {  	s7 =	sadd.s32 s6, s7  }
0x4f: {  	[tilespmem:s26], [sflag:$0x4] =	stream.linear.gather [hbm4b:s7+s4], $0x80, $0x38;
	[tilespmem:$0x1C400] =	vst v63  }
0x50: {  	_ =	swait.ge [sflag:s29], $0x80  }
0x51: {  	[sflag:s29] =	ssyncset.done $0x0  }
0x52: {  	[sflag:s29] =	ssyncadd.s32 $0xFFFFFF80  }
0x53: {  	_ =	swait.ge [sflag:s30], $0x80  }
0x54: {  	[sflag:s30] =	ssyncset.done $0x0  }
0x55: {  	[sflag:s30] =	ssyncadd.s32 $0xFFFFFF80  }
0x56: {  	_ =	swait.ge [sflag:s20], $0x4000  }
0x57: {  	[sflag:s20] =	ssyncset.done $0x0  }
0x58: {  	s10 =	sor.u32 $0x280, s25;
	[sflag:s20] =	ssyncadd.s32 $0xFFFFC000  }
0x59: {  	[spmem:s3] =	stream.indirect.scatter.add.f32 [tilespmem:s0], [sflag:$0x5], $0x80, s10, s21, $0xb8;
	[tilespmem:$0x1C400] =	vst v63  }
0x5a: {  	s28 =	simm.s32 $0x0;
	s12 =	simm.s32 $0x600;
	_ =	swait.ge [sflag:s19], $0x4000  }
0x5b: {  	s13 =	smin.u32 s4, $0x4A;
	s7 =	sand.u32 $0x600, s12;
	[sflag:s19] =	ssyncset.done $0x0  }
0x5c: {  	s26 =	simm.s32 $0xA00;
	s7 =	sshrl.u32 s7, $0x2;
	[sflag:s19] =	ssyncadd.s32 $0xFFFFC000  }
0x5d: {  	[tilespmem:s0], [sflag:$0x2] =	stream.indirect.gather [hbm4b:s1+s21], $0x80, s7, s21, $0xb8;
	[tilespmem:$0x1C400] =	vst v63  }
0x5e: {  	s12 =	sshll.u32 s13, $0x7;
	s11 =	rddreg [dreg:$0x5];
	s7 =	simm.s32 $0x0  }
.LBB2_2:
0x5f: {  	s11 =	sadd.s32 s12, s11  }
0x60: {  	s11 =	sshrl.u32 s11, $0x3  }
0x61: {  	s25 =	sor.u32 $0x80, s25;
	s13 =	sadd.s32 s5, s11  }
0x62: {  	[tilespmem:s25], [sflag:$0x3] =	stream.linear.gather [hbm4b:s13+s4], $0x80, $0x38;
	[tilespmem:$0x1C400] =	vst v63  }
0x63: {  	s11 =	sadd.s32 s6, s11  }
0x64: {  	[tilespmem:s10], [sflag:$0x4] =	stream.linear.gather [hbm4b:s11+s4], $0x80, $0x38;
	[tilespmem:$0x1C400] =	vst v63  }
0x65: {  	_ =	swait.ge [sflag:s29], $0x80  }
0x66: {  	[sflag:s29] =	ssyncset.done $0x0  }
0x67: {  	[sflag:s29] =	ssyncadd.s32 $0xFFFFFF80  }
0x68: {  	_ =	swait.ge [sflag:s30], $0x80  }
0x69: {  	[sflag:s30] =	ssyncset.done $0x0  }
0x6a: {  	s28 =	sadd.s32 $0x2, s28;
	[sflag:s30] =	ssyncadd.s32 $0xFFFFFF80  }
0x6b: {  	s7 =	sadd.s32 $0x100, s7;
	s8 =	smov.u32 s26;
	_ =	swait.ge [sflag:s2], $0x4000  }
0x6c: {  	s12 =	sadd.s32 $0xFFFFFA00, s8;
	s25 =	sand.u32 $0x100, s7;
	[sflag:s2] =	ssyncset.done $0x0  }
0x6d: {  	s13 =	smin.u32 s28, $0x4B;
	s10 =	sor.u32 $0x200, s25;
	[sflag:s2] =	ssyncadd.s32 $0xFFFFC000  }
0x6e: {  	[spmem:s3] =	stream.indirect.scatter.add.f32 [tilespmem:s31], [sflag:$0x5], $0x80, s10, s21, $0xb8;
	[tilespmem:$0x1C400] =	vst v63  }
0x6f: {  	s11 =	sxor.u32 $0xFFFFFFFF, s12;
	s12 =	sshll.u32 s13, $0x7;
	_ =	swait.ge [sflag:s19], $0x4000  }
0x70: {  	s11 =	sand.u32 $0x400, s11;
	[sflag:s19] =	ssyncset.done $0x0;
	s13 =	rddreg [dreg:$0x4]  }
0x71: {  	s11 =	sshrl.u32 s11, $0x2;
	[sflag:s19] =	ssyncadd.s32 $0xFFFFC000;
	s12 =	sadd.s32 s12, s13  }
0x72: {  	[tilespmem:s31], [sflag:$0x1] =	stream.indirect.gather [hbm4b:s1+s21], $0x80, s11, s21, $0xb8;
	[tilespmem:$0x1C400] =	vst v63  }
0x73: {  	s11 =	sshrl.u32 s12, $0x3  }
0x74: {  	s13 =	sadd.s32 s5, s11  }
0x75: {  	[tilespmem:s25], [sflag:$0x3] =	stream.linear.gather [hbm4b:s13+s4], $0x80, $0x38;
	[tilespmem:$0x1C400] =	vst v63  }
0x76: {  	s11 =	sadd.s32 s6, s11  }
0x77: {  	[tilespmem:s10], [sflag:$0x4] =	stream.linear.gather [hbm4b:s11+s4], $0x80, $0x38;
	[tilespmem:$0x1C400] =	vst v63  }
0x78: {  	_ =	swait.ge [sflag:s29], $0x80  }
0x79: {  	[sflag:s29] =	ssyncset.done $0x0  }
0x7a: {  	[sflag:s29] =	ssyncadd.s32 $0xFFFFFF80  }
0x7b: {  	_ =	swait.ge [sflag:s30], $0x80  }
0x7c: {  	[sflag:s30] =	ssyncset.done $0x0  }
0x7d: {  	[sflag:s30] =	ssyncadd.s32 $0xFFFFFF80  }
0x7e: {  	_ =	swait.ge [sflag:s20], $0x4000  }
0x7f: {  	[sflag:s20] =	ssyncset.done $0x0  }
0x80: {  	p0 =	sne.s32 s26, $0xA200;
	s10 =	sor.u32 $0x280, s25;
	[sflag:s20] =	ssyncadd.s32 $0xFFFFC000  }
0x81: {  	[spmem:s3] =	stream.indirect.scatter.add.f32 [tilespmem:s0], [sflag:$0x5], $0x80, s10, s21, $0xb8;
	[tilespmem:$0x1C400] =	vst v63  }
.Ltmp0:
0x82: {  	_ = 	snop;
	(pc) =	sbr.rel @p0 .LBB2_2-.Ltmp0, $4  }
0x83: {  	s26 =	sadd.s32 $0x400, s26;
	s8 =	sand.u32 $0x600, s8;
	_ =	swait.ge [sflag:s19], $0x4000  }
0x84: {  	s8 =	sshrl.u32 s8, $0x2;
	s13 =	smin.u32 s28, $0x4A;
	[sflag:s19] =	ssyncset.done $0x0  }
0x85: {  	s12 =	sshll.u32 s13, $0x7;
	s11 =	rddreg [dreg:$0x5];
	[sflag:s19] =	ssyncadd.s32 $0xFFFFC000  }
0x86: {  	[tilespmem:s0], [sflag:$0x2] =	stream.indirect.gather [hbm4b:s1+s21], $0x80, s8, s21, $0xb8;
	[tilespmem:$0x1C400] =	vst v63  }
0x87: {  	s7 =	sadd.s32 s12, s11  }
0x88: {  	s7 =	sshrl.u32 s7, $0x3  }
0x89: {  	s8 =	sor.u32 $0x80, s25;
	s28 =	sadd.s32 s5, s7  }
0x8a: {  	[tilespmem:s8], [sflag:$0x3] =	stream.linear.gather [hbm4b:s28+s4], $0x80, $0x38;
	[tilespmem:$0x1C400] =	vst v63  }
0x8b: {  	s7 =	sadd.s32 s6, s7  }
0x8c: {  	[tilespmem:s10], [sflag:$0x4] =	stream.linear.gather [hbm4b:s7+s4], $0x80, $0x38;
	[tilespmem:$0x1C400] =	vst v63  }
0x8d: {  	_ =	swait.ge [sflag:s2], $0x4000  }
0x8e: {  	[sflag:s2] =	ssyncset.done $0x0  }
0x8f: {  	[sflag:s2] =	ssyncadd.s32 $0xFFFFC000  }
0x90: {  	_ =	swait.ge [sflag:s20], $0x4000  }
0x91: {  	[sflag:s20] =	ssyncset.done $0x0  }
0x92: {  	[sflag:s20] =	ssyncadd.s32 $0xFFFFC000  }
0x93: {  	_ =	swait.ge [sflag:s29], $0x80  }
0x94: {  	[sflag:s29] =	ssyncset.done $0x0  }
0x95: {  	[sflag:s29] =	ssyncadd.s32 $0xFFFFFF80  }
0x96: {  	_ =	swait.ge [sflag:s30], $0x80  }
0x97: {  	[sflag:s30] =	ssyncset.done $0x0  }
0x98: {  	[sflag:s30] =	ssyncadd.s32 $0xFFFFFF80  }
0x99: {  	_ =	swait.ge [sflag:s29], $0x80  }
0x9a: {  	[sflag:s29] =	ssyncset.done $0x0  }
0x9b: {  	[sflag:s29] =	ssyncadd.s32 $0xFFFFFF80  }
0x9c: {  	_ =	swait.ge [sflag:s30], $0x80  }
0x9d: {  	s22 =	sadd.s32 $0x1, s22;
	[sflag:s30] =	ssyncset.done $0x0  }
0x9e: {  	p0 =	sne.s32 s22, s18;
	[sflag:s30] =	ssyncadd.s32 $0xFFFFFF80  }
.Ltmp1:
0x9f: {  	[bflag:$0x0] =	sbarrier.arrive $0xFFFF;
	(pc) =	sbr.rel @p0 .LBB2_1-.Ltmp1, $4  }
0xa0: {  	[hbm:s24], [sflag:s9] =	dma.local [spmem:s23], $0x2800  }
0xa1: {  	_ =	swait.ge [sflag:s19], $0x2800  }
0xa2: {  	[sflag:s19] =	ssyncset.done $0x0  }
0xa3: {  	[sflag:s19] =	ssyncadd.s32 $0xFFFFD800  }
0xa4: {  	_ =	sfence.sel $0x180000  }
0xa5: {  	[bflag:$0x0] =	sbarrier.arrive $0xFFFF  }
0xa6: {  	_ =	strace $0x9000004A  }
0xa7: {  	s0 =	stileid.u32;
	[bflag:$0x2] =	sbarrier.arrive $0xFFFF  }
0xa8: {  	p0 =	sne.s32 s0, $0x0;
	s0 =	rddreg [dreg:$0x3]  }
0xa9: {  	s0 =	sadd.s32 @!p0 $0x100000, s0  }
0xaa: {  	[sflag:s0] =	ssyncadd.tile.s32 @!p0 $0x1;
	_ =	shalt  }
.Lfunc_end2:
_tile_overlayer_lowered:
.L_overlay_start_2:
0xab: {  	(tag) =	ssettag $0x2  }
0xac: {  	s0 =	rddreg [dreg:$0x0];
	s2 =	stileid.u32  }
0xad: {  	s1 =	rddreg [dreg:$0x1];
	p0 =	sne.s32 s2, $0x0  }
0xae: {  	s3 =	rddreg [dreg:$0x2];
	[bflag:$0x3] =	sbarrier.arrive $0xFFFF;
	s2 =	simm.s32 @!p0 $0x1C05  }
0xaf: {  	[timem:s3], [sflag:s2] =	dma.local @!p0 [hbm:s0], s1  }
0xb0: {  	s0 =	simm.s32 @!p0 $0x5  }
0xb1: {  	_ =	swait.ge @!p0 [sflag:s0], s1  }
0xb2: {  	s1 =	ssub.s32 @!p0 $0x0, s1;
	[sflag:s0] =	ssyncset.done @!p0 $0x0  }
0xb3: {  	[sflag:s0] =	ssyncadd.s32 @!p0 s1  }
0xb4: {  	[bflag:$0x3] =	sbarrier.arrive $0xFFFF  }
0xb5: {  	_ =	shalt  }

// kernel: kernel.7.cloned.1.call-start
scs
__scs_entry_jumppad:
0x0: {  	(pc) =	sbr.rel $0x88, $3  }
0x1: {  	(tag) =	ssettag $0x0;
	lr =	simm.s32 $0x1  }
0x2: {  	[smem:$0x3F99] =	sst lr;
	_ =	strace $0xD0000000  }
0x3: {  	_ = 	snop  }
0x4: {  	_ = 	snop  }
0x5: {  	_ = 	snop  }
0x6: {  	_ = 	snop  }
0x7: {  	_ = 	snop  }
__scs_overlays_trampoline_lowered:
0x8: {  	[smem:$0x3FA8] =	sst s0  }
0x9: {  	[smem:$0x3FA9] =	sst s1  }
0xa: {  	[smem:$0x3FAA] =	sst s2  }
0xb: {  	[smem:$0x3FAB] =	sst s3  }
0xc: {  	[smem:$0x3FAC] =	sst s4  }
0xd: {  	[smem:$0x3FAD] =	sst s5  }
0xe: {  	[smem:$0x3FAE] =	sst s6  }
0xf: {  	[smem:$0x3FAF] =	sst s7  }
0x10: {  	[smem:$0x3FB0] =	sst s8  }
0x11: {  	[smem:$0x3FB1] =	sst s9;
	s0 =	simm.s32 @!p0 $0x0  }
0x12: {  	s1 =	sld [smem:$0x3F97];
	s0 =	simm.s32 @p0 $0x1  }
0x13: {  	[smem:$0x3FB2] =	sst s0;
	s0 =	simm.s32 @!p1 $0x0  }
0x14: {  	s2 =	sld [smem:$0x3F96];
	s0 =	simm.s32 @p1 $0x1  }
0x15: {  	[smem:$0x3FB3] =	sst s0;
	s0 =	simm.s32 @!p2 $0x0  }
0x16: {  	s3 =	sld [smem:$0x3FDB];
	s0 =	simm.s32 @p2 $0x1  }
0x17: {  	s4 =	simm.s32 $0x1BF5;
	[smem:$0x3FB5] =	sst s0  }
0x18: {  	s0 =	sld [smem:$0x3F98];
	_ =	swait.ge [sflag:s4], $0x0  }
0x19: {  	s7 =	sld [smem:$0x3F99]  }
0x1a: {  	s8 =	sadd.s32 $0xFFFFE003, lr  }
0x1b: {  	s9 =	sadd.s32 $0xFFFFFEF7, lr;
	s5 =	simm.s32 $0xFFFFFFFF;
	p2 =	slt.u32 s8, $0xFFFFF086  }
0x1c: {  	p1 =	slt.u32 s9, $0xF7A;
	s5 =	simm.s32 @!p2 $0x0  }
0x1d: {  	s5 =	simm.s32 @p1 $0x1;
	p0 =	seq.s32 s7, s2  }
0x1e: {  	s7 =	smul.u32 @!p0 $0xF7A, s2;
	p2 =	seq.s32 @!p0 s5, $0x0  }
0x1f: {  	s9 =	smul.u32 $0xF7A, s1;
	s8 =	simm.s32 @!p0 $0x1BF5;
	p2 =	por !p2, p0  }
0x20: {  	[sflag:s8] =	ssyncset.s32 @!p0 $0xFFFFF086;
	s6 =	sadd.s32 @!p0 s3, s7;
	s7 =	simm.s32 @!p0 $0x108  }
0x21: {  	s3 =	sadd.s32 s3, s9;
	s6 =	sadd.s32 @!p0 $0x88, s6;
	s7 =	simm.s32 @p2 $0x1082  }
0x22: {  	[simem:s7], [sflag:s8] =	dma.local @!p0 [hbm:s6], $0xF7A  }
0x23: {  	s9 =	sor.u32 $0xD0000000, s2;
	s6 =	simm.s32 $0x108;
	_ =	swait.ge @!p0 [sflag:s8], $0x0  }
0x24: {  	s3 =	sadd.s32 $0x88, s3;
	s6 =	simm.s32 @!p1 $0x1082;
	[sflag:s4] =	ssyncset.s32 $0xFFFFF086  }
0x25: {  	[simem:s6], [sflag:s4] =	dma.local [hbm:s3], $0xF7A  }
0x26: {  	[smem:$0x3F99] =	sst s1;
	(tag) =	ssettag s2;
	_ =	strace s9  }
0x27: {  	s1 =	sld [smem:$0x3FA9]  }
0x28: {  	s2 =	sld [smem:$0x3FAA]  }
0x29: {  	s4 =	sld [smem:$0x3FAC]  }
0x2a: {  	p0 =	seq.s32 s5, $0x0;
	s5 =	sld [smem:$0x3FAD]  }
0x2b: {  	s6 =	sld [smem:$0x3FAE]  }
0x2c: {  	s7 =	sld [smem:$0x3FAF]  }
0x2d: {  	s3 =	simm.s32 $0x108;
	s8 =	sld [smem:$0x3FB0]  }
0x2e: {  	s3 =	simm.s32 @!p0 $0x1082;
	s9 =	sld [smem:$0x3FB1]  }
0x2f: {  	lr =	sadd.s32 s0, s3;
	s0 =	sld [smem:$0x3FA8]  }
0x30: {  	s3 =	sld [smem:$0x3FAB]  }
0x31: {  	[smem:$0x3FB4] =	sst s10  }
0x32: {  	s10 =	sld [smem:$0x3FB2];
	_ =	sdelay $0x3  }
0x33: {  	p0 =	seq.s32 s10, $0x1;
	s10 =	sld [smem:$0x3FB4];
	_ =	sdelay $0x3  }
0x34: {  	[smem:$0x3FB4] =	sst s10  }
0x35: {  	s10 =	sld [smem:$0x3FB3];
	_ =	sdelay $0x3  }
0x36: {  	p1 =	seq.s32 s10, $0x1;
	s10 =	sld [smem:$0x3FB4];
	_ =	sdelay $0x3  }
0x37: {  	[smem:$0x3FB4] =	sst s10  }
0x38: {  	s10 =	sld [smem:$0x3FB5]  }
0x39: {  	_ = 	snop;
	(pc) =	sbr.ind lr, $3  }
0x3a: {  	_ = 	snop  }
0x3b: {  	_ = 	snop  }
0x3c: {  	p2 =	seq.s32 s10, $0x1;
	s10 =	sld [smem:$0x3FB4]  }
0x3d: {  	_ =	shalt  }
0x3e: {  	_ =	shalt  }
0x3f: {  	_ =	shalt  }
0x40: {  	_ =	shalt  }
0x41: {  	_ =	shalt  }
0x42: {  	_ =	shalt  }
0x43: {  	_ =	shalt  }
0x44: {  	_ =	shalt  }
0x45: {  	_ =	shalt  }
0x46: {  	_ =	shalt  }
0x47: {  	_ =	shalt  }
0x48: {  	_ =	shalt  }
0x49: {  	_ =	shalt  }
0x4a: {  	_ =	shalt  }
0x4b: {  	_ =	shalt  }
0x4c: {  	_ =	shalt  }
0x4d: {  	_ =	shalt  }
0x4e: {  	_ =	shalt  }
0x4f: {  	_ =	shalt  }
0x50: {  	_ =	shalt  }
0x51: {  	_ =	shalt  }
0x52: {  	_ =	shalt  }
0x53: {  	_ =	shalt  }
0x54: {  	_ =	shalt  }
0x55: {  	_ =	shalt  }
0x56: {  	_ =	shalt  }
0x57: {  	_ =	shalt  }
0x58: {  	_ =	shalt  }
0x59: {  	_ =	shalt  }
0x5a: {  	_ =	shalt  }
0x5b: {  	_ =	shalt  }
0x5c: {  	_ =	shalt  }
0x5d: {  	_ =	shalt  }
0x5e: {  	_ =	shalt  }
0x5f: {  	_ =	shalt  }
0x60: {  	_ =	shalt  }
0x61: {  	_ =	shalt  }
0x62: {  	_ =	shalt  }
0x63: {  	_ =	shalt  }
0x64: {  	_ =	shalt  }
0x65: {  	_ =	shalt  }
0x66: {  	_ =	shalt  }
0x67: {  	_ =	shalt  }
0x68: {  	_ =	shalt  }
0x69: {  	_ =	shalt  }
0x6a: {  	_ =	shalt  }
0x6b: {  	_ =	shalt  }
0x6c: {  	_ =	shalt  }
0x6d: {  	_ =	shalt  }
0x6e: {  	_ =	shalt  }
0x6f: {  	_ =	shalt  }
0x70: {  	_ =	shalt  }
0x71: {  	_ =	shalt  }
0x72: {  	_ =	shalt  }
0x73: {  	_ =	shalt  }
0x74: {  	_ =	shalt  }
0x75: {  	_ =	shalt  }
0x76: {  	_ =	shalt  }
0x77: {  	_ =	shalt  }
0x78: {  	_ =	shalt  }
0x79: {  	_ =	shalt  }
0x7a: {  	_ =	shalt  }
0x7b: {  	_ =	shalt  }
0x7c: {  	_ =	shalt  }
0x7d: {  	_ =	shalt  }
0x7e: {  	_ =	shalt  }
0x7f: {  	_ =	shalt  }
0x80: {  	_ =	shalt  }
0x81: {  	_ =	shalt  }
0x82: {  	_ =	shalt  }
0x83: {  	_ =	shalt  }
0x84: {  	_ =	shalt  }
0x85: {  	_ =	shalt  }
0x86: {  	_ =	shalt  }
0x87: {  	_ =	shalt  }
.Lfunc_end0:
.L_simem_size_0:
called_computation_lowered:
.L_overlay_start_0:
0x88: {  	s2 =	sld [smem:$0x3FD9]  }
0x89: {  	s3 =	sld [smem:$0x3FFE];
	_ =	sdelay $0x1  }
0x8a: {  	s1 =	srdreg.scid  }
0x8b: {  	s0 =	sand.u32 $0x1, s1  }
0x8c: {  	s17 =	sshll.u32 s0, $0xA;
	s2 =	sadd.s32 s3, s2  }
0x8d: {  	s2 =	sadd.s32 s2, s17  }
0x8e: {  	[smem:$0x3FC0] =	sst s2  }
0x8f: {  	_ = 	snop  }
0x90: {  	s2 =	sld [smem:$0x3FD0];
	(tm) =	ssettm $0x1  }
0x91: {  	s18 =	sld [smem:$0x3FFB];
	_ =	sdelay $0x3  }
0x92: {  	_ =	strace s18  }
0x93: {  	s3 =	sld [smem:$0x3FFC];
	_ =	sdelay $0x3  }
0x94: {  	_ =	strace s3  }
0x95: {  	s3 =	sld [smem:$0x3FFD];
	_ =	sdelay $0x3  }
0x96: {  	_ =	strace s3  }
0x97: {  	_ =	strace $0x8FFFFFFF  }
0x98: {  	s19 =	sld [smem:$0x3FDB];
	_ =	sdelay $0x1  }
0x99: {  	s4 =	simm.s32 $_scs_section_size  }
0x9a: {  	s5 =	simm.s32 $_size__tile_overlayer_lowered;
	s6 =	simm.s32 $_tile_overlayer_lowered  }
0x9b: {  	s22 =	simm.s32 $0x1BFF;
	s21 =	sshll.u32 s6, $0x1;
	s3 =	sadd.s32 s4, s19  }
0x9c: {  	s7 =	simm.s32 $0x0;
	s20 =	sshll.u32 s5, $0x1;
	s5 =	sadd.s32 s21, s3  }
0x9d: {  	[timem:s7], [sflag:s22] =	dma.local [hbm:s5], s20  }
0x9e: {  	_ =	swait.ge [sflag:s22], s20  }
0x9f: {  	s4 =	ssub.s32 $0x0, s20;
	[sflag:s22] =	ssyncset.done $0x0  }
0xa0: {  	[sflag:s22] =	ssyncadd.s32 s4;
	_ =	sdelay $0x1  }
0xa1: {  	s23 =	simm.s32 $0x1B8B  }
0xa2: {  	_ =	swait.ge [sflag:s23], $0x1  }
0xa3: {  	[sflag:s23] =	ssyncset.done $0x0  }
0xa4: {  	s25 =	simm.s32 $0x1B8E;
	s24 =	sld [smem:$0x3FFE];
	[sflag:s23] =	ssyncadd.s32 $0xFFFFFFFF  }
0xa5: {  	s26 =	simm.s32 $execute0_lowered;
	[smem:$0x3FD2] =	sst s25  }
0xa6: {  	s5 =	sshll.u32 s26, $0x1;
	_ =	strace $0x80000046;
	[dreg:$0x1] =	wrdreg $0xFFFFFFFF  }
0xa7: {  	s28 =	simm.s32 $_size_execute0_lowered;
	s3 =	sadd.s32 s3, s5;
	[dreg:$0x0] =	wrdreg $0x0  }
0xa8: {  	s5 =	sshll.u32 s28, $0x1;
	[dreg:$0x2] =	wrdreg s3  }
0xa9: {  	[dreg:$0x3] =	wrdreg s5  }
0xaa: {  	[dreg:$0x4] =	wrdreg $0xC0  }
0xab: {  	_ =	task [dreg:s7], $0x5FFFF  }
0xac: {  	[dreg:$0x1] =	wrdreg $0xFFFFFFFF  }
0xad: {  	[dreg:$0x0] =	wrdreg $0x60  }
0xae: {  	[dreg:$0x2] =	wrdreg s2  }
0xaf: {  	[dreg:$0x3] =	wrdreg s24  }
0xb0: {  	[dreg:$0x4] =	wrdreg $0x84000  }
0xb1: {  	[dreg:$0x5] =	wrdreg $0x1EC800  }
0xb2: {  	[dreg:$0x6] =	wrdreg $0x9  }
0xb3: {  	_ =	task.clear_ibuf [dreg:s7], $0x7FFFF;
	_ =	strace $0x90000046  }
0xb4: {  	s29 =	simm.s32 $0x9;
	_ =	strace $0x80000048  }
0xb5: {  	_ =	swait.ge [sflag:s29], $0x1  }
0xb6: {  	[sflag:s29] =	ssyncadd.s32 $0xFFFFFFFF  }
0xb7: {  	_ =	strace $0x90000048  }
0xb8: {  	_ =	sfence  }
0xb9: {  	s30 =	sld [smem:$0x0];
	_ =	sdelay $0x2  }
0xba: {  	s31 =	sshll.u32 s1, $0xD;
	s1 =	sshrl.u32 s1, $0x2  }
0xbb: {  	s3 =	sand.u32 $0x4000, s31;
	s1 =	sadd.s32 s1, s30  }
0xbc: {  	s0 =	sor.u32 s3, s0;
	s1 =	sshll.u32 s1, $0x11  }
0xbd: {  	s0 =	sor.u32 s1, s0  }
0xbe: {  	s0 =	sadd.s32 $0x8F2B, s0  }
0xbf: {  	[sflag:s0] =	ssyncadd.remote.s32 $0x1  }
0xc0: {  	_ =	sfence.sel $0xFFFF  }
0xc1: {  	[dreg:$0x0] =	wrdreg $0xFFFFFFFF;
	(pc) =	sbr.abs _section_cstart, $3  }
0xc2: {  	[dreg:$0x1] =	wrdreg $0xFFFFFFFF  }
0xc3: {  	_ =	task.clear_ibuf [dreg:s7], $0x2FFFF;
	_ =	strace $0x9FFFFFFF  }
0xc4: {  	(tm) =	ssettm $0x7FFFFFFF  }
0xc5: {  	_ =	shalt  }
tec
execute0_lowered:
.L_overlay_start_1:
0x0: {  	(tag) =	ssettag $0x1  }
0x1: {  	s1 =	rddreg [dreg:$0x0]  }
0x2: {  	s0 =	rddreg [dreg:$0x1]  }
0x3: {  	s2 =	rddreg [dreg:$0x2]  }
0x4: {  	s14 =	rddreg [dreg:$0x3]  }
0x5: {  	s4 =	simm.s32 $0x0;
	s3 =	srdreg.scid;
	s9 =	stileid.u32  }
0x6: {  	s28 =	simm.s32 $0x4400;
	s29 =	simm.s32 $0x1;
	s30 =	simm.s32 $0x2  }
0x7: {  	s31 =	simm.s32 $0x0;
	[smem:$0x7FF] =	sst s4;
	s3 =	sand.u32 $0x1, s3  }
0x8: {  	s5 =	sadd.s32 $0x1E00, s0;
	s6 =	sadd.s32 $0xBE00, s0;
	s8 =	sadd.s32 $0x16400, s0  }
0x9: {  	s11 =	sshll.u32 s9, $0x1;
	s13 =	smul.u32 $0x50000, s9;
	s17 =	sshll.u32 s9, $0x6  }
0xa: {  	s26 =	smul.u32 $0x2800, s9;
	p0 =	sne.s32 s9, $0x0;
	_ =	strace $0x80000047  }
0xb: {  	s7 =	smul.u32 $0x28000, s3;
	[dreg:$0x7] =	wrdreg s8;
	s8 =	sadd.s32 $0x15E00, s0  }
0xc: {  	s10 =	smul.u32 $0x500, s3;
	s12 =	ssub.s32 $0x2, s3;
	s3 =	sor.u32 s3, s11  }
0xd: {  	s15 =	sshrl.u32 s12, $0x1;
	s3 =	smul.u32 $0x2800, s3;
	s16 =	sshrl.u32 s13, $0x2  }
0xe: {  	s7 =	sadd.s32 s7, s0;
	s0 =	sadd.s32 s10, s0;
	s10 =	sadd.s32 s16, s2  }
0xf: {  	s12 =	ssub.s32 s12, s15;
	[dreg:$0x8] =	wrdreg s10;
	s10 =	sor.u32 $0x1C05, s17  }
0x10: {  	s18 =	sshrl.u32 s3, $0x3;
	s23 =	sor.u32 $0x200, s3;
	s3 =	sor.u32 $0x280, s3  }
0x11: {  	s25 =	sadd.s32 $0x19600, s7;
	s13 =	sadd.s32 s5, s18;
	[dreg:$0x5] =	wrdreg s23  }
0x12: {  	s19 =	sadd.s32 s6, s18;
	s20 =	sor.u32 $0x10, s18;
	[dreg:$0x6] =	wrdreg s3  }
0x13: {  	s21 =	sor.u32 $0x20, s18;
	s11 =	sor.u32 $0x30, s18;
	[dreg:$0x9] =	wrdreg s13  }
0x14: {  	s23 =	simm.s32 $0x4;
	[dreg:$0xa] =	wrdreg s19;
	s15 =	sadd.s32 s5, s20  }
0x15: {  	s13 =	sadd.s32 s6, s20;
	s22 =	sadd.s32 s5, s21;
	[dreg:$0xb] =	wrdreg s15  }
0x16: {  	s24 =	sadd.s32 s5, s11;
	s18 =	sadd.s32 s6, s11;
	[dreg:$0xc] =	wrdreg s13  }
0x17: {  	s19 =	sadd.s32 $0x18C00, s0;
	s20 =	smax.u32 s12, $0x1;
	[dreg:$0xd] =	wrdreg s22  }
0x18: {  	v0 =	vlaneseq.u32;
	s0 =	simm.s32 $0x3;
	s13 =	sadd.s32 s6, s21;
	[dreg:$0xf] =	wrdreg s24  }
0x19: {  	v1 =	vor.u32 $0x10, v0;
	s21 =	simm.s32 $0x5;
	s22 =	simm.s32 $0x1C400;
	s24 =	sadd.s32 s26, s25  }
0x1a: {  	v2 =	vor.u32 $0x20, v0;
	v3 =	vor.u32 $0x30, v0;
	v4 =	vor.u32 $0x40, v0;
	s25 =	simm.s32 $0x80;
	s26 =	simm.s32 $0x400;
	[dreg:$0xe] =	wrdreg s13  }
.LBB2_1:
0x1b: {  	s3 =	rddreg [dreg:$0x8]  }
0x1c: {  	s7 =	rddreg [dreg:$0x7];
	s3 =	sshrl.u32 s3, $0x3  }
0x1d: {  	[spmem:s3], [sflag:s10] =	dma.local [hbm:s7], $0x2800  }
0x1e: {  	_ =	swait.ge [sflag:s21], $0x2800  }
0x1f: {  	[sflag:s21] =	ssyncset.done $0x0  }
0x20: {  	s9 =	simm.s32 @!p0 $0x5;
	s7 =	sshrl.u32 @!p0 s14, $0x3;
	[sflag:s21] =	ssyncadd.s32 $0xFFFFD800  }
0x21: {  	[spmem:s7], [sflag:s10] =	dma.local @!p0 [hbm:s8], $0x500  }
0x22: {  	_ =	swait.ge @!p0 [sflag:s9], $0x500  }
0x23: {  	[sflag:s9] =	ssyncset.done @!p0 $0x0  }
0x24: {  	[sflag:s9] =	ssyncadd.s32 @!p0 $0xFFFFFB00  }
0x25: {  	[tilespmem:s22], [sflag:$0x5] =	stream.linear.gather [hbm4b:s8+s4], $0x2800, $0x38;
	[tilespmem:$0x1EF00] =	vst v63  }
0x26: {  	_ =	swait.ge [sflag:s21], $0x2800  }
0x27: {  	[sflag:s21] =	ssyncset.done $0x0  }
0x28: {  	[sflag:s21] =	ssyncadd.s32 $0xFFFFD800  }
0x29: {  	[tilespmem:$0x1EC00] =	vst v0  }
0x2a: {  	[tilespmem:$0x1EC10] =	vst v1  }
0x2b: {  	[tilespmem:$0x1EC20] =	vst v2  }
0x2c: {  	[tilespmem:$0x1EC30] =	vst v3  }
0x2d: {  	[tilespmem:$0x1EC40] =	vst v4  }
0x2e: {  	[bflag:$0x0] =	sbarrier.arrive $0xFFFF  }
0x2f: {  	s15 =	rddreg [dreg:$0x9]  }
0x30: {  	[tilespmem:s4], [sflag:$0x3] =	stream.linear.gather [hbm4b:s15+s4], $0x80, $0x38;
	[tilespmem:$0x1EF00] =	vst v63  }
0x31: {  	s11 =	simm.s32 $0x200;
	s16 =	rddreg [dreg:$0xa]  }
0x32: {  	[tilespmem:s11], [sflag:$0x4] =	stream.linear.gather [hbm4b:s16+s4], $0x80, $0x38;
	[tilespmem:$0x1EF00] =	vst v63  }
0x33: {  	s12 =	rddreg [dreg:$0xb]  }
0x34: {  	[tilespmem:s25], [sflag:$0x3] =	stream.linear.gather [hbm4b:s12+s4], $0x80, $0x38;
	[tilespmem:$0x1EF00] =	vst v63  }
0x35: {  	s17 =	smov.u32 s14;
	s14 =	simm.s32 $0x280;
	s13 =	rddreg [dreg:$0xc]  }
0x36: {  	[tilespmem:s14], [sflag:$0x4] =	stream.linear.gather [hbm4b:s13+s4], $0x80, $0x38;
	[tilespmem:$0x1EF00] =	vst v63  }
0x37: {  	s15 =	rddreg [dreg:$0xd];
	s16 =	simm.s32 $0x100  }
0x38: {  	[tilespmem:s16], [sflag:$0x3] =	stream.linear.gather [hbm4b:s15+s4], $0x80, $0x38;
	[tilespmem:$0x1EF00] =	vst v63  }
0x39: {  	s12 =	rddreg [dreg:$0xe];
	s13 =	simm.s32 $0x300  }
0x3a: {  	[tilespmem:s13], [sflag:$0x4] =	stream.linear.gather [hbm4b:s12+s4], $0x80, $0x38;
	[tilespmem:$0x1EF00] =	vst v63  }
0x3b: {  	s14 =	rddreg [dreg:$0xf];
	s15 =	simm.s32 $0x180  }
0x3c: {  	[tilespmem:s15], [sflag:$0x3] =	stream.linear.gather [hbm4b:s14+s4], $0x80, $0x38;
	[tilespmem:$0x1EF00] =	vst v63  }
0x3d: {  	s16 =	simm.s32 $0x380  }
0x3e: {  	[tilespmem:s16], [sflag:$0x4] =	stream.linear.gather [hbm4b:s18+s4], $0x80, $0x38;
	[tilespmem:$0x1EF00] =	vst v63  }
0x3f: {  	_ =	swait.ge [sflag:s0], $0x80  }
0x40: {  	[sflag:s0] =	ssyncset.done $0x0  }
0x41: {  	[sflag:s0] =	ssyncadd.s32 $0xFFFFFF80  }
0x42: {  	_ =	swait.ge [sflag:s23], $0x80  }
0x43: {  	[sflag:s23] =	ssyncset.done $0x0  }
0x44: {  	[sflag:s23] =	ssyncadd.s32 $0xFFFFFF80  }
0x45: {  	_ =	swait.ge [sflag:s0], $0x80  }
0x46: {  	[sflag:s0] =	ssyncset.done $0x0  }
0x47: {  	[sflag:s0] =	ssyncadd.s32 $0xFFFFFF80  }
0x48: {  	_ =	swait.ge [sflag:s23], $0x80  }
0x49: {  	[sflag:s23] =	ssyncset.done $0x0  }
0x4a: {  	[sflag:s23] =	ssyncadd.s32 $0xFFFFFF80  }
0x4b: {  	[tilespmem:s26], [sflag:$0x1] =	stream.indirect.gather [hbm4b:s1+s25], $0x80, s4, s25, $0xb8;
	[tilespmem:$0x1EF00] =	vst v63  }
0x4c: {  	s9 =	simm.s32 $0x600;
	s11 =	simm.s32 $0x0;
	s12 =	simm.s32 $0x0  }
0x4d: {  	[tilespmem:s28], [sflag:$0x2] =	stream.indirect.gather [hbm4b:s1+s25], $0x80, s25, s25, $0xb8;
	[tilespmem:$0x1EF00] =	vst v63  }
.LBB2_2:
0x4e: {  	_ =	swait.ge [sflag:s0], $0x80  }
0x4f: {  	[sflag:s0] =	ssyncset.done $0x0  }
0x50: {  	[sflag:s0] =	ssyncadd.s32 $0xFFFFFF80  }
0x51: {  	_ =	swait.ge [sflag:s23], $0x80  }
0x52: {  	[sflag:s23] =	ssyncset.done $0x0  }
0x53: {  	[sflag:s23] =	ssyncadd.s32 $0xFFFFFF80  }
0x54: {  	_ =	swait.ge [sflag:s29], $0x4000  }
0x55: {  	s13 =	sand.u32 $0x100, s11;
	[sflag:s29] =	ssyncset.done $0x0  }
0x56: {  	s15 =	sadd.s32 $0xFFFFFA00, s9;
	s14 =	sor.u32 $0x200, s13;
	[sflag:s29] =	ssyncadd.s32 $0xFFFFC000  }
0x57: {  	[spmem:s2] =	stream.indirect.scatter.add.f32 [tilespmem:s26], [sflag:$0x5], $0x80, s14, s25, $0xb8;
	[tilespmem:$0x1EF00] =	vst v63  }
0x58: {  	s15 =	sxor.u32 $0xFFFFFFFF, s15;
	_ =	swait.ge [sflag:s21], $0x4000  }
0x59: {  	s15 =	sand.u32 $0x400, s15;
	[sflag:s21] =	ssyncset.done $0x0  }
0x5a: {  	s15 =	sshrl.u32 s15, $0x2;
	[sflag:s21] =	ssyncadd.s32 $0xFFFFC000  }
0x5b: {  	[tilespmem:s26], [sflag:$0x1] =	stream.indirect.gather [hbm4b:s1+s25], $0x80, s15, s25, $0xb8;
	[tilespmem:$0x1EF00] =	vst v63  }
0x5c: {  	v5 =	vld [tilespmem:s13+$0x200];
	_ =	sdelay $0x4  }
0x5d: {  	(xrf1) =	vunique.msk.u32 $0xffff, v5;
	_ =	sdelay $0xd  }
0x5e: {  	_, v6, vm0 =	vpop (xrf1);
	_ =	sdelay $0x3  }
0x5f: {  	v6 =	vcvt.s32.f32 v6;
	_ =	sdelay $0x1  }
0x60: {  	[tilespmem:v5+s22+$0x0] =	vst.idx.add.f32.msk vm0, v6  }
0x61: {  	v5 =	vld [tilespmem:s13+$0x210];
	_ =	sdelay $0x4  }
0x62: {  	(xrf1) =	vunique.msk.u32 $0xffff, v5;
	_ =	sdelay $0xd  }
0x63: {  	_, v6, vm0 =	vpop (xrf1);
	_ =	sdelay $0x3  }
0x64: {  	v6 =	vcvt.s32.f32 v6;
	_ =	sdelay $0x1  }
0x65: {  	[tilespmem:v5+s22+$0x0] =	vst.idx.add.f32.msk vm0, v6  }
0x66: {  	v5 =	vld [tilespmem:s13+$0x220];
	_ =	sdelay $0x4  }
0x67: {  	(xrf1) =	vunique.msk.u32 $0xffff, v5;
	_ =	sdelay $0xd  }
0x68: {  	_, v6, vm0 =	vpop (xrf1);
	_ =	sdelay $0x3  }
0x69: {  	v6 =	vcvt.s32.f32 v6;
	_ =	sdelay $0x1  }
0x6a: {  	[tilespmem:v5+s22+$0x0] =	vst.idx.add.f32.msk vm0, v6  }
0x6b: {  	v5 =	vld [tilespmem:s13+$0x230];
	_ =	sdelay $0x4  }
0x6c: {  	(xrf1) =	vunique.msk.u32 $0xffff, v5;
	_ =	sdelay $0xd  }
0x6d: {  	_, v6, vm0 =	vpop (xrf1);
	_ =	sdelay $0x3  }
0x6e: {  	v6 =	vcvt.s32.f32 v6;
	_ =	sdelay $0x1  }
0x6f: {  	[tilespmem:v5+s22+$0x0] =	vst.idx.add.f32.msk vm0, v6  }
0x70: {  	v5 =	vld [tilespmem:s13+$0x240];
	_ =	sdelay $0x4  }
0x71: {  	(xrf1) =	vunique.msk.u32 $0xffff, v5;
	_ =	sdelay $0xd  }
0x72: {  	_, v6, vm0 =	vpop (xrf1);
	_ =	sdelay $0x3  }
0x73: {  	v6 =	vcvt.s32.f32 v6;
	_ =	sdelay $0x1  }
0x74: {  	[tilespmem:v5+s22+$0x0] =	vst.idx.add.f32.msk vm0, v6  }
0x75: {  	v5 =	vld [tilespmem:s13+$0x250];
	_ =	sdelay $0x4  }
0x76: {  	(xrf1) =	vunique.msk.u32 $0xffff, v5;
	_ =	sdelay $0xd  }
0x77: {  	_, v6, vm0 =	vpop (xrf1);
	_ =	sdelay $0x3  }
0x78: {  	v6 =	vcvt.s32.f32 v6;
	_ =	sdelay $0x1  }
0x79: {  	[tilespmem:v5+s22+$0x0] =	vst.idx.add.f32.msk vm0, v6  }
0x7a: {  	v5 =	vld [tilespmem:s13+$0x260];
	_ =	sdelay $0x4  }
0x7b: {  	(xrf1) =	vunique.msk.u32 $0xffff, v5;
	_ =	sdelay $0xd  }
0x7c: {  	_, v6, vm0 =	vpop (xrf1);
	_ =	sdelay $0x3  }
0x7d: {  	v6 =	vcvt.s32.f32 v6;
	_ =	sdelay $0x1  }
0x7e: {  	[tilespmem:v5+s22+$0x0] =	vst.idx.add.f32.msk vm0, v6  }
0x7f: {  	v5 =	vld [tilespmem:s13+$0x270];
	_ =	sdelay $0x4  }
0x80: {  	(xrf1) =	vunique.msk.u32 $0xffff, v5;
	_ =	sdelay $0xd  }
0x81: {  	_, v6, vm0 =	vpop (xrf1);
	_ =	sdelay $0x1  }
0x82: {  	s16 =	smin.u32 s12, $0x4B  }
0x83: {  	s16 =	sshll.u32 s16, $0x7;
	s15 =	rddreg [dreg:$0x5]  }
0x84: {  	s15 =	sadd.s32 s16, s15;
	v6 =	vcvt.s32.f32 v6  }
0x85: {  	s15 =	sshrl.u32 s15, $0x3  }
0x86: {  	s16 =	sadd.s32 s5, s15;
	[tilespmem:v5+s22+$0x0] =	vst.idx.add.f32.msk vm0, v6  }
0x87: {  	[tilespmem:s13], [sflag:$0x3] =	stream.linear.gather [hbm4b:s16+s4], $0x80, $0x38;
	[tilespmem:$0x1EF00] =	vst v63  }
0x88: {  	s15 =	sadd.s32 s6, s15  }
0x89: {  	[tilespmem:s14], [sflag:$0x4] =	stream.linear.gather [hbm4b:s15+s4], $0x80, $0x38;
	[tilespmem:$0x1EF00] =	vst v63  }
0x8a: {  	_ =	swait.ge [sflag:s0], $0x80  }
0x8b: {  	[sflag:s0] =	ssyncset.done $0x0  }
0x8c: {  	[sflag:s0] =	ssyncadd.s32 $0xFFFFFF80  }
0x8d: {  	_ =	swait.ge [sflag:s23], $0x80  }
0x8e: {  	[sflag:s23] =	ssyncset.done $0x0  }
0x8f: {  	[sflag:s23] =	ssyncadd.s32 $0xFFFFFF80  }
0x90: {  	_ =	swait.ge [sflag:s30], $0x4000  }
0x91: {  	[sflag:s30] =	ssyncset.done $0x0  }
0x92: {  	s14 =	sor.u32 $0x280, s13;
	[sflag:s30] =	ssyncadd.s32 $0xFFFFC000  }
0x93: {  	[spmem:s2] =	stream.indirect.scatter.add.f32 [tilespmem:s28], [sflag:$0x5], $0x80, s14, s25, $0xb8;
	[tilespmem:$0x1EF00] =	vst v63  }
0x94: {  	_ =	swait.ge [sflag:s21], $0x4000  }
0x95: {  	s16 =	sand.u32 $0x600, s9;
	[sflag:s21] =	ssyncset.done $0x0  }
0x96: {  	s15 =	sshrl.u32 s16, $0x2;
	[sflag:s21] =	ssyncadd.s32 $0xFFFFC000  }
0x97: {  	[tilespmem:s28], [sflag:$0x2] =	stream.indirect.gather [hbm4b:s1+s25], $0x80, s15, s25, $0xb8;
	[tilespmem:$0x1EF00] =	vst v63  }
0x98: {  	v5 =	vld [tilespmem:s13+$0x280];
	_ =	sdelay $0x4  }
0x99: {  	(xrf1) =	vunique.msk.u32 $0xffff, v5;
	_ =	sdelay $0xd  }
0x9a: {  	_, v6, vm0 =	vpop (xrf1);
	_ =	sdelay $0x3  }
0x9b: {  	v6 =	vcvt.s32.f32 v6;
	_ =	sdelay $0x1  }
0x9c: {  	[tilespmem:v5+s22+$0x0] =	vst.idx.add.f32.msk vm0, v6  }
0x9d: {  	v5 =	vld [tilespmem:s13+$0x290];
	_ =	sdelay $0x4  }
0x9e: {  	(xrf1) =	vunique.msk.u32 $0xffff, v5;
	_ =	sdelay $0xd  }
0x9f: {  	_, v6, vm0 =	vpop (xrf1);
	_ =	sdelay $0x3  }
0xa0: {  	v6 =	vcvt.s32.f32 v6;
	_ =	sdelay $0x1  }
0xa1: {  	[tilespmem:v5+s22+$0x0] =	vst.idx.add.f32.msk vm0, v6  }
0xa2: {  	v5 =	vld [tilespmem:s13+$0x2A0];
	_ =	sdelay $0x4  }
0xa3: {  	(xrf1) =	vunique.msk.u32 $0xffff, v5;
	_ =	sdelay $0xd  }
0xa4: {  	_, v6, vm0 =	vpop (xrf1);
	_ =	sdelay $0x3  }
0xa5: {  	v6 =	vcvt.s32.f32 v6;
	_ =	sdelay $0x1  }
0xa6: {  	[tilespmem:v5+s22+$0x0] =	vst.idx.add.f32.msk vm0, v6  }
0xa7: {  	v5 =	vld [tilespmem:s13+$0x2B0];
	_ =	sdelay $0x4  }
0xa8: {  	(xrf1) =	vunique.msk.u32 $0xffff, v5;
	_ =	sdelay $0xd  }
0xa9: {  	_, v6, vm0 =	vpop (xrf1);
	_ =	sdelay $0x3  }
0xaa: {  	v6 =	vcvt.s32.f32 v6;
	_ =	sdelay $0x1  }
0xab: {  	[tilespmem:v5+s22+$0x0] =	vst.idx.add.f32.msk vm0, v6  }
0xac: {  	v5 =	vld [tilespmem:s13+$0x2C0];
	_ =	sdelay $0x4  }
0xad: {  	(xrf1) =	vunique.msk.u32 $0xffff, v5;
	_ =	sdelay $0xd  }
0xae: {  	_, v6, vm0 =	vpop (xrf1);
	_ =	sdelay $0x3  }
0xaf: {  	v6 =	vcvt.s32.f32 v6;
	_ =	sdelay $0x1  }
0xb0: {  	[tilespmem:v5+s22+$0x0] =	vst.idx.add.f32.msk vm0, v6  }
0xb1: {  	v5 =	vld [tilespmem:s13+$0x2D0];
	_ =	sdelay $0x4  }
0xb2: {  	(xrf1) =	vunique.msk.u32 $0xffff, v5;
	_ =	sdelay $0xd  }
0xb3: {  	_, v6, vm0 =	vpop (xrf1);
	_ =	sdelay $0x3  }
0xb4: {  	v6 =	vcvt.s32.f32 v6;
	_ =	sdelay $0x1  }
0xb5: {  	[tilespmem:v5+s22+$0x0] =	vst.idx.add.f32.msk vm0, v6  }
0xb6: {  	v5 =	vld [tilespmem:s13+$0x2E0];
	_ =	sdelay $0x4  }
0xb7: {  	(xrf1) =	vunique.msk.u32 $0xffff, v5;
	_ =	sdelay $0xd  }
0xb8: {  	_, v6, vm0 =	vpop (xrf1);
	_ =	sdelay $0x3  }
0xb9: {  	v6 =	vcvt.s32.f32 v6;
	_ =	sdelay $0x1  }
0xba: {  	[tilespmem:v5+s22+$0x0] =	vst.idx.add.f32.msk vm0, v6  }
0xbb: {  	v5 =	vld [tilespmem:s13+$0x2F0];
	_ =	sdelay $0x4  }
0xbc: {  	(xrf1) =	vunique.msk.u32 $0xffff, v5;
	_ =	sdelay $0xd  }
0xbd: {  	_, v6, vm0 =	vpop (xrf1);
	_ =	sdelay $0x1  }
0xbe: {  	s16 =	smin.u32 s12, $0x4A  }
0xbf: {  	s16 =	sshll.u32 s16, $0x7;
	s15 =	rddreg [dreg:$0x6]  }
0xc0: {  	p1 =	sne.s32 s9, $0xA200;
	s15 =	sadd.s32 s16, s15;
	v6 =	vcvt.s32.f32 v6  }
.Ltmp0:
0xc1: {  	s15 =	sshrl.u32 s15, $0x3;
	(pc) =	sbr.rel @p1 .LBB2_2-.Ltmp0, $4  }
0xc2: {  	s11 =	sadd.s32 $0x100, s11;
	s16 =	sadd.s32 s5, s15;
	s13 =	sor.u32 $0x80, s13;
	[tilespmem:v5+s22+$0x0] =	vst.idx.add.f32.msk vm0, v6  }
0xc3: {  	[tilespmem:s13], [sflag:$0x3] =	stream.linear.gather [hbm4b:s16+s4], $0x80, $0x38;
	[tilespmem:$0x1EF00] =	vst v63  }
0xc4: {  	s9 =	sadd.s32 $0x400, s9;
	s12 =	sadd.s32 $0x2, s12;
	s16 =	sadd.s32 s6, s15  }
0xc5: {  	[tilespmem:s14], [sflag:$0x4] =	stream.linear.gather [hbm4b:s16+s4], $0x80, $0x38;
	[tilespmem:$0x1EF00] =	vst v63  }
0xc6: {  	_ =	swait.ge [sflag:s29], $0x4000  }
0xc7: {  	[sflag:s29] =	ssyncset.done $0x0  }
0xc8: {  	[sflag:s29] =	ssyncadd.s32 $0xFFFFC000  }
0xc9: {  	_ =	swait.ge [sflag:s30], $0x4000  }
0xca: {  	[sflag:s30] =	ssyncset.done $0x0  }
0xcb: {  	[sflag:s30] =	ssyncadd.s32 $0xFFFFC000  }
0xcc: {  	_ =	swait.ge [sflag:s0], $0x80  }
0xcd: {  	[sflag:s0] =	ssyncset.done $0x0  }
0xce: {  	[sflag:s0] =	ssyncadd.s32 $0xFFFFFF80  }
0xcf: {  	_ =	swait.ge [sflag:s23], $0x80  }
0xd0: {  	[sflag:s23] =	ssyncset.done $0x0  }
0xd1: {  	[sflag:s23] =	ssyncadd.s32 $0xFFFFFF80  }
0xd2: {  	_ =	swait.ge [sflag:s0], $0x80  }
0xd3: {  	[sflag:s0] =	ssyncset.done $0x0  }
0xd4: {  	[sflag:s0] =	ssyncadd.s32 $0xFFFFFF80  }
0xd5: {  	_ =	swait.ge [sflag:s23], $0x80  }
0xd6: {  	[sflag:s23] =	ssyncset.done $0x0  }
0xd7: {  	s9 =	simm.s32 $0x50;
	s11 =	simm.s32 $0x1EC00;
	[sflag:s23] =	ssyncadd.s32 $0xFFFFFF80  }
0xd8: {  	[spmem:s17] =	stream.indirect.scatter.add.f32 [tilespmem:s22], [sflag:$0x5], $0x80, s11, s9, $0xb8;
	[tilespmem:$0x1EF00] =	vst v63  }
0xd9: {  	_ =	swait.ge [sflag:s21], $0x2800  }
0xda: {  	[sflag:s21] =	ssyncset.done $0x0  }
0xdb: {  	[sflag:s21] =	ssyncadd.s32 $0xFFFFD800  }
0xdc: {  	[bflag:$0x0] =	sbarrier.arrive $0xFFFF  }
0xdd: {  	[hbm:s24], [sflag:s10] =	dma.local [spmem:s3], $0x2800  }
0xde: {  	s31 =	sadd.s32 $0x1, s31;
	_ =	swait.ge [sflag:s21], $0x2800  }
0xdf: {  	p1 =	sne.s32 s31, s20;
	[sflag:s21] =	ssyncset.done $0x0  }
.Ltmp1:
0xe0: {  	s3 =	simm.s32 @!p0 $0x5;
	[sflag:s21] =	ssyncadd.s32 $0xFFFFD800;
	(pc) =	sbr.rel @p1 .LBB2_1-.Ltmp1, $4  }
0xe1: {  	[hbm:s19], [sflag:s10] =	dma.local @!p0 [spmem:s7], $0x500  }
0xe2: {  	_ =	swait.ge @!p0 [sflag:s3], $0x500  }
0xe3: {  	[sflag:s3] =	ssyncset.done @!p0 $0x0  }
0xe4: {  	s14 =	smov.u32 s17;
	[sflag:s3] =	ssyncadd.s32 @!p0 $0xFFFFFB00  }
0xe5: {  	_ =	sfence.sel $0x180000  }
0xe6: {  	[bflag:$0x0] =	sbarrier.arrive $0xFFFF  }
0xe7: {  	_ =	strace $0x90000047  }
0xe8: {  	[bflag:$0x2] =	sbarrier.arrive $0xFFFF  }
0xe9: {  	s0 =	rddreg [dreg:$0x4]  }
0xea: {  	s0 =	sadd.s32 @!p0 $0x100000, s0  }
0xeb: {  	[sflag:s0] =	ssyncadd.tile.s32 @!p0 $0x1;
	_ =	shalt  }
.Lfunc_end2:
_tile_overlayer_lowered:
.L_overlay_start_2:
0xec: {  	(tag) =	ssettag $0x2  }
0xed: {  	s0 =	rddreg [dreg:$0x0];
	s2 =	stileid.u32  }
0xee: {  	s1 =	rddreg [dreg:$0x1];
	p0 =	sne.s32 s2, $0x0  }
0xef: {  	s3 =	rddreg [dreg:$0x2];
	[bflag:$0x3] =	sbarrier.arrive $0xFFFF;
	s2 =	simm.s32 @!p0 $0x1C05  }
0xf0: {  	[timem:s3], [sflag:s2] =	dma.local @!p0 [hbm:s0], s1  }
0xf1: {  	s0 =	simm.s32 @!p0 $0x5  }
0xf2: {  	_ =	swait.ge @!p0 [sflag:s0], s1  }
0xf3: {  	s1 =	ssub.s32 @!p0 $0x0, s1;
	[sflag:s0] =	ssyncset.done @!p0 $0x0  }
0xf4: {  	[sflag:s0] =	ssyncadd.s32 @!p0 s1  }
0xf5: {  	[bflag:$0x3] =	sbarrier.arrive $0xFFFF  }
0xf6: {  	_ =	shalt  }

</sc_bundles>
